<compile_context>
chip_gen: v7x
topology: tpu7x:2x2x1
jax: 0.10.2.dev20260603
libtpu: 0.0.44.dev20260713+nightly
codegen_flags: <defaults>
</compile_context>

<pallas_src>
import functools

import jax
import jax.numpy as jnp
from jax import lax
from jax.experimental import pallas as pl
from jax.experimental.pallas import tpu as pltpu
from jax.experimental.pallas import tpu_sc as plsc

NUM_OBJ_CLS = 151
NUM_REL_CLS = 51
REL_PAD = 128
HIDDEN = 512
N_OBJ = 1000
N_PAD = 1024
N_REL = 4096
NMS_THRESH = 0.5

SC_NC = 2
SC_NS = 16
SC_L = 16
SC_NW = SC_NC * SC_NS
BPW = N_REL // SC_NW


def _tc_body(feats_ref, w_obj_ref, b_row_ref, w_objT_ref, featsT_ref, b_col_ref,
             rel_feats_ref, w_relp_ref, b_relp_ref, boxes_ref,
             logits_out, labels_out, relbase_out,
             probT_ref, area_ref, labf_ref, selv_ref):
    C = NUM_OBJ_CLS
    BIG = jnp.int32(2 ** 30)
    logits = jnp.dot(feats_ref[...], w_obj_ref[...],
                     preferred_element_type=jnp.float32) + b_row_ref[...]
    logits_out[...] = logits
    relbase_out[...] = jnp.dot(rel_feats_ref[...], w_relp_ref[...],
                               preferred_element_type=jnp.float32) + b_relp_ref[...]
    lT = jnp.dot(w_objT_ref[...], featsT_ref[...],
                 preferred_element_type=jnp.float32) + b_col_ref[...]
    mx = jnp.max(lT, axis=0, keepdims=True)
    e = jnp.exp(lT - mx)
    p = e / jnp.sum(e, axis=0, keepdims=True)
    cls2 = lax.broadcasted_iota(jnp.int32, (C, N_PAD), 0)
    p = jnp.where(cls2 == 0, 0.0, p)
    probT_ref[...] = p.reshape(C, 8, 128)

    bx = boxes_ref[...]
    area_ref[...] = ((bx[:, 2, :, :] - bx[:, 0, :, :] + 1.0) *
                     (bx[:, 3, :, :] - bx[:, 1, :, :] + 1.0))

    b2 = (lax.broadcasted_iota(jnp.int32, (8, 128), 0) * 128 +
          lax.broadcasted_iota(jnp.int32, (8, 128), 1))
    b2f = b2.astype(jnp.float32)
    BIGF = jnp.float32(3e7)
    Cf = jnp.float32(C)
    labf_ref[...] = jnp.zeros((8, 128), jnp.float32)
    selv_ref[...] = jnp.where(b2 >= N_OBJ, 1.0, 0.0)

    NCH = 8

    def pick_updates(box, cls, selm, lab_ok):
        lab = labf_ref[...]
        labf_ref[...] = jnp.where(lab_ok & selm & (lab == 0.0),
                                  cls.astype(jnp.float32), lab)
        selv_ref[...] = jnp.where(lab_ok & selm, 1.0, selv_ref[...])
        cd = boxes_ref[cls]
        ar = area_ref[cls]
        x1 = cd[0]
        y1 = cd[1]
        x2 = cd[2]
        y2 = cd[3]
        NEG = jnp.float32(-1e30)
        sx1 = jnp.max(jnp.where(selm, x1, NEG))
        sy1 = jnp.max(jnp.where(selm, y1, NEG))
        sx2 = jnp.max(jnp.where(selm, x2, NEG))
        sy2 = jnp.max(jnp.where(selm, y2, NEG))
        sar = jnp.max(jnp.where(selm, ar, NEG))
        iw = jnp.maximum(jnp.minimum(x2, sx2) - jnp.maximum(x1, sx1) + 1.0, 0.0)
        ih = jnp.maximum(jnp.minimum(y2, sy2) - jnp.maximum(y1, sy1) + 1.0, 0.0)
        inter = iw * ih
        iou = inter / (ar + sar - inter)
        iomask = iou >= NMS_THRESH
        newrow = jnp.where(lab_ok & iomask, 0.0, probT_ref[cls])
        probT_ref[cls] = newrow
        return iou

    def body(picks):
        svm = selv_ref[...] > 0.0
        accv = [jnp.full((8, 128), -4.0, jnp.float32) for _ in range(NCH)]
        acci = [jnp.zeros((8, 128), jnp.float32) for _ in range(NCH)]
        for c in range(C):
            row = jnp.where(svm, -1.0, probT_ref[c])
            k = c % NCH
            gt = row > accv[k]
            acci[k] = jnp.where(gt, jnp.float32(c), acci[k])
            accv[k] = jnp.maximum(row, accv[k])
        while len(accv) > 1:
            nv, ni = [], []
            for j in range(0, len(accv), 2):
                va, ia, vb, ib = accv[j], acci[j], accv[j + 1], acci[j + 1]
                gt = va > vb
                eq = va == vb
                ni.append(jnp.where(gt, ia,
                                    jnp.where(eq, jnp.minimum(ia, ib), ib)))
                nv.append(jnp.maximum(va, vb))
            accv, acci = nv, ni
        av, ai = accv[0], acci[0]
        keyf = b2f * Cf + ai
        m = jnp.max(av)
        flat = jnp.min(jnp.where(av == m, keyf, BIGF)).astype(jnp.int32)
        box = flat // C
        cls = flat - box * C
        selm = b2 == box
        iou1 = pick_updates(box, cls, selm, True)
        av2 = jnp.where(selm, -4.0, av)
        m2 = jnp.max(av2)
        flat2 = jnp.min(jnp.where(av2 == m2, keyf, BIGF)).astype(jnp.int32)
        box2 = flat2 // C
        cls2 = flat2 - box2 * C
        selm2 = b2 == box2
        iou1_at2 = jnp.max(jnp.where(selm2, iou1, 0.0))
        ok2 = ((cls2 != cls) | (iou1_at2 < NMS_THRESH)) & (picks < N_OBJ - 2)
        pick_updates(box2, cls2, selm2, ok2)
        return picks + 1 + ok2.astype(jnp.int32)

    lax.while_loop(lambda picks: picks < N_OBJ, body, jnp.int32(0))
    labels_out[...] = labf_ref[...].astype(jnp.int32)


def _run_tc(feats, w_obj, b_row, w_objT, featsT, b_col,
            rel_feats, w_relp, b_relp, boxesT):
    return pl.pallas_call(
        _tc_body,
        out_shape=(
            jax.ShapeDtypeStruct((N_OBJ, NUM_OBJ_CLS), jnp.float32),
            jax.ShapeDtypeStruct((8, 128), jnp.int32),
            jax.ShapeDtypeStruct((N_REL, REL_PAD), jnp.float32),
        ),
        scratch_shapes=[
            pltpu.VMEM((NUM_OBJ_CLS, 8, 128), jnp.float32),
            pltpu.VMEM((NUM_OBJ_CLS, 8, 128), jnp.float32),
            pltpu.VMEM((8, 128), jnp.float32),
            pltpu.VMEM((8, 128), jnp.float32),
        ],
    )(feats, w_obj, b_row, w_objT, featsT, b_col,
      rel_feats, w_relp, b_relp, boxesT)


def _sc_body(pairs0_hbm, pairs1_hbm, labels_hbm, relbase_hbm, freq_hbm, lam_hbm,
             out_hbm, idx0_v, idx1_v, labels_v, flat_v, rows_v, rel_v, lam_v, sem):
    wid = lax.axis_index("s") * SC_NC + lax.axis_index("c")
    base = wid * BPW
    pltpu.sync_copy(pairs0_hbm.at[pl.ds(base, BPW)], idx0_v)
    pltpu.sync_copy(pairs1_hbm.at[pl.ds(base, BPW)], idx1_v)
    pltpu.sync_copy(labels_hbm, labels_v)
    pltpu.sync_copy(lam_hbm, lam_v)
    pltpu.sync_copy(relbase_hbm.at[pl.ds(base, BPW)], rel_v)

    def chunk(j, carry):
        i0 = idx0_v[pl.ds(j * SC_L, SC_L)]
        i1 = idx1_v[pl.ds(j * SC_L, SC_L)]
        s = plsc.load_gather(labels_v, [i0])
        o = plsc.load_gather(labels_v, [i1])
        flat_v[pl.ds(j * SC_L, SC_L)] = s * NUM_OBJ_CLS + o
        return carry

    lax.fori_loop(0, BPW // SC_L, chunk, 0)
    pltpu.async_copy(freq_hbm.at[flat_v], rows_v, sem).wait()
    lam = lam_v[...]

    def addrow(r, carry):
        for k in range(REL_PAD // SC_L):
            sl = pl.ds(k * SC_L, SC_L)
            rel_v[r, sl] = rel_v[r, sl] + lam * rows_v[r, sl]
        return carry

    lax.fori_loop(0, BPW, addrow, 0)
    pltpu.sync_copy(rel_v, out_hbm.at[pl.ds(base, BPW)])


def _make_sc_call():
    return pl.kernel(
        _sc_body,
        mesh=plsc.VectorSubcoreMesh(core_axis_name="c", subcore_axis_name="s"),
        compiler_params=pltpu.CompilerParams(needs_layout_passes=False),
        out_type=jax.ShapeDtypeStruct((N_REL, REL_PAD), jnp.float32),
        scratch_types=[
            pltpu.VMEM((BPW,), jnp.int32),
            pltpu.VMEM((BPW,), jnp.int32),
            pltpu.VMEM((N_PAD,), jnp.int32),
            pltpu.VMEM((BPW,), jnp.int32),
            pltpu.VMEM((BPW, REL_PAD), jnp.float32),
            pltpu.VMEM((BPW, REL_PAD), jnp.float32),
            pltpu.VMEM((SC_L,), jnp.float32),
            pltpu.SemaphoreType.DMA,
        ],
    )


def kernel(obj_feats, rel_feats, boxes_per_cls, rel_pair_idxs,
           W_obj, b_obj, W_rel, b_rel, freq_bias, freq_lambda):
    feats = obj_feats.astype(jnp.float32)
    featsT = jnp.pad(feats.T, ((0, 0), (0, N_PAD - N_OBJ)))
    w_obj = W_obj.astype(jnp.float32)
    b_row = b_obj.reshape(1, NUM_OBJ_CLS)
    b_col = b_obj.reshape(NUM_OBJ_CLS, 1)
    w_relp = jnp.pad(W_rel.astype(jnp.float32), ((0, 0), (0, REL_PAD - NUM_REL_CLS)))
    b_relp = jnp.pad(b_rel, (0, REL_PAD - NUM_REL_CLS)).reshape(1, REL_PAD)
    boxesT = jnp.pad(jnp.transpose(boxes_per_cls, (1, 2, 0)),
                     ((0, 0), (0, 0), (0, N_PAD - N_OBJ))
                     ).reshape(NUM_OBJ_CLS, 4, 8, 128)
    pairs0 = rel_pair_idxs[:, 0].astype(jnp.int32)
    pairs1 = rel_pair_idxs[:, 1].astype(jnp.int32)
    freq_pad = jnp.pad(freq_bias, ((0, 0), (0, REL_PAD - NUM_REL_CLS)))
    lam16 = jnp.broadcast_to(freq_lambda.astype(jnp.float32), (SC_L,))

    obj_logits, labels2d, relbase = _run_tc(
        feats, w_obj, b_row, w_obj.T, featsT, b_col,
        rel_feats.astype(jnp.float32), w_relp, b_relp, boxesT)
    labels_pad = labels2d.reshape(N_PAD)
    rel_out = _make_sc_call()(pairs0, pairs1, labels_pad, relbase,
                              freq_pad, lam16)
    return (obj_logits, rel_out[:, :NUM_REL_CLS], labels_pad[:N_OBJ])

# --- scband reference (transcript-rebuilt; emitter-appended) ---
"""Pipeline reference for scband-bgnnpredictor-49658411877009 (READ-ONLY COPY).

The authoritative reference and input builder live on the scoring server;
editing this copy changes nothing except your own understanding.
"""

import jax, jax.numpy as jnp
import numpy as np

NUM_OBJ_CLS = 151
NUM_REL_CLS = 51
HIDDEN = 512
N_OBJ = 1000
N_REL = 4096
NMS_THRESH = 0.5


def nms_overlaps_ge(boxes, thresh):
    # boxes: [N, C, 4] (x1, y1, x2, y2) -> is_overlap: [N, N, C] bool (IoU >= thresh)
    boxes_c = jnp.transpose(boxes, (1, 0, 2))  # [C, N, 4]

    def per_class(b):
        x1, y1, x2, y2 = b[:, 0], b[:, 1], b[:, 2], b[:, 3]
        area = (x2 - x1 + 1.0) * (y2 - y1 + 1.0)
        ix1 = jnp.maximum(x1[:, None], x1[None, :])
        iy1 = jnp.maximum(y1[:, None], y1[None, :])
        ix2 = jnp.minimum(x2[:, None], x2[None, :])
        iy2 = jnp.minimum(y2[:, None], y2[None, :])
        iw = jnp.clip(ix2 - ix1 + 1.0, 0.0)
        ih = jnp.clip(iy2 - iy1 + 1.0, 0.0)
        inter = iw * ih
        iou = inter / (area[:, None] + area[None, :] - inter)
        return iou >= thresh

    ov = jax.lax.map(per_class, boxes_c)  # [C, N, N]
    return jnp.transpose(ov, (1, 2, 0))  # [N, N, C]


def obj_prediction_nms(boxes_per_cls, pred_logits, nms_thresh=0.5):
    # Faithful jax port of SGG obj_prediction_nms (greedy per-box class NMS).
    N, C = pred_logits.shape
    is_overlap = nms_overlaps_ge(boxes_per_cls, nms_thresh)  # [N, N, C] bool
    prob = jax.nn.softmax(pred_logits, axis=1)
    prob = prob.at[:, 0].set(0.0)  # zero out background class
    pred_label = jnp.zeros((N,), dtype=jnp.int32)

    def body(i, state):
        prob, pred_label = state
        flat = jnp.argmax(prob)
        box_ind = flat // C
        cls_ind = flat % C
        cur = pred_label[box_ind]
        new_lbl = jnp.where(cur > 0, cur, cls_ind.astype(jnp.int32))
        pred_label = pred_label.at[box_ind].set(new_lbl)
        mask = is_overlap[box_ind, :, cls_ind]  # [N]
        col = jnp.where(mask, 0.0, prob[:, cls_ind])
        prob = prob.at[:, cls_ind].set(col)
        prob = prob.at[box_ind].set(-1.0)
        return (prob, pred_label)

    prob, pred_label = jax.lax.fori_loop(0, N, body, (prob, pred_label))
    return pred_label


def setup_inputs(seed: int = 0) -> dict:
    key = jax.random.key(seed)
    ks = jax.random.split(key, 10)
    obj_feats = jax.random.normal(ks[0], (N_OBJ, HIDDEN), dtype=jnp.float32)
    rel_feats = jax.random.normal(ks[1], (N_REL, HIDDEN), dtype=jnp.float32)
    # valid per-class boxes (x1 < x2, y1 < y2) in a ~1000px image
    ctr = jax.random.uniform(ks[2], (N_OBJ, NUM_OBJ_CLS, 2), dtype=jnp.float32) * 800.0
    wh = jax.random.uniform(ks[3], (N_OBJ, NUM_OBJ_CLS, 2), dtype=jnp.float32) * 190.0 + 10.0
    boxes_per_cls = jnp.concatenate([ctr, ctr + wh], axis=-1)
    rel_pair_idxs = jax.random.randint(ks[4], (N_REL, 2), 0, N_OBJ, dtype=jnp.int64)
    W_obj = jax.random.normal(ks[5], (HIDDEN, NUM_OBJ_CLS), dtype=jnp.float32) * 0.02
    b_obj = jnp.zeros((NUM_OBJ_CLS,), dtype=jnp.float32)
    W_rel = jax.random.normal(ks[6], (HIDDEN, NUM_REL_CLS), dtype=jnp.float32) * 0.02
    b_rel = jnp.zeros((NUM_REL_CLS,), dtype=jnp.float32)
    freq_bias = jax.random.normal(ks[7], (NUM_OBJ_CLS * NUM_OBJ_CLS, NUM_REL_CLS), dtype=jnp.float32) * 0.01
    freq_lambda = jnp.ones((1,), dtype=jnp.float32)
    return {
        "obj_feats": obj_feats,
        "rel_feats": rel_feats,
        "boxes_per_cls": boxes_per_cls,
        "rel_pair_idxs": rel_pair_idxs,
        "W_obj": W_obj,
        "b_obj": b_obj,
        "W_rel": W_rel,
        "b_rel": b_rel,
        "freq_bias": freq_bias,
        "freq_lambda": freq_lambda,
    }


def reference(obj_feats, rel_feats, boxes_per_cls, rel_pair_idxs, W_obj, b_obj, W_rel, b_rel, freq_bias, freq_lambda):
    # obj / rel classifiers
    refined_obj_logits = obj_feats @ W_obj + b_obj  # [N, 151]
    rel_cls_logits = rel_feats @ W_rel + b_rel      # [R, 51]
    # sgdet branch: per-class NMS to refine object labels
    obj_pred_labels = obj_prediction_nms(boxes_per_cls, refined_obj_logits, NMS_THRESH)
    # frequency bias: gather pair label predictions, index bias table
    sub = obj_pred_labels[rel_pair_idxs[:, 0]]
    obj = obj_pred_labels[rel_pair_idxs[:, 1]]
    pair_flat = sub.astype(jnp.int32) * NUM_OBJ_CLS + obj.astype(jnp.int32)
    rel_cls_logits = rel_cls_logits + freq_lambda * jnp.take(freq_bias, pair_flat, axis=0)
    return (refined_obj_logits, rel_cls_logits, obj_pred_labels)

if __name__ == "__main__":
    import jax
    _d = setup_inputs()
    print(jax.jit(kernel)(*tuple(_d.values())))

</pallas_src>

<mosaic_0001>
#map = affine_map<(d0, d1) -> (0)>
#map1 = affine_map<(d0, d1) -> (0, 0)>
module attributes {stable_mosaic.version = 14 : i64} {
  func.func @_sc_body(%arg0: i32, %arg1: i32, %arg2: memref<4096xi32, #tpu.memory_space<hbm>>, %arg3: memref<4096xi32, #tpu.memory_space<hbm>>, %arg4: memref<1024xi32, #tpu.memory_space<hbm>>, %arg5: memref<4096x128xf32, #tpu.memory_space<hbm>>, %arg6: memref<22801x128xf32, #tpu.memory_space<hbm>>, %arg7: memref<16xf32, #tpu.memory_space<hbm>>, %arg8: memref<4096x128xf32, #tpu.memory_space<hbm>>, %arg9: memref<128xi32, #tpu.memory_space<vmem>>, %arg10: memref<128xi32, #tpu.memory_space<vmem>>, %arg11: memref<1024xi32, #tpu.memory_space<vmem>>, %arg12: memref<128xi32, #tpu.memory_space<vmem>>, %arg13: memref<128x128xf32, #tpu.memory_space<vmem>>, %arg14: memref<128x128xf32, #tpu.memory_space<vmem>>, %arg15: memref<16xf32, #tpu.memory_space<vmem>>, %arg16: memref<!tpu.dma_semaphore, #tpu.memory_space<semaphore_mem>>) attributes {dimension_semantics = [#tpu.dimension_semantics<core_parallel>, #tpu.dimension_semantics<subcore_parallel>], iteration_bounds = array<i64: 2, 16>, scalar_prefetch = 0 : i64, scratch_operands = 8 : i64, tpu.core_type = #tpu.core_type<sc_vector_subcore>, window_params = [{transform_indices = #map}, {transform_indices = #map}, {transform_indices = #map}, {transform_indices = #map1}, {transform_indices = #map1}, {transform_indices = #map}, {transform_indices = #map1}]} {
    %mul3A = arith.constant 2 : i32
    %mul3A_0 = arith.muli %arg1, %mul3A : i32
    %add3A = arith.addi %mul3A_0, %arg0 : i32
    %mul3A_1 = arith.constant 128 : i32
    %mul3A_2 = arith.muli %add3A, %mul3A_1 : i32
    "tpu.region"() ({
      %run_scoped3A = tpu.sem_alloc : memref<!tpu.dma_semaphore, #tpu.memory_space<semaphore_mem>>
      %dma_start3A_19 = tpu.memref_slice %arg2[%mul3A_2] : memref<4096xi32, #tpu.memory_space<hbm>> -> memref<128xi32, #tpu.memory_space<hbm>>
      %dma_start3A_20 = tpu.memref_slice %arg2[%mul3A_2] : memref<4096xi32, #tpu.memory_space<hbm>> -> memref<128xi32, #tpu.memory_space<hbm>>
      tpu.enqueue_dma source(%dma_start3A_20 : memref<128xi32, #tpu.memory_space<hbm>>) target(%arg9 : memref<128xi32, #tpu.memory_space<vmem>>) target_semaphore(%run_scoped3A : memref<!tpu.dma_semaphore, #tpu.memory_space<semaphore_mem>>)
      %dma_wait3A_21 = tpu.memref_slice %arg2[%mul3A_2] : memref<4096xi32, #tpu.memory_space<hbm>> -> memref<128xi32, #tpu.memory_space<hbm>>
      %dma_wait3A_22 = tpu.memref_slice %arg2[%mul3A_2] : memref<4096xi32, #tpu.memory_space<hbm>> -> memref<128xi32, #tpu.memory_space<hbm>>
      tpu.wait_dma2 semaphore(%run_scoped3A : memref<!tpu.dma_semaphore, #tpu.memory_space<semaphore_mem>>) src(%dma_wait3A_22 : memref<128xi32, #tpu.memory_space<hbm>>) dst(%arg9 : memref<128xi32, #tpu.memory_space<vmem>>)
      tpu.yield
    }) : () -> ()
    "tpu.region"() ({
      %run_scoped3A = tpu.sem_alloc : memref<!tpu.dma_semaphore, #tpu.memory_space<semaphore_mem>>
      %dma_start3A_19 = tpu.memref_slice %arg3[%mul3A_2] : memref<4096xi32, #tpu.memory_space<hbm>> -> memref<128xi32, #tpu.memory_space<hbm>>
      %dma_start3A_20 = tpu.memref_slice %arg3[%mul3A_2] : memref<4096xi32, #tpu.memory_space<hbm>> -> memref<128xi32, #tpu.memory_space<hbm>>
      tpu.enqueue_dma source(%dma_start3A_20 : memref<128xi32, #tpu.memory_space<hbm>>) target(%arg10 : memref<128xi32, #tpu.memory_space<vmem>>) target_semaphore(%run_scoped3A : memref<!tpu.dma_semaphore, #tpu.memory_space<semaphore_mem>>)
      %dma_wait3A_21 = tpu.memref_slice %arg3[%mul3A_2] : memref<4096xi32, #tpu.memory_space<hbm>> -> memref<128xi32, #tpu.memory_space<hbm>>
      %dma_wait3A_22 = tpu.memref_slice %arg3[%mul3A_2] : memref<4096xi32, #tpu.memory_space<hbm>> -> memref<128xi32, #tpu.memory_space<hbm>>
      tpu.wait_dma2 semaphore(%run_scoped3A : memref<!tpu.dma_semaphore, #tpu.memory_space<semaphore_mem>>) src(%dma_wait3A_22 : memref<128xi32, #tpu.memory_space<hbm>>) dst(%arg10 : memref<128xi32, #tpu.memory_space<vmem>>)
      tpu.yield
    }) : () -> ()
    "tpu.region"() ({
      %run_scoped3A = tpu.sem_alloc : memref<!tpu.dma_semaphore, #tpu.memory_space<semaphore_mem>>
      tpu.enqueue_dma source(%arg4 : memref<1024xi32, #tpu.memory_space<hbm>>) target(%arg11 : memref<1024xi32, #tpu.memory_space<vmem>>) target_semaphore(%run_scoped3A : memref<!tpu.dma_semaphore, #tpu.memory_space<semaphore_mem>>)
      tpu.wait_dma2 semaphore(%run_scoped3A : memref<!tpu.dma_semaphore, #tpu.memory_space<semaphore_mem>>) src(%arg4 : memref<1024xi32, #tpu.memory_space<hbm>>) dst(%arg11 : memref<1024xi32, #tpu.memory_space<vmem>>)
      tpu.yield
    }) : () -> ()
    "tpu.region"() ({
      %run_scoped3A = tpu.sem_alloc : memref<!tpu.dma_semaphore, #tpu.memory_space<semaphore_mem>>
      tpu.enqueue_dma source(%arg7 : memref<16xf32, #tpu.memory_space<hbm>>) target(%arg15 : memref<16xf32, #tpu.memory_space<vmem>>) target_semaphore(%run_scoped3A : memref<!tpu.dma_semaphore, #tpu.memory_space<semaphore_mem>>)
      tpu.wait_dma2 semaphore(%run_scoped3A : memref<!tpu.dma_semaphore, #tpu.memory_space<semaphore_mem>>) src(%arg7 : memref<16xf32, #tpu.memory_space<hbm>>) dst(%arg15 : memref<16xf32, #tpu.memory_space<vmem>>)
      tpu.yield
    }) : () -> ()
    "tpu.region"() ({
      %run_scoped3A = tpu.sem_alloc : memref<!tpu.dma_semaphore, #tpu.memory_space<semaphore_mem>>
      %dma_start3A_19 = arith.constant 0 : i32
      %dma_start3A_20 = tpu.memref_slice %arg5[%mul3A_2, %dma_start3A_19] : memref<4096x128xf32, #tpu.memory_space<hbm>> -> memref<128x128xf32, #tpu.memory_space<hbm>>
      %dma_start3A_21 = arith.constant 0 : i32
      %dma_start3A_22 = tpu.memref_slice %arg5[%mul3A_2, %dma_start3A_21] : memref<4096x128xf32, #tpu.memory_space<hbm>> -> memref<128x128xf32, #tpu.memory_space<hbm>>
      tpu.enqueue_dma source(%dma_start3A_22 : memref<128x128xf32, #tpu.memory_space<hbm>>) target(%arg14 : memref<128x128xf32, #tpu.memory_space<vmem>>) target_semaphore(%run_scoped3A : memref<!tpu.dma_semaphore, #tpu.memory_space<semaphore_mem>>)
      %dma_wait3A_23 = arith.constant 0 : i32
      %dma_wait3A_24 = tpu.memref_slice %arg5[%mul3A_2, %dma_wait3A_23] : memref<4096x128xf32, #tpu.memory_space<hbm>> -> memref<128x128xf32, #tpu.memory_space<hbm>>
      %dma_wait3A_25 = arith.constant 0 : i32
      %dma_wait3A_26 = tpu.memref_slice %arg5[%mul3A_2, %dma_wait3A_25] : memref<4096x128xf32, #tpu.memory_space<hbm>> -> memref<128x128xf32, #tpu.memory_space<hbm>>
      tpu.wait_dma2 semaphore(%run_scoped3A : memref<!tpu.dma_semaphore, #tpu.memory_space<semaphore_mem>>) src(%dma_wait3A_26 : memref<128x128xf32, #tpu.memory_space<hbm>>) dst(%arg14 : memref<128x128xf32, #tpu.memory_space<vmem>>)
      tpu.yield
    }) : () -> ()
    %scan3A = arith.constant 0 : i32
    %scan3A_3 = arith.constant 0 : i32
    %scan3A_4 = arith.constant 8 : i32
    %scan3A_5 = arith.addi %scan3A_3, %scan3A_4 : i32
    %scan3A_6 = arith.constant 1 : i32
    scf.for %scan3A_19 = %scan3A_3 to %scan3A_5 step %scan3A_6  : i32 {
      %mul3A_20 = arith.constant 16 : i32
      %mul3A_21 = arith.muli %scan3A_19, %mul3A_20 : i32
      %get3A_22 = arith.index_cast %mul3A_21 : i32 to index
      %get3A_23 = tpu.vector_load %arg9[%get3A_22] {strides = array<i32>} : memref<128xi32, #tpu.memory_space<vmem>>, vector<16xi32>,
      %mul3A_24 = arith.constant 16 : i32
      %mul3A_25 = arith.muli %scan3A_19, %mul3A_24 : i32
      %get3A_26 = arith.index_cast %mul3A_25 : i32 to index
      %get3A_27 = tpu.vector_load %arg10[%get3A_26] {strides = array<i32>} : memref<128xi32, #tpu.memory_space<vmem>>, vector<16xi32>,
      %gather3A = tpu.vector_load_idx %arg11[%get3A_23] : memref<1024xi32, #tpu.memory_space<vmem>>[vector<16xi32>], vector<16xi32>,
      %gather3A_28 = tpu.vector_load_idx %arg11[%get3A_27] : memref<1024xi32, #tpu.memory_space<vmem>>[vector<16xi32>], vector<16xi32>,
      %mul3A_29 = arith.constant 151 : i32
      %mul3A_30 = vector.broadcast %mul3A_29 : i32 to vector<16xi32>
      %mul3A_31 = arith.muli %gather3A, %mul3A_30 : vector<16xi32>
      %add3A_32 = arith.addi %mul3A_31, %gather3A_28 : vector<16xi32>
      %mul3A_33 = arith.constant 16 : i32
      %mul3A_34 = arith.muli %scan3A_19, %mul3A_33 : i32
      %swap3A = arith.index_cast %mul3A_34 : i32 to index
      %swap3A_35 = tpu.vector_load %arg12[%swap3A] {strides = array<i32>} : memref<128xi32, #tpu.memory_space<vmem>>, vector<16xi32>,
      tpu.vector_store %arg12[%swap3A], %add3A_32 {strides = array<i32>} : memref<128xi32, #tpu.memory_space<vmem>>, vector<16xi32>,
    }
    %scan3A_7 = arith.constant 8 : i32
    %dma_start3A = arith.constant 0 : i32
    %dma_start3A_8 = arith.constant 0 : i32
    %dma_start3A_9 = tpu.memref_slice %arg6[%dma_start3A, %dma_start3A_8] : memref<22801x128xf32, #tpu.memory_space<hbm>> -> memref<22801x128xf32, #tpu.memory_space<hbm>>
    tpu.enqueue_indirect_dma source(%dma_start3A_9 : memref<22801x128xf32, #tpu.memory_space<hbm>>) target(%arg13 : memref<128x128xf32, #tpu.memory_space<vmem>>) offsets(%arg12 : memref<128xi32, #tpu.memory_space<vmem>>) semaphore(%arg16 : memref<!tpu.dma_semaphore, #tpu.memory_space<semaphore_mem>>)
    %dma_wait3A = arith.constant 0 : i32
    %dma_wait3A_10 = arith.constant 0 : i32
    %dma_wait3A_11 = tpu.memref_slice %arg6[%dma_wait3A, %dma_wait3A_10] : memref<22801x128xf32, #tpu.memory_space<hbm>> -> memref<22801x128xf32, #tpu.memory_space<hbm>>
    tpu.wait_indirect_dma semaphore(%arg16 : memref<!tpu.dma_semaphore, #tpu.memory_space<semaphore_mem>>) src(%dma_wait3A_11 : memref<22801x128xf32, #tpu.memory_space<hbm>>) dst(%arg13 : memref<128x128xf32, #tpu.memory_space<vmem>>)
    %get3A = arith.constant 0 : index
    %get3A_12 = tpu.vector_load %arg15[%get3A] {strides = array<i32>} : memref<16xf32, #tpu.memory_space<vmem>>, vector<16xf32>,
    %scan3A_13 = arith.constant 0 : i32
    %scan3A_14 = arith.constant 0 : i32
    %scan3A_15 = arith.constant 128 : i32
    %scan3A_16 = arith.addi %scan3A_14, %scan3A_15 : i32
    %scan3A_17 = arith.constant 1 : i32
    scf.for %scan3A_19 = %scan3A_14 to %scan3A_16 step %scan3A_17  : i32 {
      %get3A_20 = arith.index_cast %scan3A_19 : i32 to index
      %get3A_21 = arith.constant 0 : index
      %get3A_22 = tpu.vector_load %arg14[%get3A_20, %get3A_21] {strides = array<i32>} : memref<128x128xf32, #tpu.memory_space<vmem>>, vector<16xf32>,
      %get3A_23 = arith.index_cast %scan3A_19 : i32 to index
      %get3A_24 = arith.constant 0 : index
      %get3A_25 = tpu.vector_load %arg13[%get3A_23, %get3A_24] {strides = array<i32>} : memref<128x128xf32, #tpu.memory_space<vmem>>, vector<16xf32>,
      %mul3A_26 = arith.mulf %get3A_12, %get3A_25 : vector<16xf32>
      %add3A_27 = arith.addf %get3A_22, %mul3A_26 : vector<16xf32>
      %swap3A = arith.index_cast %scan3A_19 : i32 to index
      %swap3A_28 = arith.constant 0 : index
      %swap3A_29 = tpu.vector_load %arg14[%swap3A, %swap3A_28] {strides = array<i32>} : memref<128x128xf32, #tpu.memory_space<vmem>>, vector<16xf32>,
      tpu.vector_store %arg14[%swap3A, %swap3A_28], %add3A_27 {strides = array<i32>} : memref<128x128xf32, #tpu.memory_space<vmem>>, vector<16xf32>,
      %get3A_30 = arith.index_cast %scan3A_19 : i32 to index
      %get3A_31 = arith.constant 16 : index
      %get3A_32 = tpu.vector_load %arg14[%get3A_30, %get3A_31] {strides = array<i32>} : memref<128x128xf32, #tpu.memory_space<vmem>>, vector<16xf32>,
      %get3A_33 = arith.index_cast %scan3A_19 : i32 to index
      %get3A_34 = arith.constant 16 : index
      %get3A_35 = tpu.vector_load %arg13[%get3A_33, %get3A_34] {strides = array<i32>} : memref<128x128xf32, #tpu.memory_space<vmem>>, vector<16xf32>,
      %mul3A_36 = arith.mulf %get3A_12, %get3A_35 : vector<16xf32>
      %add3A_37 = arith.addf %get3A_32, %mul3A_36 : vector<16xf32>
      %swap3A_38 = arith.index_cast %scan3A_19 : i32 to index
      %swap3A_39 = arith.constant 16 : index
      %swap3A_40 = tpu.vector_load %arg14[%swap3A_38, %swap3A_39] {strides = array<i32>} : memref<128x128xf32, #tpu.memory_space<vmem>>, vector<16xf32>,
      tpu.vector_store %arg14[%swap3A_38, %swap3A_39], %add3A_37 {strides = array<i32>} : memref<128x128xf32, #tpu.memory_space<vmem>>, vector<16xf32>,
      %get3A_41 = arith.index_cast %scan3A_19 : i32 to index
      %get3A_42 = arith.constant 32 : index
      %get3A_43 = tpu.vector_load %arg14[%get3A_41, %get3A_42] {strides = array<i32>} : memref<128x128xf32, #tpu.memory_space<vmem>>, vector<16xf32>,
      %get3A_44 = arith.index_cast %scan3A_19 : i32 to index
      %get3A_45 = arith.constant 32 : index
      %get3A_46 = tpu.vector_load %arg13[%get3A_44, %get3A_45] {strides = array<i32>} : memref<128x128xf32, #tpu.memory_space<vmem>>, vector<16xf32>,
      %mul3A_47 = arith.mulf %get3A_12, %get3A_46 : vector<16xf32>
      %add3A_48 = arith.addf %get3A_43, %mul3A_47 : vector<16xf32>
      %swap3A_49 = arith.index_cast %scan3A_19 : i32 to index
      %swap3A_50 = arith.constant 32 : index
      %swap3A_51 = tpu.vector_load %arg14[%swap3A_49, %swap3A_50] {strides = array<i32>} : memref<128x128xf32, #tpu.memory_space<vmem>>, vector<16xf32>,
      tpu.vector_store %arg14[%swap3A_49, %swap3A_50], %add3A_48 {strides = array<i32>} : memref<128x128xf32, #tpu.memory_space<vmem>>, vector<16xf32>,
      %get3A_52 = arith.index_cast %scan3A_19 : i32 to index
      %get3A_53 = arith.constant 48 : index
      %get3A_54 = tpu.vector_load %arg14[%get3A_52, %get3A_53] {strides = array<i32>} : memref<128x128xf32, #tpu.memory_space<vmem>>, vector<16xf32>,
      %get3A_55 = arith.index_cast %scan3A_19 : i32 to index
      %get3A_56 = arith.constant 48 : index
      %get3A_57 = tpu.vector_load %arg13[%get3A_55, %get3A_56] {strides = array<i32>} : memref<128x128xf32, #tpu.memory_space<vmem>>, vector<16xf32>,
      %mul3A_58 = arith.mulf %get3A_12, %get3A_57 : vector<16xf32>
      %add3A_59 = arith.addf %get3A_54, %mul3A_58 : vector<16xf32>
      %swap3A_60 = arith.index_cast %scan3A_19 : i32 to index
      %swap3A_61 = arith.constant 48 : index
      %swap3A_62 = tpu.vector_load %arg14[%swap3A_60, %swap3A_61] {strides = array<i32>} : memref<128x128xf32, #tpu.memory_space<vmem>>, vector<16xf32>,
      tpu.vector_store %arg14[%swap3A_60, %swap3A_61], %add3A_59 {strides = array<i32>} : memref<128x128xf32, #tpu.memory_space<vmem>>, vector<16xf32>,
      %get3A_63 = arith.index_cast %scan3A_19 : i32 to index
      %get3A_64 = arith.constant 64 : index
      %get3A_65 = tpu.vector_load %arg14[%get3A_63, %get3A_64] {strides = array<i32>} : memref<128x128xf32, #tpu.memory_space<vmem>>, vector<16xf32>,
      %get3A_66 = arith.index_cast %scan3A_19 : i32 to index
      %get3A_67 = arith.constant 64 : index
      %get3A_68 = tpu.vector_load %arg13[%get3A_66, %get3A_67] {strides = array<i32>} : memref<128x128xf32, #tpu.memory_space<vmem>>, vector<16xf32>,
      %mul3A_69 = arith.mulf %get3A_12, %get3A_68 : vector<16xf32>
      %add3A_70 = arith.addf %get3A_65, %mul3A_69 : vector<16xf32>
      %swap3A_71 = arith.index_cast %scan3A_19 : i32 to index
      %swap3A_72 = arith.constant 64 : index
      %swap3A_73 = tpu.vector_load %arg14[%swap3A_71, %swap3A_72] {strides = array<i32>} : memref<128x128xf32, #tpu.memory_space<vmem>>, vector<16xf32>,
      tpu.vector_store %arg14[%swap3A_71, %swap3A_72], %add3A_70 {strides = array<i32>} : memref<128x128xf32, #tpu.memory_space<vmem>>, vector<16xf32>,
      %get3A_74 = arith.index_cast %scan3A_19 : i32 to index
      %get3A_75 = arith.constant 80 : index
      %get3A_76 = tpu.vector_load %arg14[%get3A_74, %get3A_75] {strides = array<i32>} : memref<128x128xf32, #tpu.memory_space<vmem>>, vector<16xf32>,
      %get3A_77 = arith.index_cast %scan3A_19 : i32 to index
      %get3A_78 = arith.constant 80 : index
      %get3A_79 = tpu.vector_load %arg13[%get3A_77, %get3A_78] {strides = array<i32>} : memref<128x128xf32, #tpu.memory_space<vmem>>, vector<16xf32>,
      %mul3A_80 = arith.mulf %get3A_12, %get3A_79 : vector<16xf32>
      %add3A_81 = arith.addf %get3A_76, %mul3A_80 : vector<16xf32>
      %swap3A_82 = arith.index_cast %scan3A_19 : i32 to index
      %swap3A_83 = arith.constant 80 : index
      %swap3A_84 = tpu.vector_load %arg14[%swap3A_82, %swap3A_83] {strides = array<i32>} : memref<128x128xf32, #tpu.memory_space<vmem>>, vector<16xf32>,
      tpu.vector_store %arg14[%swap3A_82, %swap3A_83], %add3A_81 {strides = array<i32>} : memref<128x128xf32, #tpu.memory_space<vmem>>, vector<16xf32>,
      %get3A_85 = arith.index_cast %scan3A_19 : i32 to index
      %get3A_86 = arith.constant 96 : index
      %get3A_87 = tpu.vector_load %arg14[%get3A_85, %get3A_86] {strides = array<i32>} : memref<128x128xf32, #tpu.memory_space<vmem>>, vector<16xf32>,
      %get3A_88 = arith.index_cast %scan3A_19 : i32 to index
      %get3A_89 = arith.constant 96 : index
      %get3A_90 = tpu.vector_load %arg13[%get3A_88, %get3A_89] {strides = array<i32>} : memref<128x128xf32, #tpu.memory_space<vmem>>, vector<16xf32>,
      %mul3A_91 = arith.mulf %get3A_12, %get3A_90 : vector<16xf32>
      %add3A_92 = arith.addf %get3A_87, %mul3A_91 : vector<16xf32>
      %swap3A_93 = arith.index_cast %scan3A_19 : i32 to index
      %swap3A_94 = arith.constant 96 : index
      %swap3A_95 = tpu.vector_load %arg14[%swap3A_93, %swap3A_94] {strides = array<i32>} : memref<128x128xf32, #tpu.memory_space<vmem>>, vector<16xf32>,
      tpu.vector_store %arg14[%swap3A_93, %swap3A_94], %add3A_92 {strides = array<i32>} : memref<128x128xf32, #tpu.memory_space<vmem>>, vector<16xf32>,
      %get3A_96 = arith.index_cast %scan3A_19 : i32 to index
      %get3A_97 = arith.constant 112 : index
      %get3A_98 = tpu.vector_load %arg14[%get3A_96, %get3A_97] {strides = array<i32>} : memref<128x128xf32, #tpu.memory_space<vmem>>, vector<16xf32>,
      %get3A_99 = arith.index_cast %scan3A_19 : i32 to index
      %get3A_100 = arith.constant 112 : index
      %get3A_101 = tpu.vector_load %arg13[%get3A_99, %get3A_100] {strides = array<i32>} : memref<128x128xf32, #tpu.memory_space<vmem>>, vector<16xf32>,
      %mul3A_102 = arith.mulf %get3A_12, %get3A_101 : vector<16xf32>
      %add3A_103 = arith.addf %get3A_98, %mul3A_102 : vector<16xf32>
      %swap3A_104 = arith.index_cast %scan3A_19 : i32 to index
      %swap3A_105 = arith.constant 112 : index
      %swap3A_106 = tpu.vector_load %arg14[%swap3A_104, %swap3A_105] {strides = array<i32>} : memref<128x128xf32, #tpu.memory_space<vmem>>, vector<16xf32>,
      tpu.vector_store %arg14[%swap3A_104, %swap3A_105], %add3A_103 {strides = array<i32>} : memref<128x128xf32, #tpu.memory_space<vmem>>, vector<16xf32>,
    }
    %scan3A_18 = arith.constant 128 : i32
    "tpu.region"() ({
      %run_scoped3A = tpu.sem_alloc : memref<!tpu.dma_semaphore, #tpu.memory_space<semaphore_mem>>
      %dma_start3A_19 = arith.constant 0 : i32
      %dma_start3A_20 = tpu.memref_slice %arg8[%mul3A_2, %dma_start3A_19] : memref<4096x128xf32, #tpu.memory_space<hbm>> -> memref<128x128xf32, #tpu.memory_space<hbm>>
      %dma_start3A_21 = arith.constant 0 : i32
      %dma_start3A_22 = tpu.memref_slice %arg8[%mul3A_2, %dma_start3A_21] : memref<4096x128xf32, #tpu.memory_space<hbm>> -> memref<128x128xf32, #tpu.memory_space<hbm>>
      tpu.enqueue_dma source(%arg14 : memref<128x128xf32, #tpu.memory_space<vmem>>) target(%dma_start3A_22 : memref<128x128xf32, #tpu.memory_space<hbm>>) target_semaphore(%run_scoped3A : memref<!tpu.dma_semaphore, #tpu.memory_space<semaphore_mem>>)
      %dma_wait3A_23 = arith.constant 0 : i32
      %dma_wait3A_24 = tpu.memref_slice %arg8[%mul3A_2, %dma_wait3A_23] : memref<4096x128xf32, #tpu.memory_space<hbm>> -> memref<128x128xf32, #tpu.memory_space<hbm>>
      %dma_wait3A_25 = arith.constant 0 : i32
      %dma_wait3A_26 = tpu.memref_slice %arg8[%mul3A_2, %dma_wait3A_25] : memref<4096x128xf32, #tpu.memory_space<hbm>> -> memref<128x128xf32, #tpu.memory_space<hbm>>
      tpu.wait_dma2 semaphore(%run_scoped3A : memref<!tpu.dma_semaphore, #tpu.memory_space<semaphore_mem>>) src(%arg14 : memref<128x128xf32, #tpu.memory_space<vmem>>) dst(%dma_wait3A_26 : memref<128x128xf32, #tpu.memory_space<hbm>>)
      tpu.yield
    }) : () -> ()
    return
  }
}

module attributes {stable_mosaic.version = 14 : i64} {
  func.func @_tc_body(%arg0: memref<1000x512xf32, #tpu.memory_space<vmem>>, %arg1: memref<512x151xf32, #tpu.memory_space<vmem>>, %arg2: memref<1x151xf32, #tpu.memory_space<vmem>>, %arg3: memref<151x512xf32, #tpu.memory_space<vmem>>, %arg4: memref<512x1024xf32, #tpu.memory_space<vmem>>, %arg5: memref<151x1xf32, #tpu.memory_space<vmem>>, %arg6: memref<4096x512xf32, #tpu.memory_space<vmem>>, %arg7: memref<512x128xf32, #tpu.memory_space<vmem>>, %arg8: memref<1x128xf32, #tpu.memory_space<vmem>>, %arg9: memref<151x4x8x128xf32, #tpu.memory_space<vmem>>, %arg10: memref<1000x151xf32, #tpu.memory_space<vmem>>, %arg11: memref<8x128xi32, #tpu.memory_space<vmem>>, %arg12: memref<4096x128xf32, #tpu.memory_space<vmem>>, %arg13: memref<151x8x128xf32, #tpu.memory_space<vmem>>, %arg14: memref<151x8x128xf32, #tpu.memory_space<vmem>>, %arg15: memref<8x128xf32, #tpu.memory_space<vmem>>, %arg16: memref<8x128xf32, #tpu.memory_space<vmem>>) attributes {dimension_semantics = [], scalar_prefetch = 0 : i64, scratch_operands = 4 : i64, tpu.core_type = #tpu.core_type<tc>} {
    %get3A = arith.constant 0 : index
    %get3A_0 = arith.constant 0 : index
    %get3A_1 = vector.load %arg0[%get3A, %get3A_0] : memref<1000x512xf32, #tpu.memory_space<vmem>>, vector<1000x512xf32>
    %get3A_2 = arith.constant 0 : index
    %get3A_3 = arith.constant 0 : index
    %get3A_4 = vector.load %arg1[%get3A_2, %get3A_3] : memref<512x151xf32, #tpu.memory_space<vmem>>, vector<512x151xf32>
    %dot_general3A = arith.constant dense<0.000000e+00> : vector<1000x151xf32>
    %dot_general3A_5 = tpu.matmul %get3A_1, %get3A_4, %dot_general3A {dimension_numbers = #tpu.dot_dimension_numbers<[1], [0], [0], [1], [0, 0, 1, 1], [], []>, transpose_lhs_hint = false} : vector<1000x512xf32>, vector<512x151xf32>, vector<1000x151xf32> -> vector<1000x151xf32>
    %get3A_6 = arith.constant 0 : index
    %get3A_7 = arith.constant 0 : index
    %get3A_8 = vector.load %arg2[%get3A_6, %get3A_7] : memref<1x151xf32, #tpu.memory_space<vmem>>, vector<1x151xf32>
    %add3A = vector.broadcast %get3A_8 : vector<1x151xf32> to vector<1000x151xf32>
    %add3A_9 = arith.addf %dot_general3A_5, %add3A : vector<1000x151xf32>
    %swap3A = arith.constant 0 : index
    %swap3A_10 = arith.constant 0 : index
    %swap3A_11 = vector.load %arg10[%swap3A, %swap3A_10] : memref<1000x151xf32, #tpu.memory_space<vmem>>, vector<1000x151xf32>
    tpu.vector_store %arg10[%swap3A, %swap3A_10], %add3A_9 {strides = array<i32>} : memref<1000x151xf32, #tpu.memory_space<vmem>>, vector<1000x151xf32>,
    %get3A_12 = arith.constant 0 : index
    %get3A_13 = arith.constant 0 : index
    %get3A_14 = vector.load %arg6[%get3A_12, %get3A_13] : memref<4096x512xf32, #tpu.memory_space<vmem>>, vector<4096x512xf32>
    %get3A_15 = arith.constant 0 : index
    %get3A_16 = arith.constant 0 : index
    %get3A_17 = vector.load %arg7[%get3A_15, %get3A_16] : memref<512x128xf32, #tpu.memory_space<vmem>>, vector<512x128xf32>
    %dot_general3A_18 = arith.constant dense<0.000000e+00> : vector<4096x128xf32>
    %dot_general3A_19 = tpu.matmul %get3A_14, %get3A_17, %dot_general3A_18 {dimension_numbers = #tpu.dot_dimension_numbers<[1], [0], [0], [1], [0, 0, 1, 1], [], []>, transpose_lhs_hint = false} : vector<4096x512xf32>, vector<512x128xf32>, vector<4096x128xf32> -> vector<4096x128xf32>
    %get3A_20 = arith.constant 0 : index
    %get3A_21 = arith.constant 0 : index
    %get3A_22 = vector.load %arg8[%get3A_20, %get3A_21] : memref<1x128xf32, #tpu.memory_space<vmem>>, vector<1x128xf32>
    %add3A_23 = vector.broadcast %get3A_22 : vector<1x128xf32> to vector<4096x128xf32>
    %add3A_24 = arith.addf %dot_general3A_19, %add3A_23 : vector<4096x128xf32>
    %swap3A_25 = arith.constant 0 : index
    %swap3A_26 = arith.constant 0 : index
    %swap3A_27 = vector.load %arg12[%swap3A_25, %swap3A_26] : memref<4096x128xf32, #tpu.memory_space<vmem>>, vector<4096x128xf32>
    tpu.vector_store %arg12[%swap3A_25, %swap3A_26], %add3A_24 {strides = array<i32>} : memref<4096x128xf32, #tpu.memory_space<vmem>>, vector<4096x128xf32>,
    %get3A_28 = arith.constant 0 : index
    %get3A_29 = arith.constant 0 : index
    %get3A_30 = vector.load %arg3[%get3A_28, %get3A_29] : memref<151x512xf32, #tpu.memory_space<vmem>>, vector<151x512xf32>
    %get3A_31 = arith.constant 0 : index
    %get3A_32 = arith.constant 0 : index
    %get3A_33 = vector.load %arg4[%get3A_31, %get3A_32] : memref<512x1024xf32, #tpu.memory_space<vmem>>, vector<512x1024xf32>
    %dot_general3A_34 = arith.constant dense<0.000000e+00> : vector<151x1024xf32>
    %dot_general3A_35 = tpu.matmul %get3A_30, %get3A_33, %dot_general3A_34 {dimension_numbers = #tpu.dot_dimension_numbers<[1], [0], [0], [1], [0, 0, 1, 1], [], []>, transpose_lhs_hint = false} : vector<151x512xf32>, vector<512x1024xf32>, vector<151x1024xf32> -> vector<151x1024xf32>
    %get3A_36 = arith.constant 0 : index
    %get3A_37 = arith.constant 0 : index
    %get3A_38 = vector.load %arg5[%get3A_36, %get3A_37] : memref<151x1xf32, #tpu.memory_space<vmem>>, vector<151x1xf32>
    %add3A_39 = vector.broadcast %get3A_38 : vector<151x1xf32> to vector<151x1024xf32>
    %add3A_40 = arith.addf %dot_general3A_35, %add3A_39 : vector<151x1024xf32>
    %reduce_max3A = arith.constant dense<0xFF800000> : vector<1024xf32>
    %reduce_max3A_41 = vector.multi_reduction <maximumf>, %add3A_40, %reduce_max3A [0] : vector<151x1024xf32> to vector<1024xf32>
    %broadcast_in_dim3A = vector.shape_cast %reduce_max3A_41 : vector<1024xf32> to vector<1x1024xf32>
    %sub3A = vector.broadcast %broadcast_in_dim3A : vector<1x1024xf32> to vector<151x1024xf32>
    %sub3A_42 = arith.subf %add3A_40, %sub3A : vector<151x1024xf32>
    %exp3A = math.exp %sub3A_42 : vector<151x1024xf32>
    %reduce_sum3A = arith.constant dense<0.000000e+00> : vector<1024xf32>
    %reduce_sum3A_43 = vector.multi_reduction <add>, %exp3A, %reduce_sum3A [0] : vector<151x1024xf32> to vector<1024xf32>
    %broadcast_in_dim3A_44 = vector.shape_cast %reduce_sum3A_43 : vector<1024xf32> to vector<1x1024xf32>
    %div3A = vector.broadcast %broadcast_in_dim3A_44 : vector<1x1024xf32> to vector<151x1024xf32>
    %div3A_45 = arith.divf %exp3A, %div3A : vector<151x1024xf32>
    %iota3A = tpu.iota {dimensions = array<i32: 0>} : vector<151x1024xi32>
    %eq3A = arith.constant 0 : i32
    %eq3A_46 = vector.broadcast %eq3A : i32 to vector<151x1024xi32>
    %eq3A_47 = arith.cmpi eq, %iota3A, %eq3A_46 : vector<151x1024xi32>
    %jit3A = arith.constant 0.000000e+00 : f32
    %broadcast_in_dim3A_48 = vector.broadcast %jit3A : f32 to vector<151x1024xf32>
    %select_n3A = arith.select %eq3A_47, %broadcast_in_dim3A_48, %div3A_45 : vector<151x1024xi1>, vector<151x1024xf32>
    %reshape3A = vector.shape_cast %select_n3A : vector<151x1024xf32> to vector<151x8x128xf32>
    %swap3A_49 = arith.constant 0 : index
    %swap3A_50 = arith.constant 0 : index
    %swap3A_51 = arith.constant 0 : index
    %swap3A_52 = vector.load %arg13[%swap3A_49, %swap3A_50, %swap3A_51] : memref<151x8x128xf32, #tpu.memory_space<vmem>>, vector<151x8x128xf32>
    tpu.vector_store %arg13[%swap3A_49, %swap3A_50, %swap3A_51], %reshape3A {strides = array<i32>} : memref<151x8x128xf32, #tpu.memory_space<vmem>>, vector<151x8x128xf32>,
    %get3A_53 = arith.constant 0 : index
    %get3A_54 = arith.constant 0 : index
    %get3A_55 = arith.constant 0 : index
    %get3A_56 = arith.constant 0 : index
    %get3A_57 = vector.load %arg9[%get3A_53, %get3A_54, %get3A_55, %get3A_56] : memref<151x4x8x128xf32, #tpu.memory_space<vmem>>, vector<151x4x8x128xf32>
    %slice3A = vector.extract_strided_slice %get3A_57 {offsets = [0, 2, 0, 0], sizes = [151, 1, 8, 128], strides = [1, 1, 1, 1]} : vector<151x4x8x128xf32> to vector<151x1x8x128xf32>
    %squeeze3A = vector.shape_cast %slice3A : vector<151x1x8x128xf32> to vector<151x8x128xf32>
    %slice3A_58 = vector.extract_strided_slice %get3A_57 {offsets = [0, 0, 0, 0], sizes = [151, 1, 8, 128], strides = [1, 1, 1, 1]} : vector<151x4x8x128xf32> to vector<151x1x8x128xf32>
    %squeeze3A_59 = vector.shape_cast %slice3A_58 : vector<151x1x8x128xf32> to vector<151x8x128xf32>
    %sub3A_60 = arith.subf %squeeze3A, %squeeze3A_59 : vector<151x8x128xf32>
    %add3A_61 = arith.constant 1.000000e+00 : f32
    %add3A_62 = vector.broadcast %add3A_61 : f32 to vector<151x8x128xf32>
    %add3A_63 = arith.addf %sub3A_60, %add3A_62 : vector<151x8x128xf32>
    %slice3A_64 = vector.extract_strided_slice %get3A_57 {offsets = [0, 3, 0, 0], sizes = [151, 1, 8, 128], strides = [1, 1, 1, 1]} : vector<151x4x8x128xf32> to vector<151x1x8x128xf32>
    %squeeze3A_65 = vector.shape_cast %slice3A_64 : vector<151x1x8x128xf32> to vector<151x8x128xf32>
    %slice3A_66 = vector.extract_strided_slice %get3A_57 {offsets = [0, 1, 0, 0], sizes = [151, 1, 8, 128], strides = [1, 1, 1, 1]} : vector<151x4x8x128xf32> to vector<151x1x8x128xf32>
    %squeeze3A_67 = vector.shape_cast %slice3A_66 : vector<151x1x8x128xf32> to vector<151x8x128xf32>
    %sub3A_68 = arith.subf %squeeze3A_65, %squeeze3A_67 : vector<151x8x128xf32>
    %add3A_69 = arith.constant 1.000000e+00 : f32
    %add3A_70 = vector.broadcast %add3A_69 : f32 to vector<151x8x128xf32>
    %add3A_71 = arith.addf %sub3A_68, %add3A_70 : vector<151x8x128xf32>
    %mul3A = arith.mulf %add3A_63, %add3A_71 : vector<151x8x128xf32>
    %swap3A_72 = arith.constant 0 : index
    %swap3A_73 = arith.constant 0 : index
    %swap3A_74 = arith.constant 0 : index
    %swap3A_75 = vector.load %arg14[%swap3A_72, %swap3A_73, %swap3A_74] : memref<151x8x128xf32, #tpu.memory_space<vmem>>, vector<151x8x128xf32>
    tpu.vector_store %arg14[%swap3A_72, %swap3A_73, %swap3A_74], %mul3A {strides = array<i32>} : memref<151x8x128xf32, #tpu.memory_space<vmem>>, vector<151x8x128xf32>,
    %iota3A_76 = tpu.iota {dimensions = array<i32: 0>} : vector<8x128xi32>
    %mul3A_77 = arith.constant 128 : i32
    %mul3A_78 = vector.broadcast %mul3A_77 : i32 to vector<8x128xi32>
    %mul3A_79 = arith.muli %iota3A_76, %mul3A_78 : vector<8x128xi32>
    %iota3A_80 = tpu.iota {dimensions = array<i32: 1>} : vector<8x128xi32>
    %add3A_81 = arith.addi %mul3A_79, %iota3A_80 : vector<8x128xi32>
    %convert_element_type3A = arith.sitofp %add3A_81 : vector<8x128xi32> to vector<8x128xf32>
    %broadcast_in_dim3A_82 = arith.constant 0.000000e+00 : f32
    %broadcast_in_dim3A_83 = vector.broadcast %broadcast_in_dim3A_82 : f32 to vector<8x128xf32>
    %swap3A_84 = arith.constant 0 : index
    %swap3A_85 = arith.constant 0 : index
    %swap3A_86 = vector.load %arg15[%swap3A_84, %swap3A_85] : memref<8x128xf32, #tpu.memory_space<vmem>>, vector<8x128xf32>
    tpu.vector_store %arg15[%swap3A_84, %swap3A_85], %broadcast_in_dim3A_83 {strides = array<i32>} : memref<8x128xf32, #tpu.memory_space<vmem>>, vector<8x128xf32>,
    %ge3A = arith.constant 1000 : i32
    %ge3A_87 = vector.broadcast %ge3A : i32 to vector<8x128xi32>
    %ge3A_88 = arith.cmpi sge, %add3A_81, %ge3A_87 : vector<8x128xi32>
    %jit3A_89 = arith.constant 1.000000e+00 : f32
    %jit3A_90 = arith.constant 0.000000e+00 : f32
    %broadcast_in_dim3A_91 = vector.broadcast %jit3A_89 : f32 to vector<8x128xf32>
    %broadcast_in_dim3A_92 = vector.broadcast %jit3A_90 : f32 to vector<8x128xf32>
    %select_n3A_93 = arith.select %ge3A_88, %broadcast_in_dim3A_91, %broadcast_in_dim3A_92 : vector<8x128xi1>, vector<8x128xf32>
    %swap3A_94 = arith.constant 0 : index
    %swap3A_95 = arith.constant 0 : index
    %swap3A_96 = vector.load %arg16[%swap3A_94, %swap3A_95] : memref<8x128xf32, #tpu.memory_space<vmem>>, vector<8x128xf32>
    tpu.vector_store %arg16[%swap3A_94, %swap3A_95], %select_n3A_93 {strides = array<i32>} : memref<8x128xf32, #tpu.memory_space<vmem>>, vector<8x128xf32>,
    %while3A = arith.constant 1.510000e+02 : f32
    %while3A_97 = arith.constant 3.000000e+07 : f32
    %while3A_98 = arith.constant 0 : i32
    %while3A_99 = scf.while (%while3A_107 = %while3A_98) : (i32) -> i32 {
      %lt3A = arith.constant 1000 : i32
      %lt3A_108 = arith.cmpi slt, %while3A_107, %lt3A : i32
      scf.condition(%lt3A_108) %while3A_107 : i32
    } do {
    ^bb0(%while3A_107: i32):
      %get3A_108 = arith.constant 0 : index
      %get3A_109 = arith.constant 0 : index
      %get3A_110 = vector.load %arg16[%get3A_108, %get3A_109] : memref<8x128xf32, #tpu.memory_space<vmem>>, vector<8x128xf32>
      %gt3A = arith.constant 0.000000e+00 : f32
      %gt3A_111 = vector.broadcast %gt3A : f32 to vector<8x128xf32>
      %gt3A_112 = arith.cmpf ogt, %get3A_110, %gt3A_111 : vector<8x128xf32>
      %broadcast_in_dim3A_113 = arith.constant -4.000000e+00 : f32
      %broadcast_in_dim3A_114 = vector.broadcast %broadcast_in_dim3A_113 : f32 to vector<8x128xf32>
      %broadcast_in_dim3A_115 = arith.constant -4.000000e+00 : f32
      %broadcast_in_dim3A_116 = vector.broadcast %broadcast_in_dim3A_115 : f32 to vector<8x128xf32>
      %broadcast_in_dim3A_117 = arith.constant -4.000000e+00 : f32
      %broadcast_in_dim3A_118 = vector.broadcast %broadcast_in_dim3A_117 : f32 to vector<8x128xf32>
      %broadcast_in_dim3A_119 = arith.constant -4.000000e+00 : f32
      %broadcast_in_dim3A_120 = vector.broadcast %broadcast_in_dim3A_119 : f32 to vector<8x128xf32>
      %broadcast_in_dim3A_121 = arith.constant -4.000000e+00 : f32
      %broadcast_in_dim3A_122 = vector.broadcast %broadcast_in_dim3A_121 : f32 to vector<8x128xf32>
      %broadcast_in_dim3A_123 = arith.constant -4.000000e+00 : f32
      %broadcast_in_dim3A_124 = vector.broadcast %broadcast_in_dim3A_123 : f32 to vector<8x128xf32>
      %broadcast_in_dim3A_125 = arith.constant -4.000000e+00 : f32
      %broadcast_in_dim3A_126 = vector.broadcast %broadcast_in_dim3A_125 : f32 to vector<8x128xf32>
      %broadcast_in_dim3A_127 = arith.constant -4.000000e+00 : f32
      %broadcast_in_dim3A_128 = vector.broadcast %broadcast_in_dim3A_127 : f32 to vector<8x128xf32>
      %broadcast_in_dim3A_129 = arith.constant 0.000000e+00 : f32
      %broadcast_in_dim3A_130 = vector.broadcast %broadcast_in_dim3A_129 : f32 to vector<8x128xf32>
      %broadcast_in_dim3A_131 = arith.constant 0.000000e+00 : f32
      %broadcast_in_dim3A_132 = vector.broadcast %broadcast_in_dim3A_131 : f32 to vector<8x128xf32>
      %broadcast_in_dim3A_133 = arith.constant 0.000000e+00 : f32
      %broadcast_in_dim3A_134 = vector.broadcast %broadcast_in_dim3A_133 : f32 to vector<8x128xf32>
      %broadcast_in_dim3A_135 = arith.constant 0.000000e+00 : f32
      %broadcast_in_dim3A_136 = vector.broadcast %broadcast_in_dim3A_135 : f32 to vector<8x128xf32>
      %broadcast_in_dim3A_137 = arith.constant 0.000000e+00 : f32
      %broadcast_in_dim3A_138 = vector.broadcast %broadcast_in_dim3A_137 : f32 to vector<8x128xf32>
      %broadcast_in_dim3A_139 = arith.constant 0.000000e+00 : f32
      %broadcast_in_dim3A_140 = vector.broadcast %broadcast_in_dim3A_139 : f32 to vector<8x128xf32>
      %broadcast_in_dim3A_141 = arith.constant 0.000000e+00 : f32
      %broadcast_in_dim3A_142 = vector.broadcast %broadcast_in_dim3A_141 : f32 to vector<8x128xf32>
      %broadcast_in_dim3A_143 = arith.constant 0.000000e+00 : f32
      %broadcast_in_dim3A_144 = vector.broadcast %broadcast_in_dim3A_143 : f32 to vector<8x128xf32>
      %get3A_145 = arith.constant 0 : index
      %get3A_146 = arith.constant 0 : index
      %get3A_147 = arith.constant 0 : index
      %get3A_148 = vector.load %arg13[%get3A_145, %get3A_146, %get3A_147] : memref<151x8x128xf32, #tpu.memory_space<vmem>>, vector<1x8x128xf32>
      %get3A_149 = vector.shape_cast %get3A_148 : vector<1x8x128xf32> to vector<8x128xf32>
      %jit3A_150 = arith.constant -1.000000e+00 : f32
      %broadcast_in_dim3A_151 = vector.broadcast %jit3A_150 : f32 to vector<8x128xf32>
      %select_n3A_152 = arith.select %gt3A_112, %broadcast_in_dim3A_151, %get3A_149 : vector<8x128xi1>, vector<8x128xf32>
      %gt3A_153 = arith.cmpf ogt, %select_n3A_152, %broadcast_in_dim3A_114 : vector<8x128xf32>
      %jit3A_154 = arith.constant 0.000000e+00 : f32
      %broadcast_in_dim3A_155 = vector.broadcast %jit3A_154 : f32 to vector<8x128xf32>
      %select_n3A_156 = arith.select %gt3A_153, %broadcast_in_dim3A_155, %broadcast_in_dim3A_130 : vector<8x128xi1>, vector<8x128xf32>
      %max3A = arith.maximumf %select_n3A_152, %broadcast_in_dim3A_114 : vector<8x128xf32>
      %get3A_157 = arith.constant 1 : index
      %get3A_158 = arith.constant 0 : index
      %get3A_159 = arith.constant 0 : index
      %get3A_160 = vector.load %arg13[%get3A_157, %get3A_158, %get3A_159] : memref<151x8x128xf32, #tpu.memory_space<vmem>>, vector<1x8x128xf32>
      %get3A_161 = vector.shape_cast %get3A_160 : vector<1x8x128xf32> to vector<8x128xf32>
      %jit3A_162 = arith.constant -1.000000e+00 : f32
      %broadcast_in_dim3A_163 = vector.broadcast %jit3A_162 : f32 to vector<8x128xf32>
      %select_n3A_164 = arith.select %gt3A_112, %broadcast_in_dim3A_163, %get3A_161 : vector<8x128xi1>, vector<8x128xf32>
      %gt3A_165 = arith.cmpf ogt, %select_n3A_164, %broadcast_in_dim3A_116 : vector<8x128xf32>
      %jit3A_166 = arith.constant 1.000000e+00 : f32
      %broadcast_in_dim3A_167 = vector.broadcast %jit3A_166 : f32 to vector<8x128xf32>
      %select_n3A_168 = arith.select %gt3A_165, %broadcast_in_dim3A_167, %broadcast_in_dim3A_132 : vector<8x128xi1>, vector<8x128xf32>
      %max3A_169 = arith.maximumf %select_n3A_164, %broadcast_in_dim3A_116 : vector<8x128xf32>
      %get3A_170 = arith.constant 2 : index
      %get3A_171 = arith.constant 0 : index
      %get3A_172 = arith.constant 0 : index
      %get3A_173 = vector.load %arg13[%get3A_170, %get3A_171, %get3A_172] : memref<151x8x128xf32, #tpu.memory_space<vmem>>, vector<1x8x128xf32>
      %get3A_174 = vector.shape_cast %get3A_173 : vector<1x8x128xf32> to vector<8x128xf32>
      %jit3A_175 = arith.constant -1.000000e+00 : f32
      %broadcast_in_dim3A_176 = vector.broadcast %jit3A_175 : f32 to vector<8x128xf32>
      %select_n3A_177 = arith.select %gt3A_112, %broadcast_in_dim3A_176, %get3A_174 : vector<8x128xi1>, vector<8x128xf32>
      %gt3A_178 = arith.cmpf ogt, %select_n3A_177, %broadcast_in_dim3A_118 : vector<8x128xf32>
      %jit3A_179 = arith.constant 2.000000e+00 : f32
      %broadcast_in_dim3A_180 = vector.broadcast %jit3A_179 : f32 to vector<8x128xf32>
      %select_n3A_181 = arith.select %gt3A_178, %broadcast_in_dim3A_180, %broadcast_in_dim3A_134 : vector<8x128xi1>, vector<8x128xf32>
      %max3A_182 = arith.maximumf %select_n3A_177, %broadcast_in_dim3A_118 : vector<8x128xf32>
      %get3A_183 = arith.constant 3 : index
      %get3A_184 = arith.constant 0 : index
      %get3A_185 = arith.constant 0 : index
      %get3A_186 = vector.load %arg13[%get3A_183, %get3A_184, %get3A_185] : memref<151x8x128xf32, #tpu.memory_space<vmem>>, vector<1x8x128xf32>
      %get3A_187 = vector.shape_cast %get3A_186 : vector<1x8x128xf32> to vector<8x128xf32>
      %jit3A_188 = arith.constant -1.000000e+00 : f32
      %broadcast_in_dim3A_189 = vector.broadcast %jit3A_188 : f32 to vector<8x128xf32>
      %select_n3A_190 = arith.select %gt3A_112, %broadcast_in_dim3A_189, %get3A_187 : vector<8x128xi1>, vector<8x128xf32>
      %gt3A_191 = arith.cmpf ogt, %select_n3A_190, %broadcast_in_dim3A_120 : vector<8x128xf32>
      %jit3A_192 = arith.constant 3.000000e+00 : f32
      %broadcast_in_dim3A_193 = vector.broadcast %jit3A_192 : f32 to vector<8x128xf32>
      %select_n3A_194 = arith.select %gt3A_191, %broadcast_in_dim3A_193, %broadcast_in_dim3A_136 : vector<8x128xi1>, vector<8x128xf32>
      %max3A_195 = arith.maximumf %select_n3A_190, %broadcast_in_dim3A_120 : vector<8x128xf32>
      %get3A_196 = arith.constant 4 : index
      %get3A_197 = arith.constant 0 : index
      %get3A_198 = arith.constant 0 : index
      %get3A_199 = vector.load %arg13[%get3A_196, %get3A_197, %get3A_198] : memref<151x8x128xf32, #tpu.memory_space<vmem>>, vector<1x8x128xf32>
      %get3A_200 = vector.shape_cast %get3A_199 : vector<1x8x128xf32> to vector<8x128xf32>
      %jit3A_201 = arith.constant -1.000000e+00 : f32
      %broadcast_in_dim3A_202 = vector.broadcast %jit3A_201 : f32 to vector<8x128xf32>
      %select_n3A_203 = arith.select %gt3A_112, %broadcast_in_dim3A_202, %get3A_200 : vector<8x128xi1>, vector<8x128xf32>
      %gt3A_204 = arith.cmpf ogt, %select_n3A_203, %broadcast_in_dim3A_122 : vector<8x128xf32>
      %jit3A_205 = arith.constant 4.000000e+00 : f32
      %broadcast_in_dim3A_206 = vector.broadcast %jit3A_205 : f32 to vector<8x128xf32>
      %select_n3A_207 = arith.select %gt3A_204, %broadcast_in_dim3A_206, %broadcast_in_dim3A_138 : vector<8x128xi1>, vector<8x128xf32>
      %max3A_208 = arith.maximumf %select_n3A_203, %broadcast_in_dim3A_122 : vector<8x128xf32>
      %get3A_209 = arith.constant 5 : index
      %get3A_210 = arith.constant 0 : index
      %get3A_211 = arith.constant 0 : index
      %get3A_212 = vector.load %arg13[%get3A_209, %get3A_210, %get3A_211] : memref<151x8x128xf32, #tpu.memory_space<vmem>>, vector<1x8x128xf32>
      %get3A_213 = vector.shape_cast %get3A_212 : vector<1x8x128xf32> to vector<8x128xf32>
      %jit3A_214 = arith.constant -1.000000e+00 : f32
      %broadcast_in_dim3A_215 = vector.broadcast %jit3A_214 : f32 to vector<8x128xf32>
      %select_n3A_216 = arith.select %gt3A_112, %broadcast_in_dim3A_215, %get3A_213 : vector<8x128xi1>, vector<8x128xf32>
      %gt3A_217 = arith.cmpf ogt, %select_n3A_216, %broadcast_in_dim3A_124 : vector<8x128xf32>
      %jit3A_218 = arith.constant 5.000000e+00 : f32
      %broadcast_in_dim3A_219 = vector.broadcast %jit3A_218 : f32 to vector<8x128xf32>
      %select_n3A_220 = arith.select %gt3A_217, %broadcast_in_dim3A_219, %broadcast_in_dim3A_140 : vector<8x128xi1>, vector<8x128xf32>
      %max3A_221 = arith.maximumf %select_n3A_216, %broadcast_in_dim3A_124 : vector<8x128xf32>
      %get3A_222 = arith.constant 6 : index
      %get3A_223 = arith.constant 0 : index
      %get3A_224 = arith.constant 0 : index
      %get3A_225 = vector.load %arg13[%get3A_222, %get3A_223, %get3A_224] : memref<151x8x128xf32, #tpu.memory_space<vmem>>, vector<1x8x128xf32>
      %get3A_226 = vector.shape_cast %get3A_225 : vector<1x8x128xf32> to vector<8x128xf32>
      %jit3A_227 = arith.constant -1.000000e+00 : f32
      %broadcast_in_dim3A_228 = vector.broadcast %jit3A_227 : f32 to vector<8x128xf32>
      %select_n3A_229 = arith.select %gt3A_112, %broadcast_in_dim3A_228, %get3A_226 : vector<8x128xi1>, vector<8x128xf32>
      %gt3A_230 = arith.cmpf ogt, %select_n3A_229, %broadcast_in_dim3A_126 : vector<8x128xf32>
      %jit3A_231 = arith.constant 6.000000e+00 : f32
      %broadcast_in_dim3A_232 = vector.broadcast %jit3A_231 : f32 to vector<8x128xf32>
      %select_n3A_233 = arith.select %gt3A_230, %broadcast_in_dim3A_232, %broadcast_in_dim3A_142 : vector<8x128xi1>, vector<8x128xf32>
      %max3A_234 = arith.maximumf %select_n3A_229, %broadcast_in_dim3A_126 : vector<8x128xf32>
      %get3A_235 = arith.constant 7 : index
      %get3A_236 = arith.constant 0 : index
      %get3A_237 = arith.constant 0 : index
      %get3A_238 = vector.load %arg13[%get3A_235, %get3A_236, %get3A_237] : memref<151x8x128xf32, #tpu.memory_space<vmem>>, vector<1x8x128xf32>
      %get3A_239 = vector.shape_cast %get3A_238 : vector<1x8x128xf32> to vector<8x128xf32>
      %jit3A_240 = arith.constant -1.000000e+00 : f32
      %broadcast_in_dim3A_241 = vector.broadcast %jit3A_240 : f32 to vector<8x128xf32>
      %select_n3A_242 = arith.select %gt3A_112, %broadcast_in_dim3A_241, %get3A_239 : vector<8x128xi1>, vector<8x128xf32>
      %gt3A_243 = arith.cmpf ogt, %select_n3A_242, %broadcast_in_dim3A_128 : vector<8x128xf32>
      %jit3A_244 = arith.constant 7.000000e+00 : f32
      %broadcast_in_dim3A_245 = vector.broadcast %jit3A_244 : f32 to vector<8x128xf32>
      %select_n3A_246 = arith.select %gt3A_243, %broadcast_in_dim3A_245, %broadcast_in_dim3A_144 : vector<8x128xi1>, vector<8x128xf32>
      %max3A_247 = arith.maximumf %select_n3A_242, %broadcast_in_dim3A_128 : vector<8x128xf32>
      %get3A_248 = arith.constant 8 : index
      %get3A_249 = arith.constant 0 : index
      %get3A_250 = arith.constant 0 : index
      %get3A_251 = vector.load %arg13[%get3A_248, %get3A_249, %get3A_250] : memref<151x8x128xf32, #tpu.memory_space<vmem>>, vector<1x8x128xf32>
      %get3A_252 = vector.shape_cast %get3A_251 : vector<1x8x128xf32> to vector<8x128xf32>
      %jit3A_253 = arith.constant -1.000000e+00 : f32
      %broadcast_in_dim3A_254 = vector.broadcast %jit3A_253 : f32 to vector<8x128xf32>
      %select_n3A_255 = arith.select %gt3A_112, %broadcast_in_dim3A_254, %get3A_252 : vector<8x128xi1>, vector<8x128xf32>
      %gt3A_256 = arith.cmpf ogt, %select_n3A_255, %max3A : vector<8x128xf32>
      %jit3A_257 = arith.constant 8.000000e+00 : f32
      %broadcast_in_dim3A_258 = vector.broadcast %jit3A_257 : f32 to vector<8x128xf32>
      %select_n3A_259 = arith.select %gt3A_256, %broadcast_in_dim3A_258, %select_n3A_156 : vector<8x128xi1>, vector<8x128xf32>
      %max3A_260 = arith.maximumf %select_n3A_255, %max3A : vector<8x128xf32>
      %get3A_261 = arith.constant 9 : index
      %get3A_262 = arith.constant 0 : index
      %get3A_263 = arith.constant 0 : index
      %get3A_264 = vector.load %arg13[%get3A_261, %get3A_262, %get3A_263] : memref<151x8x128xf32, #tpu.memory_space<vmem>>, vector<1x8x128xf32>
      %get3A_265 = vector.shape_cast %get3A_264 : vector<1x8x128xf32> to vector<8x128xf32>
      %jit3A_266 = arith.constant -1.000000e+00 : f32
      %broadcast_in_dim3A_267 = vector.broadcast %jit3A_266 : f32 to vector<8x128xf32>
      %select_n3A_268 = arith.select %gt3A_112, %broadcast_in_dim3A_267, %get3A_265 : vector<8x128xi1>, vector<8x128xf32>
      %gt3A_269 = arith.cmpf ogt, %select_n3A_268, %max3A_169 : vector<8x128xf32>
      %jit3A_270 = arith.constant 9.000000e+00 : f32
      %broadcast_in_dim3A_271 = vector.broadcast %jit3A_270 : f32 to vector<8x128xf32>
      %select_n3A_272 = arith.select %gt3A_269, %broadcast_in_dim3A_271, %select_n3A_168 : vector<8x128xi1>, vector<8x128xf32>
      %max3A_273 = arith.maximumf %select_n3A_268, %max3A_169 : vector<8x128xf32>
      %get3A_274 = arith.constant 10 : index
      %get3A_275 = arith.constant 0 : index
      %get3A_276 = arith.constant 0 : index
      %get3A_277 = vector.load %arg13[%get3A_274, %get3A_275, %get3A_276] : memref<151x8x128xf32, #tpu.memory_space<vmem>>, vector<1x8x128xf32>
      %get3A_278 = vector.shape_cast %get3A_277 : vector<1x8x128xf32> to vector<8x128xf32>
      %jit3A_279 = arith.constant -1.000000e+00 : f32
      %broadcast_in_dim3A_280 = vector.broadcast %jit3A_279 : f32 to vector<8x128xf32>
      %select_n3A_281 = arith.select %gt3A_112, %broadcast_in_dim3A_280, %get3A_278 : vector<8x128xi1>, vector<8x128xf32>
      %gt3A_282 = arith.cmpf ogt, %select_n3A_281, %max3A_182 : vector<8x128xf32>
      %jit3A_283 = arith.constant 1.000000e+01 : f32
      %broadcast_in_dim3A_284 = vector.broadcast %jit3A_283 : f32 to vector<8x128xf32>
      %select_n3A_285 = arith.select %gt3A_282, %broadcast_in_dim3A_284, %select_n3A_181 : vector<8x128xi1>, vector<8x128xf32>
      %max3A_286 = arith.maximumf %select_n3A_281, %max3A_182 : vector<8x128xf32>
      %get3A_287 = arith.constant 11 : index
      %get3A_288 = arith.constant 0 : index
      %get3A_289 = arith.constant 0 : index
      %get3A_290 = vector.load %arg13[%get3A_287, %get3A_288, %get3A_289] : memref<151x8x128xf32, #tpu.memory_space<vmem>>, vector<1x8x128xf32>
      %get3A_291 = vector.shape_cast %get3A_290 : vector<1x8x128xf32> to vector<8x128xf32>
      %jit3A_292 = arith.constant -1.000000e+00 : f32
      %broadcast_in_dim3A_293 = vector.broadcast %jit3A_292 : f32 to vector<8x128xf32>
      %select_n3A_294 = arith.select %gt3A_112, %broadcast_in_dim3A_293, %get3A_291 : vector<8x128xi1>, vector<8x128xf32>
      %gt3A_295 = arith.cmpf ogt, %select_n3A_294, %max3A_195 : vector<8x128xf32>
      %jit3A_296 = arith.constant 1.100000e+01 : f32
      %broadcast_in_dim3A_297 = vector.broadcast %jit3A_296 : f32 to vector<8x128xf32>
      %select_n3A_298 = arith.select %gt3A_295, %broadcast_in_dim3A_297, %select_n3A_194 : vector<8x128xi1>, vector<8x128xf32>
      %max3A_299 = arith.maximumf %select_n3A_294, %max3A_195 : vector<8x128xf32>
      %get3A_300 = arith.constant 12 : index
      %get3A_301 = arith.constant 0 : index
      %get3A_302 = arith.constant 0 : index
      %get3A_303 = vector.load %arg13[%get3A_300, %get3A_301, %get3A_302] : memref<151x8x128xf32, #tpu.memory_space<vmem>>, vector<1x8x128xf32>
      %get3A_304 = vector.shape_cast %get3A_303 : vector<1x8x128xf32> to vector<8x128xf32>
      %jit3A_305 = arith.constant -1.000000e+00 : f32
      %broadcast_in_dim3A_306 = vector.broadcast %jit3A_305 : f32 to vector<8x128xf32>
      %select_n3A_307 = arith.select %gt3A_112, %broadcast_in_dim3A_306, %get3A_304 : vector<8x128xi1>, vector<8x128xf32>
      %gt3A_308 = arith.cmpf ogt, %select_n3A_307, %max3A_208 : vector<8x128xf32>
      %jit3A_309 = arith.constant 1.200000e+01 : f32
      %broadcast_in_dim3A_310 = vector.broadcast %jit3A_309 : f32 to vector<8x128xf32>
      %select_n3A_311 = arith.select %gt3A_308, %broadcast_in_dim3A_310, %select_n3A_207 : vector<8x128xi1>, vector<8x128xf32>
      %max3A_312 = arith.maximumf %select_n3A_307, %max3A_208 : vector<8x128xf32>
      %get3A_313 = arith.constant 13 : index
      %get3A_314 = arith.constant 0 : index
      %get3A_315 = arith.constant 0 : index
      %get3A_316 = vector.load %arg13[%get3A_313, %get3A_314, %get3A_315] : memref<151x8x128xf32, #tpu.memory_space<vmem>>, vector<1x8x128xf32>
      %get3A_317 = vector.shape_cast %get3A_316 : vector<1x8x128xf32> to vector<8x128xf32>
      %jit3A_318 = arith.constant -1.000000e+00 : f32
      %broadcast_in_dim3A_319 = vector.broadcast %jit3A_318 : f32 to vector<8x128xf32>
      %select_n3A_320 = arith.select %gt3A_112, %broadcast_in_dim3A_319, %get3A_317 : vector<8x128xi1>, vector<8x128xf32>
      %gt3A_321 = arith.cmpf ogt, %select_n3A_320, %max3A_221 : vector<8x128xf32>
      %jit3A_322 = arith.constant 1.300000e+01 : f32
      %broadcast_in_dim3A_323 = vector.broadcast %jit3A_322 : f32 to vector<8x128xf32>
      %select_n3A_324 = arith.select %gt3A_321, %broadcast_in_dim3A_323, %select_n3A_220 : vector<8x128xi1>, vector<8x128xf32>
      %max3A_325 = arith.maximumf %select_n3A_320, %max3A_221 : vector<8x128xf32>
      %get3A_326 = arith.constant 14 : index
      %get3A_327 = arith.constant 0 : index
      %get3A_328 = arith.constant 0 : index
      %get3A_329 = vector.load %arg13[%get3A_326, %get3A_327, %get3A_328] : memref<151x8x128xf32, #tpu.memory_space<vmem>>, vector<1x8x128xf32>
      %get3A_330 = vector.shape_cast %get3A_329 : vector<1x8x128xf32> to vector<8x128xf32>
      %jit3A_331 = arith.constant -1.000000e+00 : f32
      %broadcast_in_dim3A_332 = vector.broadcast %jit3A_331 : f32 to vector<8x128xf32>
      %select_n3A_333 = arith.select %gt3A_112, %broadcast_in_dim3A_332, %get3A_330 : vector<8x128xi1>, vector<8x128xf32>
      %gt3A_334 = arith.cmpf ogt, %select_n3A_333, %max3A_234 : vector<8x128xf32>
      %jit3A_335 = arith.constant 1.400000e+01 : f32
      %broadcast_in_dim3A_336 = vector.broadcast %jit3A_335 : f32 to vector<8x128xf32>
      %select_n3A_337 = arith.select %gt3A_334, %broadcast_in_dim3A_336, %select_n3A_233 : vector<8x128xi1>, vector<8x128xf32>
      %max3A_338 = arith.maximumf %select_n3A_333, %max3A_234 : vector<8x128xf32>
      %get3A_339 = arith.constant 15 : index
      %get3A_340 = arith.constant 0 : index
      %get3A_341 = arith.constant 0 : index
      %get3A_342 = vector.load %arg13[%get3A_339, %get3A_340, %get3A_341] : memref<151x8x128xf32, #tpu.memory_space<vmem>>, vector<1x8x128xf32>
      %get3A_343 = vector.shape_cast %get3A_342 : vector<1x8x128xf32> to vector<8x128xf32>
      %jit3A_344 = arith.constant -1.000000e+00 : f32
      %broadcast_in_dim3A_345 = vector.broadcast %jit3A_344 : f32 to vector<8x128xf32>
      %select_n3A_346 = arith.select %gt3A_112, %broadcast_in_dim3A_345, %get3A_343 : vector<8x128xi1>, vector<8x128xf32>
      %gt3A_347 = arith.cmpf ogt, %select_n3A_346, %max3A_247 : vector<8x128xf32>
      %jit3A_348 = arith.constant 1.500000e+01 : f32
      %broadcast_in_dim3A_349 = vector.broadcast %jit3A_348 : f32 to vector<8x128xf32>
      %select_n3A_350 = arith.select %gt3A_347, %broadcast_in_dim3A_349, %select_n3A_246 : vector<8x128xi1>, vector<8x128xf32>
      %max3A_351 = arith.maximumf %select_n3A_346, %max3A_247 : vector<8x128xf32>
      %get3A_352 = arith.constant 16 : index
      %get3A_353 = arith.constant 0 : index
      %get3A_354 = arith.constant 0 : index
      %get3A_355 = vector.load %arg13[%get3A_352, %get3A_353, %get3A_354] : memref<151x8x128xf32, #tpu.memory_space<vmem>>, vector<1x8x128xf32>
      %get3A_356 = vector.shape_cast %get3A_355 : vector<1x8x128xf32> to vector<8x128xf32>
      %jit3A_357 = arith.constant -1.000000e+00 : f32
      %broadcast_in_dim3A_358 = vector.broadcast %jit3A_357 : f32 to vector<8x128xf32>
      %select_n3A_359 = arith.select %gt3A_112, %broadcast_in_dim3A_358, %get3A_356 : vector<8x128xi1>, vector<8x128xf32>
      %gt3A_360 = arith.cmpf ogt, %select_n3A_359, %max3A_260 : vector<8x128xf32>
      %jit3A_361 = arith.constant 1.600000e+01 : f32
      %broadcast_in_dim3A_362 = vector.broadcast %jit3A_361 : f32 to vector<8x128xf32>
      %select_n3A_363 = arith.select %gt3A_360, %broadcast_in_dim3A_362, %select_n3A_259 : vector<8x128xi1>, vector<8x128xf32>
      %max3A_364 = arith.maximumf %select_n3A_359, %max3A_260 : vector<8x128xf32>
      %get3A_365 = arith.constant 17 : index
      %get3A_366 = arith.constant 0 : index
      %get3A_367 = arith.constant 0 : index
      %get3A_368 = vector.load %arg13[%get3A_365, %get3A_366, %get3A_367] : memref<151x8x128xf32, #tpu.memory_space<vmem>>, vector<1x8x128xf32>
      %get3A_369 = vector.shape_cast %get3A_368 : vector<1x8x128xf32> to vector<8x128xf32>
      %jit3A_370 = arith.constant -1.000000e+00 : f32
      %broadcast_in_dim3A_371 = vector.broadcast %jit3A_370 : f32 to vector<8x128xf32>
      %select_n3A_372 = arith.select %gt3A_112, %broadcast_in_dim3A_371, %get3A_369 : vector<8x128xi1>, vector<8x128xf32>
      %gt3A_373 = arith.cmpf ogt, %select_n3A_372, %max3A_273 : vector<8x128xf32>
      %jit3A_374 = arith.constant 1.700000e+01 : f32
      %broadcast_in_dim3A_375 = vector.broadcast %jit3A_374 : f32 to vector<8x128xf32>
      %select_n3A_376 = arith.select %gt3A_373, %broadcast_in_dim3A_375, %select_n3A_272 : vector<8x128xi1>, vector<8x128xf32>
      %max3A_377 = arith.maximumf %select_n3A_372, %max3A_273 : vector<8x128xf32>
      %get3A_378 = arith.constant 18 : index
      %get3A_379 = arith.constant 0 : index
      %get3A_380 = arith.constant 0 : index
      %get3A_381 = vector.load %arg13[%get3A_378, %get3A_379, %get3A_380] : memref<151x8x128xf32, #tpu.memory_space<vmem>>, vector<1x8x128xf32>
      %get3A_382 = vector.shape_cast %get3A_381 : vector<1x8x128xf32> to vector<8x128xf32>
      %jit3A_383 = arith.constant -1.000000e+00 : f32
      %broadcast_in_dim3A_384 = vector.broadcast %jit3A_383 : f32 to vector<8x128xf32>
      %select_n3A_385 = arith.select %gt3A_112, %broadcast_in_dim3A_384, %get3A_382 : vector<8x128xi1>, vector<8x128xf32>
      %gt3A_386 = arith.cmpf ogt, %select_n3A_385, %max3A_286 : vector<8x128xf32>
      %jit3A_387 = arith.constant 1.800000e+01 : f32
      %broadcast_in_dim3A_388 = vector.broadcast %jit3A_387 : f32 to vector<8x128xf32>
      %select_n3A_389 = arith.select %gt3A_386, %broadcast_in_dim3A_388, %select_n3A_285 : vector<8x128xi1>, vector<8x128xf32>
      %max3A_390 = arith.maximumf %select_n3A_385, %max3A_286 : vector<8x128xf32>
      %get3A_391 = arith.constant 19 : index
      %get3A_392 = arith.constant 0 : index
      %get3A_393 = arith.constant 0 : index
      %get3A_394 = vector.load %arg13[%get3A_391, %get3A_392, %get3A_393] : memref<151x8x128xf32, #tpu.memory_space<vmem>>, vector<1x8x128xf32>
      %get3A_395 = vector.shape_cast %get3A_394 : vector<1x8x128xf32> to vector<8x128xf32>
      %jit3A_396 = arith.constant -1.000000e+00 : f32
      %broadcast_in_dim3A_397 = vector.broadcast %jit3A_396 : f32 to vector<8x128xf32>
      %select_n3A_398 = arith.select %gt3A_112, %broadcast_in_dim3A_397, %get3A_395 : vector<8x128xi1>, vector<8x128xf32>
      %gt3A_399 = arith.cmpf ogt, %select_n3A_398, %max3A_299 : vector<8x128xf32>
      %jit3A_400 = arith.constant 1.900000e+01 : f32
      %broadcast_in_dim3A_401 = vector.broadcast %jit3A_400 : f32 to vector<8x128xf32>
      %select_n3A_402 = arith.select %gt3A_399, %broadcast_in_dim3A_401, %select_n3A_298 : vector<8x128xi1>, vector<8x128xf32>
      %max3A_403 = arith.maximumf %select_n3A_398, %max3A_299 : vector<8x128xf32>
      %get3A_404 = arith.constant 20 : index
      %get3A_405 = arith.constant 0 : index
      %get3A_406 = arith.constant 0 : index
      %get3A_407 = vector.load %arg13[%get3A_404, %get3A_405, %get3A_406] : memref<151x8x128xf32, #tpu.memory_space<vmem>>, vector<1x8x128xf32>
      %get3A_408 = vector.shape_cast %get3A_407 : vector<1x8x128xf32> to vector<8x128xf32>
      %jit3A_409 = arith.constant -1.000000e+00 : f32
      %broadcast_in_dim3A_410 = vector.broadcast %jit3A_409 : f32 to vector<8x128xf32>
      %select_n3A_411 = arith.select %gt3A_112, %broadcast_in_dim3A_410, %get3A_408 : vector<8x128xi1>, vector<8x128xf32>
      %gt3A_412 = arith.cmpf ogt, %select_n3A_411, %max3A_312 : vector<8x128xf32>
      %jit3A_413 = arith.constant 2.000000e+01 : f32
      %broadcast_in_dim3A_414 = vector.broadcast %jit3A_413 : f32 to vector<8x128xf32>
      %select_n3A_415 = arith.select %gt3A_412, %broadcast_in_dim3A_414, %select_n3A_311 : vector<8x128xi1>, vector<8x128xf32>
      %max3A_416 = arith.maximumf %select_n3A_411, %max3A_312 : vector<8x128xf32>
      %get3A_417 = arith.constant 21 : index
      %get3A_418 = arith.constant 0 : index
      %get3A_419 = arith.constant 0 : index
      %get3A_420 = vector.load %arg13[%get3A_417, %get3A_418, %get3A_419] : memref<151x8x128xf32, #tpu.memory_space<vmem>>, vector<1x8x128xf32>
      %get3A_421 = vector.shape_cast %get3A_420 : vector<1x8x128xf32> to vector<8x128xf32>
      %jit3A_422 = arith.constant -1.000000e+00 : f32
      %broadcast_in_dim3A_423 = vector.broadcast %jit3A_422 : f32 to vector<8x128xf32>
      %select_n3A_424 = arith.select %gt3A_112, %broadcast_in_dim3A_423, %get3A_421 : vector<8x128xi1>, vector<8x128xf32>
      %gt3A_425 = arith.cmpf ogt, %select_n3A_424, %max3A_325 : vector<8x128xf32>
      %jit3A_426 = arith.constant 2.100000e+01 : f32
      %broadcast_in_dim3A_427 = vector.broadcast %jit3A_426 : f32 to vector<8x128xf32>
      %select_n3A_428 = arith.select %gt3A_425, %broadcast_in_dim3A_427, %select_n3A_324 : vector<8x128xi1>, vector<8x128xf32>
      %max3A_429 = arith.maximumf %select_n3A_424, %max3A_325 : vector<8x128xf32>
      %get3A_430 = arith.constant 22 : index
      %get3A_431 = arith.constant 0 : index
      %get3A_432 = arith.constant 0 : index
      %get3A_433 = vector.load %arg13[%get3A_430, %get3A_431, %get3A_432] : memref<151x8x128xf32, #tpu.memory_space<vmem>>, vector<1x8x128xf32>
      %get3A_434 = vector.shape_cast %get3A_433 : vector<1x8x128xf32> to vector<8x128xf32>
      %jit3A_435 = arith.constant -1.000000e+00 : f32
      %broadcast_in_dim3A_436 = vector.broadcast %jit3A_435 : f32 to vector<8x128xf32>
      %select_n3A_437 = arith.select %gt3A_112, %broadcast_in_dim3A_436, %get3A_434 : vector<8x128xi1>, vector<8x128xf32>
      %gt3A_438 = arith.cmpf ogt, %select_n3A_437, %max3A_338 : vector<8x128xf32>
      %jit3A_439 = arith.constant 2.200000e+01 : f32
      %broadcast_in_dim3A_440 = vector.broadcast %jit3A_439 : f32 to vector<8x128xf32>
      %select_n3A_441 = arith.select %gt3A_438, %broadcast_in_dim3A_440, %select_n3A_337 : vector<8x128xi1>, vector<8x128xf32>
      %max3A_442 = arith.maximumf %select_n3A_437, %max3A_338 : vector<8x128xf32>
      %get3A_443 = arith.constant 23 : index
      %get3A_444 = arith.constant 0 : index
      %get3A_445 = arith.constant 0 : index
      %get3A_446 = vector.load %arg13[%get3A_443, %get3A_444, %get3A_445] : memref<151x8x128xf32, #tpu.memory_space<vmem>>, vector<1x8x128xf32>
      %get3A_447 = vector.shape_cast %get3A_446 : vector<1x8x128xf32> to vector<8x128xf32>
      %jit3A_448 = arith.constant -1.000000e+00 : f32
      %broadcast_in_dim3A_449 = vector.broadcast %jit3A_448 : f32 to vector<8x128xf32>
      %select_n3A_450 = arith.select %gt3A_112, %broadcast_in_dim3A_449, %get3A_447 : vector<8x128xi1>, vector<8x128xf32>
      %gt3A_451 = arith.cmpf ogt, %select_n3A_450, %max3A_351 : vector<8x128xf32>
      %jit3A_452 = arith.constant 2.300000e+01 : f32
      %broadcast_in_dim3A_453 = vector.broadcast %jit3A_452 : f32 to vector<8x128xf32>
      %select_n3A_454 = arith.select %gt3A_451, %broadcast_in_dim3A_453, %select_n3A_350 : vector<8x128xi1>, vector<8x128xf32>
      %max3A_455 = arith.maximumf %select_n3A_450, %max3A_351 : vector<8x128xf32>
      %get3A_456 = arith.constant 24 : index
      %get3A_457 = arith.constant 0 : index
      %get3A_458 = arith.constant 0 : index
      %get3A_459 = vector.load %arg13[%get3A_456, %get3A_457, %get3A_458] : memref<151x8x128xf32, #tpu.memory_space<vmem>>, vector<1x8x128xf32>
      %get3A_460 = vector.shape_cast %get3A_459 : vector<1x8x128xf32> to vector<8x128xf32>
      %jit3A_461 = arith.constant -1.000000e+00 : f32
      %broadcast_in_dim3A_462 = vector.broadcast %jit3A_461 : f32 to vector<8x128xf32>
      %select_n3A_463 = arith.select %gt3A_112, %broadcast_in_dim3A_462, %get3A_460 : vector<8x128xi1>, vector<8x128xf32>
      %gt3A_464 = arith.cmpf ogt, %select_n3A_463, %max3A_364 : vector<8x128xf32>
      %jit3A_465 = arith.constant 2.400000e+01 : f32
      %broadcast_in_dim3A_466 = vector.broadcast %jit3A_465 : f32 to vector<8x128xf32>
      %select_n3A_467 = arith.select %gt3A_464, %broadcast_in_dim3A_466, %select_n3A_363 : vector<8x128xi1>, vector<8x128xf32>
      %max3A_468 = arith.maximumf %select_n3A_463, %max3A_364 : vector<8x128xf32>
      %get3A_469 = arith.constant 25 : index
      %get3A_470 = arith.constant 0 : index
      %get3A_471 = arith.constant 0 : index
      %get3A_472 = vector.load %arg13[%get3A_469, %get3A_470, %get3A_471] : memref<151x8x128xf32, #tpu.memory_space<vmem>>, vector<1x8x128xf32>
      %get3A_473 = vector.shape_cast %get3A_472 : vector<1x8x128xf32> to vector<8x128xf32>
      %jit3A_474 = arith.constant -1.000000e+00 : f32
      %broadcast_in_dim3A_475 = vector.broadcast %jit3A_474 : f32 to vector<8x128xf32>
      %select_n3A_476 = arith.select %gt3A_112, %broadcast_in_dim3A_475, %get3A_473 : vector<8x128xi1>, vector<8x128xf32>
      %gt3A_477 = arith.cmpf ogt, %select_n3A_476, %max3A_377 : vector<8x128xf32>
      %jit3A_478 = arith.constant 2.500000e+01 : f32
      %broadcast_in_dim3A_479 = vector.broadcast %jit3A_478 : f32 to vector<8x128xf32>
      %select_n3A_480 = arith.select %gt3A_477, %broadcast_in_dim3A_479, %select_n3A_376 : vector<8x128xi1>, vector<8x128xf32>
      %max3A_481 = arith.maximumf %select_n3A_476, %max3A_377 : vector<8x128xf32>
      %get3A_482 = arith.constant 26 : index
      %get3A_483 = arith.constant 0 : index
      %get3A_484 = arith.constant 0 : index
      %get3A_485 = vector.load %arg13[%get3A_482, %get3A_483, %get3A_484] : memref<151x8x128xf32, #tpu.memory_space<vmem>>, vector<1x8x128xf32>
      %get3A_486 = vector.shape_cast %get3A_485 : vector<1x8x128xf32> to vector<8x128xf32>
      %jit3A_487 = arith.constant -1.000000e+00 : f32
      %broadcast_in_dim3A_488 = vector.broadcast %jit3A_487 : f32 to vector<8x128xf32>
      %select_n3A_489 = arith.select %gt3A_112, %broadcast_in_dim3A_488, %get3A_486 : vector<8x128xi1>, vector<8x128xf32>
      %gt3A_490 = arith.cmpf ogt, %select_n3A_489, %max3A_390 : vector<8x128xf32>
      %jit3A_491 = arith.constant 2.600000e+01 : f32
      %broadcast_in_dim3A_492 = vector.broadcast %jit3A_491 : f32 to vector<8x128xf32>
      %select_n3A_493 = arith.select %gt3A_490, %broadcast_in_dim3A_492, %select_n3A_389 : vector<8x128xi1>, vector<8x128xf32>
      %max3A_494 = arith.maximumf %select_n3A_489, %max3A_390 : vector<8x128xf32>
      %get3A_495 = arith.constant 27 : index
      %get3A_496 = arith.constant 0 : index
      %get3A_497 = arith.constant 0 : index
      %get3A_498 = vector.load %arg13[%get3A_495, %get3A_496, %get3A_497] : memref<151x8x128xf32, #tpu.memory_space<vmem>>, vector<1x8x128xf32>
      %get3A_499 = vector.shape_cast %get3A_498 : vector<1x8x128xf32> to vector<8x128xf32>
      %jit3A_500 = arith.constant -1.000000e+00 : f32
      %broadcast_in_dim3A_501 = vector.broadcast %jit3A_500 : f32 to vector<8x128xf32>
      %select_n3A_502 = arith.select %gt3A_112, %broadcast_in_dim3A_501, %get3A_499 : vector<8x128xi1>, vector<8x128xf32>
      %gt3A_503 = arith.cmpf ogt, %select_n3A_502, %max3A_403 : vector<8x128xf32>
      %jit3A_504 = arith.constant 2.700000e+01 : f32
      %broadcast_in_dim3A_505 = vector.broadcast %jit3A_504 : f32 to vector<8x128xf32>
      %select_n3A_506 = arith.select %gt3A_503, %broadcast_in_dim3A_505, %select_n3A_402 : vector<8x128xi1>, vector<8x128xf32>
      %max3A_507 = arith.maximumf %select_n3A_502, %max3A_403 : vector<8x128xf32>
      %get3A_508 = arith.constant 28 : index
      %get3A_509 = arith.constant 0 : index
      %get3A_510 = arith.constant 0 : index
      %get3A_511 = vector.load %arg13[%get3A_508, %get3A_509, %get3A_510] : memref<151x8x128xf32, #tpu.memory_space<vmem>>, vector<1x8x128xf32>
      %get3A_512 = vector.shape_cast %get3A_511 : vector<1x8x128xf32> to vector<8x128xf32>
      %jit3A_513 = arith.constant -1.000000e+00 : f32
      %broadcast_in_dim3A_514 = vector.broadcast %jit3A_513 : f32 to vector<8x128xf32>
      %select_n3A_515 = arith.select %gt3A_112, %broadcast_in_dim3A_514, %get3A_512 : vector<8x128xi1>, vector<8x128xf32>
      %gt3A_516 = arith.cmpf ogt, %select_n3A_515, %max3A_416 : vector<8x128xf32>
      %jit3A_517 = arith.constant 2.800000e+01 : f32
      %broadcast_in_dim3A_518 = vector.broadcast %jit3A_517 : f32 to vector<8x128xf32>
      %select_n3A_519 = arith.select %gt3A_516, %broadcast_in_dim3A_518, %select_n3A_415 : vector<8x128xi1>, vector<8x128xf32>
      %max3A_520 = arith.maximumf %select_n3A_515, %max3A_416 : vector<8x128xf32>
      %get3A_521 = arith.constant 29 : index
      %get3A_522 = arith.constant 0 : index
      %get3A_523 = arith.constant 0 : index
      %get3A_524 = vector.load %arg13[%get3A_521, %get3A_522, %get3A_523] : memref<151x8x128xf32, #tpu.memory_space<vmem>>, vector<1x8x128xf32>
      %get3A_525 = vector.shape_cast %get3A_524 : vector<1x8x128xf32> to vector<8x128xf32>
      %jit3A_526 = arith.constant -1.000000e+00 : f32
      %broadcast_in_dim3A_527 = vector.broadcast %jit3A_526 : f32 to vector<8x128xf32>
      %select_n3A_528 = arith.select %gt3A_112, %broadcast_in_dim3A_527, %get3A_525 : vector<8x128xi1>, vector<8x128xf32>
      %gt3A_529 = arith.cmpf ogt, %select_n3A_528, %max3A_429 : vector<8x128xf32>
      %jit3A_530 = arith.constant 2.900000e+01 : f32
      %broadcast_in_dim3A_531 = vector.broadcast %jit3A_530 : f32 to vector<8x128xf32>
      %select_n3A_532 = arith.select %gt3A_529, %broadcast_in_dim3A_531, %select_n3A_428 : vector<8x128xi1>, vector<8x128xf32>
      %max3A_533 = arith.maximumf %select_n3A_528, %max3A_429 : vector<8x128xf32>
      %get3A_534 = arith.constant 30 : index
      %get3A_535 = arith.constant 0 : index
      %get3A_536 = arith.constant 0 : index
      %get3A_537 = vector.load %arg13[%get3A_534, %get3A_535, %get3A_536] : memref<151x8x128xf32, #tpu.memory_space<vmem>>, vector<1x8x128xf32>
      %get3A_538 = vector.shape_cast %get3A_537 : vector<1x8x128xf32> to vector<8x128xf32>
      %jit3A_539 = arith.constant -1.000000e+00 : f32
      %broadcast_in_dim3A_540 = vector.broadcast %jit3A_539 : f32 to vector<8x128xf32>
      %select_n3A_541 = arith.select %gt3A_112, %broadcast_in_dim3A_540, %get3A_538 : vector<8x128xi1>, vector<8x128xf32>
      %gt3A_542 = arith.cmpf ogt, %select_n3A_541, %max3A_442 : vector<8x128xf32>
      %jit3A_543 = arith.constant 3.000000e+01 : f32
      %broadcast_in_dim3A_544 = vector.broadcast %jit3A_543 : f32 to vector<8x128xf32>
      %select_n3A_545 = arith.select %gt3A_542, %broadcast_in_dim3A_544, %select_n3A_441 : vector<8x128xi1>, vector<8x128xf32>
      %max3A_546 = arith.maximumf %select_n3A_541, %max3A_442 : vector<8x128xf32>
      %get3A_547 = arith.constant 31 : index
      %get3A_548 = arith.constant 0 : index
      %get3A_549 = arith.constant 0 : index
      %get3A_550 = vector.load %arg13[%get3A_547, %get3A_548, %get3A_549] : memref<151x8x128xf32, #tpu.memory_space<vmem>>, vector<1x8x128xf32>
      %get3A_551 = vector.shape_cast %get3A_550 : vector<1x8x128xf32> to vector<8x128xf32>
      %jit3A_552 = arith.constant -1.000000e+00 : f32
      %broadcast_in_dim3A_553 = vector.broadcast %jit3A_552 : f32 to vector<8x128xf32>
      %select_n3A_554 = arith.select %gt3A_112, %broadcast_in_dim3A_553, %get3A_551 : vector<8x128xi1>, vector<8x128xf32>
      %gt3A_555 = arith.cmpf ogt, %select_n3A_554, %max3A_455 : vector<8x128xf32>
      %jit3A_556 = arith.constant 3.100000e+01 : f32
      %broadcast_in_dim3A_557 = vector.broadcast %jit3A_556 : f32 to vector<8x128xf32>
      %select_n3A_558 = arith.select %gt3A_555, %broadcast_in_dim3A_557, %select_n3A_454 : vector<8x128xi1>, vector<8x128xf32>
      %max3A_559 = arith.maximumf %select_n3A_554, %max3A_455 : vector<8x128xf32>
      %get3A_560 = arith.constant 32 : index
      %get3A_561 = arith.constant 0 : index
      %get3A_562 = arith.constant 0 : index
      %get3A_563 = vector.load %arg13[%get3A_560, %get3A_561, %get3A_562] : memref<151x8x128xf32, #tpu.memory_space<vmem>>, vector<1x8x128xf32>
      %get3A_564 = vector.shape_cast %get3A_563 : vector<1x8x128xf32> to vector<8x128xf32>
      %jit3A_565 = arith.constant -1.000000e+00 : f32
      %broadcast_in_dim3A_566 = vector.broadcast %jit3A_565 : f32 to vector<8x128xf32>
      %select_n3A_567 = arith.select %gt3A_112, %broadcast_in_dim3A_566, %get3A_564 : vector<8x128xi1>, vector<8x128xf32>
      %gt3A_568 = arith.cmpf ogt, %select_n3A_567, %max3A_468 : vector<8x128xf32>
      %jit3A_569 = arith.constant 3.200000e+01 : f32
      %broadcast_in_dim3A_570 = vector.broadcast %jit3A_569 : f32 to vector<8x128xf32>
      %select_n3A_571 = arith.select %gt3A_568, %broadcast_in_dim3A_570, %select_n3A_467 : vector<8x128xi1>, vector<8x128xf32>
      %max3A_572 = arith.maximumf %select_n3A_567, %max3A_468 : vector<8x128xf32>
      %get3A_573 = arith.constant 33 : index
      %get3A_574 = arith.constant 0 : index
      %get3A_575 = arith.constant 0 : index
      %get3A_576 = vector.load %arg13[%get3A_573, %get3A_574, %get3A_575] : memref<151x8x128xf32, #tpu.memory_space<vmem>>, vector<1x8x128xf32>
      %get3A_577 = vector.shape_cast %get3A_576 : vector<1x8x128xf32> to vector<8x128xf32>
      %jit3A_578 = arith.constant -1.000000e+00 : f32
      %broadcast_in_dim3A_579 = vector.broadcast %jit3A_578 : f32 to vector<8x128xf32>
      %select_n3A_580 = arith.select %gt3A_112, %broadcast_in_dim3A_579, %get3A_577 : vector<8x128xi1>, vector<8x128xf32>
      %gt3A_581 = arith.cmpf ogt, %select_n3A_580, %max3A_481 : vector<8x128xf32>
      %jit3A_582 = arith.constant 3.300000e+01 : f32
      %broadcast_in_dim3A_583 = vector.broadcast %jit3A_582 : f32 to vector<8x128xf32>
      %select_n3A_584 = arith.select %gt3A_581, %broadcast_in_dim3A_583, %select_n3A_480 : vector<8x128xi1>, vector<8x128xf32>
      %max3A_585 = arith.maximumf %select_n3A_580, %max3A_481 : vector<8x128xf32>
      %get3A_586 = arith.constant 34 : index
      %get3A_587 = arith.constant 0 : index
      %get3A_588 = arith.constant 0 : index
      %get3A_589 = vector.load %arg13[%get3A_586, %get3A_587, %get3A_588] : memref<151x8x128xf32, #tpu.memory_space<vmem>>, vector<1x8x128xf32>
      %get3A_590 = vector.shape_cast %get3A_589 : vector<1x8x128xf32> to vector<8x128xf32>
      %jit3A_591 = arith.constant -1.000000e+00 : f32
      %broadcast_in_dim3A_592 = vector.broadcast %jit3A_591 : f32 to vector<8x128xf32>
      %select_n3A_593 = arith.select %gt3A_112, %broadcast_in_dim3A_592, %get3A_590 : vector<8x128xi1>, vector<8x128xf32>
      %gt3A_594 = arith.cmpf ogt, %select_n3A_593, %max3A_494 : vector<8x128xf32>
      %jit3A_595 = arith.constant 3.400000e+01 : f32
      %broadcast_in_dim3A_596 = vector.broadcast %jit3A_595 : f32 to vector<8x128xf32>
      %select_n3A_597 = arith.select %gt3A_594, %broadcast_in_dim3A_596, %select_n3A_493 : vector<8x128xi1>, vector<8x128xf32>
      %max3A_598 = arith.maximumf %select_n3A_593, %max3A_494 : vector<8x128xf32>
      %get3A_599 = arith.constant 35 : index
      %get3A_600 = arith.constant 0 : index
      %get3A_601 = arith.constant 0 : index
      %get3A_602 = vector.load %arg13[%get3A_599, %get3A_600, %get3A_601] : memref<151x8x128xf32, #tpu.memory_space<vmem>>, vector<1x8x128xf32>
      %get3A_603 = vector.shape_cast %get3A_602 : vector<1x8x128xf32> to vector<8x128xf32>
      %jit3A_604 = arith.constant -1.000000e+00 : f32
      %broadcast_in_dim3A_605 = vector.broadcast %jit3A_604 : f32 to vector<8x128xf32>
      %select_n3A_606 = arith.select %gt3A_112, %broadcast_in_dim3A_605, %get3A_603 : vector<8x128xi1>, vector<8x128xf32>
      %gt3A_607 = arith.cmpf ogt, %select_n3A_606, %max3A_507 : vector<8x128xf32>
      %jit3A_608 = arith.constant 3.500000e+01 : f32
      %broadcast_in_dim3A_609 = vector.broadcast %jit3A_608 : f32 to vector<8x128xf32>
      %select_n3A_610 = arith.select %gt3A_607, %broadcast_in_dim3A_609, %select_n3A_506 : vector<8x128xi1>, vector<8x128xf32>
      %max3A_611 = arith.maximumf %select_n3A_606, %max3A_507 : vector<8x128xf32>
      %get3A_612 = arith.constant 36 : index
      %get3A_613 = arith.constant 0 : index
      %get3A_614 = arith.constant 0 : index
      %get3A_615 = vector.load %arg13[%get3A_612, %get3A_613, %get3A_614] : memref<151x8x128xf32, #tpu.memory_space<vmem>>, vector<1x8x128xf32>
      %get3A_616 = vector.shape_cast %get3A_615 : vector<1x8x128xf32> to vector<8x128xf32>
      %jit3A_617 = arith.constant -1.000000e+00 : f32
      %broadcast_in_dim3A_618 = vector.broadcast %jit3A_617 : f32 to vector<8x128xf32>
      %select_n3A_619 = arith.select %gt3A_112, %broadcast_in_dim3A_618, %get3A_616 : vector<8x128xi1>, vector<8x128xf32>
      %gt3A_620 = arith.cmpf ogt, %select_n3A_619, %max3A_520 : vector<8x128xf32>
      %jit3A_621 = arith.constant 3.600000e+01 : f32
      %broadcast_in_dim3A_622 = vector.broadcast %jit3A_621 : f32 to vector<8x128xf32>
      %select_n3A_623 = arith.select %gt3A_620, %broadcast_in_dim3A_622, %select_n3A_519 : vector<8x128xi1>, vector<8x128xf32>
      %max3A_624 = arith.maximumf %select_n3A_619, %max3A_520 : vector<8x128xf32>
      %get3A_625 = arith.constant 37 : index
      %get3A_626 = arith.constant 0 : index
      %get3A_627 = arith.constant 0 : index
      %get3A_628 = vector.load %arg13[%get3A_625, %get3A_626, %get3A_627] : memref<151x8x128xf32, #tpu.memory_space<vmem>>, vector<1x8x128xf32>
      %get3A_629 = vector.shape_cast %get3A_628 : vector<1x8x128xf32> to vector<8x128xf32>
      %jit3A_630 = arith.constant -1.000000e+00 : f32
      %broadcast_in_dim3A_631 = vector.broadcast %jit3A_630 : f32 to vector<8x128xf32>
      %select_n3A_632 = arith.select %gt3A_112, %broadcast_in_dim3A_631, %get3A_629 : vector<8x128xi1>, vector<8x128xf32>
      %gt3A_633 = arith.cmpf ogt, %select_n3A_632, %max3A_533 : vector<8x128xf32>
      %jit3A_634 = arith.constant 3.700000e+01 : f32
      %broadcast_in_dim3A_635 = vector.broadcast %jit3A_634 : f32 to vector<8x128xf32>
      %select_n3A_636 = arith.select %gt3A_633, %broadcast_in_dim3A_635, %select_n3A_532 : vector<8x128xi1>, vector<8x128xf32>
      %max3A_637 = arith.maximumf %select_n3A_632, %max3A_533 : vector<8x128xf32>
      %get3A_638 = arith.constant 38 : index
      %get3A_639 = arith.constant 0 : index
      %get3A_640 = arith.constant 0 : index
      %get3A_641 = vector.load %arg13[%get3A_638, %get3A_639, %get3A_640] : memref<151x8x128xf32, #tpu.memory_space<vmem>>, vector<1x8x128xf32>
      %get3A_642 = vector.shape_cast %get3A_641 : vector<1x8x128xf32> to vector<8x128xf32>
      %jit3A_643 = arith.constant -1.000000e+00 : f32
      %broadcast_in_dim3A_644 = vector.broadcast %jit3A_643 : f32 to vector<8x128xf32>
      %select_n3A_645 = arith.select %gt3A_112, %broadcast_in_dim3A_644, %get3A_642 : vector<8x128xi1>, vector<8x128xf32>
      %gt3A_646 = arith.cmpf ogt, %select_n3A_645, %max3A_546 : vector<8x128xf32>
      %jit3A_647 = arith.constant 3.800000e+01 : f32
      %broadcast_in_dim3A_648 = vector.broadcast %jit3A_647 : f32 to vector<8x128xf32>
      %select_n3A_649 = arith.select %gt3A_646, %broadcast_in_dim3A_648, %select_n3A_545 : vector<8x128xi1>, vector<8x128xf32>
      %max3A_650 = arith.maximumf %select_n3A_645, %max3A_546 : vector<8x128xf32>
      %get3A_651 = arith.constant 39 : index
      %get3A_652 = arith.constant 0 : index
      %get3A_653 = arith.constant 0 : index
      %get3A_654 = vector.load %arg13[%get3A_651, %get3A_652, %get3A_653] : memref<151x8x128xf32, #tpu.memory_space<vmem>>, vector<1x8x128xf32>
      %get3A_655 = vector.shape_cast %get3A_654 : vector<1x8x128xf32> to vector<8x128xf32>
      %jit3A_656 = arith.constant -1.000000e+00 : f32
      %broadcast_in_dim3A_657 = vector.broadcast %jit3A_656 : f32 to vector<8x128xf32>
      %select_n3A_658 = arith.select %gt3A_112, %broadcast_in_dim3A_657, %get3A_655 : vector<8x128xi1>, vector<8x128xf32>
      %gt3A_659 = arith.cmpf ogt, %select_n3A_658, %max3A_559 : vector<8x128xf32>
      %jit3A_660 = arith.constant 3.900000e+01 : f32
      %broadcast_in_dim3A_661 = vector.broadcast %jit3A_660 : f32 to vector<8x128xf32>
      %select_n3A_662 = arith.select %gt3A_659, %broadcast_in_dim3A_661, %select_n3A_558 : vector<8x128xi1>, vector<8x128xf32>
      %max3A_663 = arith.maximumf %select_n3A_658, %max3A_559 : vector<8x128xf32>
      %get3A_664 = arith.constant 40 : index
      %get3A_665 = arith.constant 0 : index
      %get3A_666 = arith.constant 0 : index
      %get3A_667 = vector.load %arg13[%get3A_664, %get3A_665, %get3A_666] : memref<151x8x128xf32, #tpu.memory_space<vmem>>, vector<1x8x128xf32>
      %get3A_668 = vector.shape_cast %get3A_667 : vector<1x8x128xf32> to vector<8x128xf32>
      %jit3A_669 = arith.constant -1.000000e+00 : f32
      %broadcast_in_dim3A_670 = vector.broadcast %jit3A_669 : f32 to vector<8x128xf32>
      %select_n3A_671 = arith.select %gt3A_112, %broadcast_in_dim3A_670, %get3A_668 : vector<8x128xi1>, vector<8x128xf32>
      %gt3A_672 = arith.cmpf ogt, %select_n3A_671, %max3A_572 : vector<8x128xf32>
      %jit3A_673 = arith.constant 4.000000e+01 : f32
      %broadcast_in_dim3A_674 = vector.broadcast %jit3A_673 : f32 to vector<8x128xf32>
      %select_n3A_675 = arith.select %gt3A_672, %broadcast_in_dim3A_674, %select_n3A_571 : vector<8x128xi1>, vector<8x128xf32>
      %max3A_676 = arith.maximumf %select_n3A_671, %max3A_572 : vector<8x128xf32>
      %get3A_677 = arith.constant 41 : index
      %get3A_678 = arith.constant 0 : index
      %get3A_679 = arith.constant 0 : index
      %get3A_680 = vector.load %arg13[%get3A_677, %get3A_678, %get3A_679] : memref<151x8x128xf32, #tpu.memory_space<vmem>>, vector<1x8x128xf32>
      %get3A_681 = vector.shape_cast %get3A_680 : vector<1x8x128xf32> to vector<8x128xf32>
      %jit3A_682 = arith.constant -1.000000e+00 : f32
      %broadcast_in_dim3A_683 = vector.broadcast %jit3A_682 : f32 to vector<8x128xf32>
      %select_n3A_684 = arith.select %gt3A_112, %broadcast_in_dim3A_683, %get3A_681 : vector<8x128xi1>, vector<8x128xf32>
      %gt3A_685 = arith.cmpf ogt, %select_n3A_684, %max3A_585 : vector<8x128xf32>
      %jit3A_686 = arith.constant 4.100000e+01 : f32
      %broadcast_in_dim3A_687 = vector.broadcast %jit3A_686 : f32 to vector<8x128xf32>
      %select_n3A_688 = arith.select %gt3A_685, %broadcast_in_dim3A_687, %select_n3A_584 : vector<8x128xi1>, vector<8x128xf32>
      %max3A_689 = arith.maximumf %select_n3A_684, %max3A_585 : vector<8x128xf32>
      %get3A_690 = arith.constant 42 : index
      %get3A_691 = arith.constant 0 : index
      %get3A_692 = arith.constant 0 : index
      %get3A_693 = vector.load %arg13[%get3A_690, %get3A_691, %get3A_692] : memref<151x8x128xf32, #tpu.memory_space<vmem>>, vector<1x8x128xf32>
      %get3A_694 = vector.shape_cast %get3A_693 : vector<1x8x128xf32> to vector<8x128xf32>
      %jit3A_695 = arith.constant -1.000000e+00 : f32
      %broadcast_in_dim3A_696 = vector.broadcast %jit3A_695 : f32 to vector<8x128xf32>
      %select_n3A_697 = arith.select %gt3A_112, %broadcast_in_dim3A_696, %get3A_694 : vector<8x128xi1>, vector<8x128xf32>
      %gt3A_698 = arith.cmpf ogt, %select_n3A_697, %max3A_598 : vector<8x128xf32>
      %jit3A_699 = arith.constant 4.200000e+01 : f32
      %broadcast_in_dim3A_700 = vector.broadcast %jit3A_699 : f32 to vector<8x128xf32>
      %select_n3A_701 = arith.select %gt3A_698, %broadcast_in_dim3A_700, %select_n3A_597 : vector<8x128xi1>, vector<8x128xf32>
      %max3A_702 = arith.maximumf %select_n3A_697, %max3A_598 : vector<8x128xf32>
      %get3A_703 = arith.constant 43 : index
      %get3A_704 = arith.constant 0 : index
      %get3A_705 = arith.constant 0 : index
      %get3A_706 = vector.load %arg13[%get3A_703, %get3A_704, %get3A_705] : memref<151x8x128xf32, #tpu.memory_space<vmem>>, vector<1x8x128xf32>
      %get3A_707 = vector.shape_cast %get3A_706 : vector<1x8x128xf32> to vector<8x128xf32>
      %jit3A_708 = arith.constant -1.000000e+00 : f32
      %broadcast_in_dim3A_709 = vector.broadcast %jit3A_708 : f32 to vector<8x128xf32>
      %select_n3A_710 = arith.select %gt3A_112, %broadcast_in_dim3A_709, %get3A_707 : vector<8x128xi1>, vector<8x128xf32>
      %gt3A_711 = arith.cmpf ogt, %select_n3A_710, %max3A_611 : vector<8x128xf32>
      %jit3A_712 = arith.constant 4.300000e+01 : f32
      %broadcast_in_dim3A_713 = vector.broadcast %jit3A_712 : f32 to vector<8x128xf32>
      %select_n3A_714 = arith.select %gt3A_711, %broadcast_in_dim3A_713, %select_n3A_610 : vector<8x128xi1>, vector<8x128xf32>
      %max3A_715 = arith.maximumf %select_n3A_710, %max3A_611 : vector<8x128xf32>
      %get3A_716 = arith.constant 44 : index
      %get3A_717 = arith.constant 0 : index
      %get3A_718 = arith.constant 0 : index
      %get3A_719 = vector.load %arg13[%get3A_716, %get3A_717, %get3A_718] : memref<151x8x128xf32, #tpu.memory_space<vmem>>, vector<1x8x128xf32>
      %get3A_720 = vector.shape_cast %get3A_719 : vector<1x8x128xf32> to vector<8x128xf32>
      %jit3A_721 = arith.constant -1.000000e+00 : f32
      %broadcast_in_dim3A_722 = vector.broadcast %jit3A_721 : f32 to vector<8x128xf32>
      %select_n3A_723 = arith.select %gt3A_112, %broadcast_in_dim3A_722, %get3A_720 : vector<8x128xi1>, vector<8x128xf32>
      %gt3A_724 = arith.cmpf ogt, %select_n3A_723, %max3A_624 : vector<8x128xf32>
      %jit3A_725 = arith.constant 4.400000e+01 : f32
      %broadcast_in_dim3A_726 = vector.broadcast %jit3A_725 : f32 to vector<8x128xf32>
      %select_n3A_727 = arith.select %gt3A_724, %broadcast_in_dim3A_726, %select_n3A_623 : vector<8x128xi1>, vector<8x128xf32>
      %max3A_728 = arith.maximumf %select_n3A_723, %max3A_624 : vector<8x128xf32>
      %get3A_729 = arith.constant 45 : index
      %get3A_730 = arith.constant 0 : index
      %get3A_731 = arith.constant 0 : index
      %get3A_732 = vector.load %arg13[%get3A_729, %get3A_730, %get3A_731] : memref<151x8x128xf32, #tpu.memory_space<vmem>>, vector<1x8x128xf32>
      %get3A_733 = vector.shape_cast %get3A_732 : vector<1x8x128xf32> to vector<8x128xf32>
      %jit3A_734 = arith.constant -1.000000e+00 : f32
      %broadcast_in_dim3A_735 = vector.broadcast %jit3A_734 : f32 to vector<8x128xf32>
      %select_n3A_736 = arith.select %gt3A_112, %broadcast_in_dim3A_735, %get3A_733 : vector<8x128xi1>, vector<8x128xf32>
      %gt3A_737 = arith.cmpf ogt, %select_n3A_736, %max3A_637 : vector<8x128xf32>
      %jit3A_738 = arith.constant 4.500000e+01 : f32
      %broadcast_in_dim3A_739 = vector.broadcast %jit3A_738 : f32 to vector<8x128xf32>
      %select_n3A_740 = arith.select %gt3A_737, %broadcast_in_dim3A_739, %select_n3A_636 : vector<8x128xi1>, vector<8x128xf32>
      %max3A_741 = arith.maximumf %select_n3A_736, %max3A_637 : vector<8x128xf32>
      %get3A_742 = arith.constant 46 : index
      %get3A_743 = arith.constant 0 : index
      %get3A_744 = arith.constant 0 : index
      %get3A_745 = vector.load %arg13[%get3A_742, %get3A_743, %get3A_744] : memref<151x8x128xf32, #tpu.memory_space<vmem>>, vector<1x8x128xf32>
      %get3A_746 = vector.shape_cast %get3A_745 : vector<1x8x128xf32> to vector<8x128xf32>
      %jit3A_747 = arith.constant -1.000000e+00 : f32
      %broadcast_in_dim3A_748 = vector.broadcast %jit3A_747 : f32 to vector<8x128xf32>
      %select_n3A_749 = arith.select %gt3A_112, %broadcast_in_dim3A_748, %get3A_746 : vector<8x128xi1>, vector<8x128xf32>
      %gt3A_750 = arith.cmpf ogt, %select_n3A_749, %max3A_650 : vector<8x128xf32>
      %jit3A_751 = arith.constant 4.600000e+01 : f32
      %broadcast_in_dim3A_752 = vector.broadcast %jit3A_751 : f32 to vector<8x128xf32>
      %select_n3A_753 = arith.select %gt3A_750, %broadcast_in_dim3A_752, %select_n3A_649 : vector<8x128xi1>, vector<8x128xf32>
      %max3A_754 = arith.maximumf %select_n3A_749, %max3A_650 : vector<8x128xf32>
      %get3A_755 = arith.constant 47 : index
      %get3A_756 = arith.constant 0 : index
      %get3A_757 = arith.constant 0 : index
      %get3A_758 = vector.load %arg13[%get3A_755, %get3A_756, %get3A_757] : memref<151x8x128xf32, #tpu.memory_space<vmem>>, vector<1x8x128xf32>
      %get3A_759 = vector.shape_cast %get3A_758 : vector<1x8x128xf32> to vector<8x128xf32>
      %jit3A_760 = arith.constant -1.000000e+00 : f32
      %broadcast_in_dim3A_761 = vector.broadcast %jit3A_760 : f32 to vector<8x128xf32>
      %select_n3A_762 = arith.select %gt3A_112, %broadcast_in_dim3A_761, %get3A_759 : vector<8x128xi1>, vector<8x128xf32>
      %gt3A_763 = arith.cmpf ogt, %select_n3A_762, %max3A_663 : vector<8x128xf32>
      %jit3A_764 = arith.constant 4.700000e+01 : f32
      %broadcast_in_dim3A_765 = vector.broadcast %jit3A_764 : f32 to vector<8x128xf32>
      %select_n3A_766 = arith.select %gt3A_763, %broadcast_in_dim3A_765, %select_n3A_662 : vector<8x128xi1>, vector<8x128xf32>
      %max3A_767 = arith.maximumf %select_n3A_762, %max3A_663 : vector<8x128xf32>
      %get3A_768 = arith.constant 48 : index
      %get3A_769 = arith.constant 0 : index
      %get3A_770 = arith.constant 0 : index
      %get3A_771 = vector.load %arg13[%get3A_768, %get3A_769, %get3A_770] : memref<151x8x128xf32, #tpu.memory_space<vmem>>, vector<1x8x128xf32>
      %get3A_772 = vector.shape_cast %get3A_771 : vector<1x8x128xf32> to vector<8x128xf32>
      %jit3A_773 = arith.constant -1.000000e+00 : f32
      %broadcast_in_dim3A_774 = vector.broadcast %jit3A_773 : f32 to vector<8x128xf32>
      %select_n3A_775 = arith.select %gt3A_112, %broadcast_in_dim3A_774, %get3A_772 : vector<8x128xi1>, vector<8x128xf32>
      %gt3A_776 = arith.cmpf ogt, %select_n3A_775, %max3A_676 : vector<8x128xf32>
      %jit3A_777 = arith.constant 4.800000e+01 : f32
      %broadcast_in_dim3A_778 = vector.broadcast %jit3A_777 : f32 to vector<8x128xf32>
      %select_n3A_779 = arith.select %gt3A_776, %broadcast_in_dim3A_778, %select_n3A_675 : vector<8x128xi1>, vector<8x128xf32>
      %max3A_780 = arith.maximumf %select_n3A_775, %max3A_676 : vector<8x128xf32>
      %get3A_781 = arith.constant 49 : index
      %get3A_782 = arith.constant 0 : index
      %get3A_783 = arith.constant 0 : index
      %get3A_784 = vector.load %arg13[%get3A_781, %get3A_782, %get3A_783] : memref<151x8x128xf32, #tpu.memory_space<vmem>>, vector<1x8x128xf32>
      %get3A_785 = vector.shape_cast %get3A_784 : vector<1x8x128xf32> to vector<8x128xf32>
      %jit3A_786 = arith.constant -1.000000e+00 : f32
      %broadcast_in_dim3A_787 = vector.broadcast %jit3A_786 : f32 to vector<8x128xf32>
      %select_n3A_788 = arith.select %gt3A_112, %broadcast_in_dim3A_787, %get3A_785 : vector<8x128xi1>, vector<8x128xf32>
      %gt3A_789 = arith.cmpf ogt, %select_n3A_788, %max3A_689 : vector<8x128xf32>
      %jit3A_790 = arith.constant 4.900000e+01 : f32
      %broadcast_in_dim3A_791 = vector.broadcast %jit3A_790 : f32 to vector<8x128xf32>
      %select_n3A_792 = arith.select %gt3A_789, %broadcast_in_dim3A_791, %select_n3A_688 : vector<8x128xi1>, vector<8x128xf32>
      %max3A_793 = arith.maximumf %select_n3A_788, %max3A_689 : vector<8x128xf32>
      %get3A_794 = arith.constant 50 : index
      %get3A_795 = arith.constant 0 : index
      %get3A_796 = arith.constant 0 : index
      %get3A_797 = vector.load %arg13[%get3A_794, %get3A_795, %get3A_796] : memref<151x8x128xf32, #tpu.memory_space<vmem>>, vector<1x8x128xf32>
      %get3A_798 = vector.shape_cast %get3A_797 : vector<1x8x128xf32> to vector<8x128xf32>
      %jit3A_799 = arith.constant -1.000000e+00 : f32
      %broadcast_in_dim3A_800 = vector.broadcast %jit3A_799 : f32 to vector<8x128xf32>
      %select_n3A_801 = arith.select %gt3A_112, %broadcast_in_dim3A_800, %get3A_798 : vector<8x128xi1>, vector<8x128xf32>
      %gt3A_802 = arith.cmpf ogt, %select_n3A_801, %max3A_702 : vector<8x128xf32>
      %jit3A_803 = arith.constant 5.000000e+01 : f32
      %broadcast_in_dim3A_804 = vector.broadcast %jit3A_803 : f32 to vector<8x128xf32>
      %select_n3A_805 = arith.select %gt3A_802, %broadcast_in_dim3A_804, %select_n3A_701 : vector<8x128xi1>, vector<8x128xf32>
      %max3A_806 = arith.maximumf %select_n3A_801, %max3A_702 : vector<8x128xf32>
      %get3A_807 = arith.constant 51 : index
      %get3A_808 = arith.constant 0 : index
      %get3A_809 = arith.constant 0 : index
      %get3A_810 = vector.load %arg13[%get3A_807, %get3A_808, %get3A_809] : memref<151x8x128xf32, #tpu.memory_space<vmem>>, vector<1x8x128xf32>
      %get3A_811 = vector.shape_cast %get3A_810 : vector<1x8x128xf32> to vector<8x128xf32>
      %jit3A_812 = arith.constant -1.000000e+00 : f32
      %broadcast_in_dim3A_813 = vector.broadcast %jit3A_812 : f32 to vector<8x128xf32>
      %select_n3A_814 = arith.select %gt3A_112, %broadcast_in_dim3A_813, %get3A_811 : vector<8x128xi1>, vector<8x128xf32>
      %gt3A_815 = arith.cmpf ogt, %select_n3A_814, %max3A_715 : vector<8x128xf32>
      %jit3A_816 = arith.constant 5.100000e+01 : f32
      %broadcast_in_dim3A_817 = vector.broadcast %jit3A_816 : f32 to vector<8x128xf32>
      %select_n3A_818 = arith.select %gt3A_815, %broadcast_in_dim3A_817, %select_n3A_714 : vector<8x128xi1>, vector<8x128xf32>
      %max3A_819 = arith.maximumf %select_n3A_814, %max3A_715 : vector<8x128xf32>
      %get3A_820 = arith.constant 52 : index
      %get3A_821 = arith.constant 0 : index
      %get3A_822 = arith.constant 0 : index
      %get3A_823 = vector.load %arg13[%get3A_820, %get3A_821, %get3A_822] : memref<151x8x128xf32, #tpu.memory_space<vmem>>, vector<1x8x128xf32>
      %get3A_824 = vector.shape_cast %get3A_823 : vector<1x8x128xf32> to vector<8x128xf32>
      %jit3A_825 = arith.constant -1.000000e+00 : f32
      %broadcast_in_dim3A_826 = vector.broadcast %jit3A_825 : f32 to vector<8x128xf32>
      %select_n3A_827 = arith.select %gt3A_112, %broadcast_in_dim3A_826, %get3A_824 : vector<8x128xi1>, vector<8x128xf32>
      %gt3A_828 = arith.cmpf ogt, %select_n3A_827, %max3A_728 : vector<8x128xf32>
      %jit3A_829 = arith.constant 5.200000e+01 : f32
      %broadcast_in_dim3A_830 = vector.broadcast %jit3A_829 : f32 to vector<8x128xf32>
      %select_n3A_831 = arith.select %gt3A_828, %broadcast_in_dim3A_830, %select_n3A_727 : vector<8x128xi1>, vector<8x128xf32>
      %max3A_832 = arith.maximumf %select_n3A_827, %max3A_728 : vector<8x128xf32>
      %get3A_833 = arith.constant 53 : index
      %get3A_834 = arith.constant 0 : index
      %get3A_835 = arith.constant 0 : index
      %get3A_836 = vector.load %arg13[%get3A_833, %get3A_834, %get3A_835] : memref<151x8x128xf32, #tpu.memory_space<vmem>>, vector<1x8x128xf32>
      %get3A_837 = vector.shape_cast %get3A_836 : vector<1x8x128xf32> to vector<8x128xf32>
      %jit3A_838 = arith.constant -1.000000e+00 : f32
      %broadcast_in_dim3A_839 = vector.broadcast %jit3A_838 : f32 to vector<8x128xf32>
      %select_n3A_840 = arith.select %gt3A_112, %broadcast_in_dim3A_839, %get3A_837 : vector<8x128xi1>, vector<8x128xf32>
      %gt3A_841 = arith.cmpf ogt, %select_n3A_840, %max3A_741 : vector<8x128xf32>
      %jit3A_842 = arith.constant 5.300000e+01 : f32
      %broadcast_in_dim3A_843 = vector.broadcast %jit3A_842 : f32 to vector<8x128xf32>
      %select_n3A_844 = arith.select %gt3A_841, %broadcast_in_dim3A_843, %select_n3A_740 : vector<8x128xi1>, vector<8x128xf32>
      %max3A_845 = arith.maximumf %select_n3A_840, %max3A_741 : vector<8x128xf32>
      %get3A_846 = arith.constant 54 : index
      %get3A_847 = arith.constant 0 : index
      %get3A_848 = arith.constant 0 : index
      %get3A_849 = vector.load %arg13[%get3A_846, %get3A_847, %get3A_848] : memref<151x8x128xf32, #tpu.memory_space<vmem>>, vector<1x8x128xf32>
      %get3A_850 = vector.shape_cast %get3A_849 : vector<1x8x128xf32> to vector<8x128xf32>
      %jit3A_851 = arith.constant -1.000000e+00 : f32
      %broadcast_in_dim3A_852 = vector.broadcast %jit3A_851 : f32 to vector<8x128xf32>
      %select_n3A_853 = arith.select %gt3A_112, %broadcast_in_dim3A_852, %get3A_850 : vector<8x128xi1>, vector<8x128xf32>
      %gt3A_854 = arith.cmpf ogt, %select_n3A_853, %max3A_754 : vector<8x128xf32>
      %jit3A_855 = arith.constant 5.400000e+01 : f32
      %broadcast_in_dim3A_856 = vector.broadcast %jit3A_855 : f32 to vector<8x128xf32>
      %select_n3A_857 = arith.select %gt3A_854, %broadcast_in_dim3A_856, %select_n3A_753 : vector<8x128xi1>, vector<8x128xf32>
      %max3A_858 = arith.maximumf %select_n3A_853, %max3A_754 : vector<8x128xf32>
      %get3A_859 = arith.constant 55 : index
      %get3A_860 = arith.constant 0 : index
      %get3A_861 = arith.constant 0 : index
      %get3A_862 = vector.load %arg13[%get3A_859, %get3A_860, %get3A_861] : memref<151x8x128xf32, #tpu.memory_space<vmem>>, vector<1x8x128xf32>
      %get3A_863 = vector.shape_cast %get3A_862 : vector<1x8x128xf32> to vector<8x128xf32>
      %jit3A_864 = arith.constant -1.000000e+00 : f32
      %broadcast_in_dim3A_865 = vector.broadcast %jit3A_864 : f32 to vector<8x128xf32>
      %select_n3A_866 = arith.select %gt3A_112, %broadcast_in_dim3A_865, %get3A_863 : vector<8x128xi1>, vector<8x128xf32>
      %gt3A_867 = arith.cmpf ogt, %select_n3A_866, %max3A_767 : vector<8x128xf32>
      %jit3A_868 = arith.constant 5.500000e+01 : f32
      %broadcast_in_dim3A_869 = vector.broadcast %jit3A_868 : f32 to vector<8x128xf32>
      %select_n3A_870 = arith.select %gt3A_867, %broadcast_in_dim3A_869, %select_n3A_766 : vector<8x128xi1>, vector<8x128xf32>
      %max3A_871 = arith.maximumf %select_n3A_866, %max3A_767 : vector<8x128xf32>
      %get3A_872 = arith.constant 56 : index
      %get3A_873 = arith.constant 0 : index
      %get3A_874 = arith.constant 0 : index
      %get3A_875 = vector.load %arg13[%get3A_872, %get3A_873, %get3A_874] : memref<151x8x128xf32, #tpu.memory_space<vmem>>, vector<1x8x128xf32>
      %get3A_876 = vector.shape_cast %get3A_875 : vector<1x8x128xf32> to vector<8x128xf32>
      %jit3A_877 = arith.constant -1.000000e+00 : f32
      %broadcast_in_dim3A_878 = vector.broadcast %jit3A_877 : f32 to vector<8x128xf32>
      %select_n3A_879 = arith.select %gt3A_112, %broadcast_in_dim3A_878, %get3A_876 : vector<8x128xi1>, vector<8x128xf32>
      %gt3A_880 = arith.cmpf ogt, %select_n3A_879, %max3A_780 : vector<8x128xf32>
      %jit3A_881 = arith.constant 5.600000e+01 : f32
      %broadcast_in_dim3A_882 = vector.broadcast %jit3A_881 : f32 to vector<8x128xf32>
      %select_n3A_883 = arith.select %gt3A_880, %broadcast_in_dim3A_882, %select_n3A_779 : vector<8x128xi1>, vector<8x128xf32>
      %max3A_884 = arith.maximumf %select_n3A_879, %max3A_780 : vector<8x128xf32>
      %get3A_885 = arith.constant 57 : index
      %get3A_886 = arith.constant 0 : index
      %get3A_887 = arith.constant 0 : index
      %get3A_888 = vector.load %arg13[%get3A_885, %get3A_886, %get3A_887] : memref<151x8x128xf32, #tpu.memory_space<vmem>>, vector<1x8x128xf32>
      %get3A_889 = vector.shape_cast %get3A_888 : vector<1x8x128xf32> to vector<8x128xf32>
      %jit3A_890 = arith.constant -1.000000e+00 : f32
      %broadcast_in_dim3A_891 = vector.broadcast %jit3A_890 : f32 to vector<8x128xf32>
      %select_n3A_892 = arith.select %gt3A_112, %broadcast_in_dim3A_891, %get3A_889 : vector<8x128xi1>, vector<8x128xf32>
      %gt3A_893 = arith.cmpf ogt, %select_n3A_892, %max3A_793 : vector<8x128xf32>
      %jit3A_894 = arith.constant 5.700000e+01 : f32
      %broadcast_in_dim3A_895 = vector.broadcast %jit3A_894 : f32 to vector<8x128xf32>
      %select_n3A_896 = arith.select %gt3A_893, %broadcast_in_dim3A_895, %select_n3A_792 : vector<8x128xi1>, vector<8x128xf32>
      %max3A_897 = arith.maximumf %select_n3A_892, %max3A_793 : vector<8x128xf32>
      %get3A_898 = arith.constant 58 : index
      %get3A_899 = arith.constant 0 : index
      %get3A_900 = arith.constant 0 : index
      %get3A_901 = vector.load %arg13[%get3A_898, %get3A_899, %get3A_900] : memref<151x8x128xf32, #tpu.memory_space<vmem>>, vector<1x8x128xf32>
      %get3A_902 = vector.shape_cast %get3A_901 : vector<1x8x128xf32> to vector<8x128xf32>
      %jit3A_903 = arith.constant -1.000000e+00 : f32
      %broadcast_in_dim3A_904 = vector.broadcast %jit3A_903 : f32 to vector<8x128xf32>
      %select_n3A_905 = arith.select %gt3A_112, %broadcast_in_dim3A_904, %get3A_902 : vector<8x128xi1>, vector<8x128xf32>
      %gt3A_906 = arith.cmpf ogt, %select_n3A_905, %max3A_806 : vector<8x128xf32>
      %jit3A_907 = arith.constant 5.800000e+01 : f32
      %broadcast_in_dim3A_908 = vector.broadcast %jit3A_907 : f32 to vector<8x128xf32>
      %select_n3A_909 = arith.select %gt3A_906, %broadcast_in_dim3A_908, %select_n3A_805 : vector<8x128xi1>, vector<8x128xf32>
      %max3A_910 = arith.maximumf %select_n3A_905, %max3A_806 : vector<8x128xf32>
      %get3A_911 = arith.constant 59 : index
      %get3A_912 = arith.constant 0 : index
      %get3A_913 = arith.constant 0 : index
      %get3A_914 = vector.load %arg13[%get3A_911, %get3A_912, %get3A_913] : memref<151x8x128xf32, #tpu.memory_space<vmem>>, vector<1x8x128xf32>
      %get3A_915 = vector.shape_cast %get3A_914 : vector<1x8x128xf32> to vector<8x128xf32>
      %jit3A_916 = arith.constant -1.000000e+00 : f32
      %broadcast_in_dim3A_917 = vector.broadcast %jit3A_916 : f32 to vector<8x128xf32>
      %select_n3A_918 = arith.select %gt3A_112, %broadcast_in_dim3A_917, %get3A_915 : vector<8x128xi1>, vector<8x128xf32>
      %gt3A_919 = arith.cmpf ogt, %select_n3A_918, %max3A_819 : vector<8x128xf32>
      %jit3A_920 = arith.constant 5.900000e+01 : f32
      %broadcast_in_dim3A_921 = vector.broadcast %jit3A_920 : f32 to vector<8x128xf32>
      %select_n3A_922 = arith.select %gt3A_919, %broadcast_in_dim3A_921, %select_n3A_818 : vector<8x128xi1>, vector<8x128xf32>
      %max3A_923 = arith.maximumf %select_n3A_918, %max3A_819 : vector<8x128xf32>
      %get3A_924 = arith.constant 60 : index
      %get3A_925 = arith.constant 0 : index
      %get3A_926 = arith.constant 0 : index
      %get3A_927 = vector.load %arg13[%get3A_924, %get3A_925, %get3A_926] : memref<151x8x128xf32, #tpu.memory_space<vmem>>, vector<1x8x128xf32>
      %get3A_928 = vector.shape_cast %get3A_927 : vector<1x8x128xf32> to vector<8x128xf32>
      %jit3A_929 = arith.constant -1.000000e+00 : f32
      %broadcast_in_dim3A_930 = vector.broadcast %jit3A_929 : f32 to vector<8x128xf32>
      %select_n3A_931 = arith.select %gt3A_112, %broadcast_in_dim3A_930, %get3A_928 : vector<8x128xi1>, vector<8x128xf32>
      %gt3A_932 = arith.cmpf ogt, %select_n3A_931, %max3A_832 : vector<8x128xf32>
      %jit3A_933 = arith.constant 6.000000e+01 : f32
      %broadcast_in_dim3A_934 = vector.broadcast %jit3A_933 : f32 to vector<8x128xf32>
      %select_n3A_935 = arith.select %gt3A_932, %broadcast_in_dim3A_934, %select_n3A_831 : vector<8x128xi1>, vector<8x128xf32>
      %max3A_936 = arith.maximumf %select_n3A_931, %max3A_832 : vector<8x128xf32>
      %get3A_937 = arith.constant 61 : index
      %get3A_938 = arith.constant 0 : index
      %get3A_939 = arith.constant 0 : index
      %get3A_940 = vector.load %arg13[%get3A_937, %get3A_938, %get3A_939] : memref<151x8x128xf32, #tpu.memory_space<vmem>>, vector<1x8x128xf32>
      %get3A_941 = vector.shape_cast %get3A_940 : vector<1x8x128xf32> to vector<8x128xf32>
      %jit3A_942 = arith.constant -1.000000e+00 : f32
      %broadcast_in_dim3A_943 = vector.broadcast %jit3A_942 : f32 to vector<8x128xf32>
      %select_n3A_944 = arith.select %gt3A_112, %broadcast_in_dim3A_943, %get3A_941 : vector<8x128xi1>, vector<8x128xf32>
      %gt3A_945 = arith.cmpf ogt, %select_n3A_944, %max3A_845 : vector<8x128xf32>
      %jit3A_946 = arith.constant 6.100000e+01 : f32
      %broadcast_in_dim3A_947 = vector.broadcast %jit3A_946 : f32 to vector<8x128xf32>
      %select_n3A_948 = arith.select %gt3A_945, %broadcast_in_dim3A_947, %select_n3A_844 : vector<8x128xi1>, vector<8x128xf32>
      %max3A_949 = arith.maximumf %select_n3A_944, %max3A_845 : vector<8x128xf32>
      %get3A_950 = arith.constant 62 : index
      %get3A_951 = arith.constant 0 : index
      %get3A_952 = arith.constant 0 : index
      %get3A_953 = vector.load %arg13[%get3A_950, %get3A_951, %get3A_952] : memref<151x8x128xf32, #tpu.memory_space<vmem>>, vector<1x8x128xf32>
      %get3A_954 = vector.shape_cast %get3A_953 : vector<1x8x128xf32> to vector<8x128xf32>
      %jit3A_955 = arith.constant -1.000000e+00 : f32
      %broadcast_in_dim3A_956 = vector.broadcast %jit3A_955 : f32 to vector<8x128xf32>
      %select_n3A_957 = arith.select %gt3A_112, %broadcast_in_dim3A_956, %get3A_954 : vector<8x128xi1>, vector<8x128xf32>
      %gt3A_958 = arith.cmpf ogt, %select_n3A_957, %max3A_858 : vector<8x128xf32>
      %jit3A_959 = arith.constant 6.200000e+01 : f32
      %broadcast_in_dim3A_960 = vector.broadcast %jit3A_959 : f32 to vector<8x128xf32>
      %select_n3A_961 = arith.select %gt3A_958, %broadcast_in_dim3A_960, %select_n3A_857 : vector<8x128xi1>, vector<8x128xf32>
      %max3A_962 = arith.maximumf %select_n3A_957, %max3A_858 : vector<8x128xf32>
      %get3A_963 = arith.constant 63 : index
      %get3A_964 = arith.constant 0 : index
      %get3A_965 = arith.constant 0 : index
      %get3A_966 = vector.load %arg13[%get3A_963, %get3A_964, %get3A_965] : memref<151x8x128xf32, #tpu.memory_space<vmem>>, vector<1x8x128xf32>
      %get3A_967 = vector.shape_cast %get3A_966 : vector<1x8x128xf32> to vector<8x128xf32>
      %jit3A_968 = arith.constant -1.000000e+00 : f32
      %broadcast_in_dim3A_969 = vector.broadcast %jit3A_968 : f32 to vector<8x128xf32>
      %select_n3A_970 = arith.select %gt3A_112, %broadcast_in_dim3A_969, %get3A_967 : vector<8x128xi1>, vector<8x128xf32>
      %gt3A_971 = arith.cmpf ogt, %select_n3A_970, %max3A_871 : vector<8x128xf32>
      %jit3A_972 = arith.constant 6.300000e+01 : f32
      %broadcast_in_dim3A_973 = vector.broadcast %jit3A_972 : f32 to vector<8x128xf32>
      %select_n3A_974 = arith.select %gt3A_971, %broadcast_in_dim3A_973, %select_n3A_870 : vector<8x128xi1>, vector<8x128xf32>
      %max3A_975 = arith.maximumf %select_n3A_970, %max3A_871 : vector<8x128xf32>
      %get3A_976 = arith.constant 64 : index
      %get3A_977 = arith.constant 0 : index
      %get3A_978 = arith.constant 0 : index
      %get3A_979 = vector.load %arg13[%get3A_976, %get3A_977, %get3A_978] : memref<151x8x128xf32, #tpu.memory_space<vmem>>, vector<1x8x128xf32>
      %get3A_980 = vector.shape_cast %get3A_979 : vector<1x8x128xf32> to vector<8x128xf32>
      %jit3A_981 = arith.constant -1.000000e+00 : f32
      %broadcast_in_dim3A_982 = vector.broadcast %jit3A_981 : f32 to vector<8x128xf32>
      %select_n3A_983 = arith.select %gt3A_112, %broadcast_in_dim3A_982, %get3A_980 : vector<8x128xi1>, vector<8x128xf32>
      %gt3A_984 = arith.cmpf ogt, %select_n3A_983, %max3A_884 : vector<8x128xf32>
      %jit3A_985 = arith.constant 6.400000e+01 : f32
      %broadcast_in_dim3A_986 = vector.broadcast %jit3A_985 : f32 to vector<8x128xf32>
      %select_n3A_987 = arith.select %gt3A_984, %broadcast_in_dim3A_986, %select_n3A_883 : vector<8x128xi1>, vector<8x128xf32>
      %max3A_988 = arith.maximumf %select_n3A_983, %max3A_884 : vector<8x128xf32>
      %get3A_989 = arith.constant 65 : index
      %get3A_990 = arith.constant 0 : index
      %get3A_991 = arith.constant 0 : index
      %get3A_992 = vector.load %arg13[%get3A_989, %get3A_990, %get3A_991] : memref<151x8x128xf32, #tpu.memory_space<vmem>>, vector<1x8x128xf32>
      %get3A_993 = vector.shape_cast %get3A_992 : vector<1x8x128xf32> to vector<8x128xf32>
      %jit3A_994 = arith.constant -1.000000e+00 : f32
      %broadcast_in_dim3A_995 = vector.broadcast %jit3A_994 : f32 to vector<8x128xf32>
      %select_n3A_996 = arith.select %gt3A_112, %broadcast_in_dim3A_995, %get3A_993 : vector<8x128xi1>, vector<8x128xf32>
      %gt3A_997 = arith.cmpf ogt, %select_n3A_996, %max3A_897 : vector<8x128xf32>
      %jit3A_998 = arith.constant 6.500000e+01 : f32
      %broadcast_in_dim3A_999 = vector.broadcast %jit3A_998 : f32 to vector<8x128xf32>
      %select_n3A_1000 = arith.select %gt3A_997, %broadcast_in_dim3A_999, %select_n3A_896 : vector<8x128xi1>, vector<8x128xf32>
      %max3A_1001 = arith.maximumf %select_n3A_996, %max3A_897 : vector<8x128xf32>
      %get3A_1002 = arith.constant 66 : index
      %get3A_1003 = arith.constant 0 : index
      %get3A_1004 = arith.constant 0 : index
      %get3A_1005 = vector.load %arg13[%get3A_1002, %get3A_1003, %get3A_1004] : memref<151x8x128xf32, #tpu.memory_space<vmem>>, vector<1x8x128xf32>
      %get3A_1006 = vector.shape_cast %get3A_1005 : vector<1x8x128xf32> to vector<8x128xf32>
      %jit3A_1007 = arith.constant -1.000000e+00 : f32
      %broadcast_in_dim3A_1008 = vector.broadcast %jit3A_1007 : f32 to vector<8x128xf32>
      %select_n3A_1009 = arith.select %gt3A_112, %broadcast_in_dim3A_1008, %get3A_1006 : vector<8x128xi1>, vector<8x128xf32>
      %gt3A_1010 = arith.cmpf ogt, %select_n3A_1009, %max3A_910 : vector<8x128xf32>
      %jit3A_1011 = arith.constant 6.600000e+01 : f32
      %broadcast_in_dim3A_1012 = vector.broadcast %jit3A_1011 : f32 to vector<8x128xf32>
      %select_n3A_1013 = arith.select %gt3A_1010, %broadcast_in_dim3A_1012, %select_n3A_909 : vector<8x128xi1>, vector<8x128xf32>
      %max3A_1014 = arith.maximumf %select_n3A_1009, %max3A_910 : vector<8x128xf32>
      %get3A_1015 = arith.constant 67 : index
      %get3A_1016 = arith.constant 0 : index
      %get3A_1017 = arith.constant 0 : index
      %get3A_1018 = vector.load %arg13[%get3A_1015, %get3A_1016, %get3A_1017] : memref<151x8x128xf32, #tpu.memory_space<vmem>>, vector<1x8x128xf32>
      %get3A_1019 = vector.shape_cast %get3A_1018 : vector<1x8x128xf32> to vector<8x128xf32>
      %jit3A_1020 = arith.constant -1.000000e+00 : f32
      %broadcast_in_dim3A_1021 = vector.broadcast %jit3A_1020 : f32 to vector<8x128xf32>
      %select_n3A_1022 = arith.select %gt3A_112, %broadcast_in_dim3A_1021, %get3A_1019 : vector<8x128xi1>, vector<8x128xf32>
      %gt3A_1023 = arith.cmpf ogt, %select_n3A_1022, %max3A_923 : vector<8x128xf32>
      %jit3A_1024 = arith.constant 6.700000e+01 : f32
      %broadcast_in_dim3A_1025 = vector.broadcast %jit3A_1024 : f32 to vector<8x128xf32>
      %select_n3A_1026 = arith.select %gt3A_1023, %broadcast_in_dim3A_1025, %select_n3A_922 : vector<8x128xi1>, vector<8x128xf32>
      %max3A_1027 = arith.maximumf %select_n3A_1022, %max3A_923 : vector<8x128xf32>
      %get3A_1028 = arith.constant 68 : index
      %get3A_1029 = arith.constant 0 : index
      %get3A_1030 = arith.constant 0 : index
      %get3A_1031 = vector.load %arg13[%get3A_1028, %get3A_1029, %get3A_1030] : memref<151x8x128xf32, #tpu.memory_space<vmem>>, vector<1x8x128xf32>
      %get3A_1032 = vector.shape_cast %get3A_1031 : vector<1x8x128xf32> to vector<8x128xf32>
      %jit3A_1033 = arith.constant -1.000000e+00 : f32
      %broadcast_in_dim3A_1034 = vector.broadcast %jit3A_1033 : f32 to vector<8x128xf32>
      %select_n3A_1035 = arith.select %gt3A_112, %broadcast_in_dim3A_1034, %get3A_1032 : vector<8x128xi1>, vector<8x128xf32>
      %gt3A_1036 = arith.cmpf ogt, %select_n3A_1035, %max3A_936 : vector<8x128xf32>
      %jit3A_1037 = arith.constant 6.800000e+01 : f32
      %broadcast_in_dim3A_1038 = vector.broadcast %jit3A_1037 : f32 to vector<8x128xf32>
      %select_n3A_1039 = arith.select %gt3A_1036, %broadcast_in_dim3A_1038, %select_n3A_935 : vector<8x128xi1>, vector<8x128xf32>
      %max3A_1040 = arith.maximumf %select_n3A_1035, %max3A_936 : vector<8x128xf32>
      %get3A_1041 = arith.constant 69 : index
      %get3A_1042 = arith.constant 0 : index
      %get3A_1043 = arith.constant 0 : index
      %get3A_1044 = vector.load %arg13[%get3A_1041, %get3A_1042, %get3A_1043] : memref<151x8x128xf32, #tpu.memory_space<vmem>>, vector<1x8x128xf32>
      %get3A_1045 = vector.shape_cast %get3A_1044 : vector<1x8x128xf32> to vector<8x128xf32>
      %jit3A_1046 = arith.constant -1.000000e+00 : f32
      %broadcast_in_dim3A_1047 = vector.broadcast %jit3A_1046 : f32 to vector<8x128xf32>
      %select_n3A_1048 = arith.select %gt3A_112, %broadcast_in_dim3A_1047, %get3A_1045 : vector<8x128xi1>, vector<8x128xf32>
      %gt3A_1049 = arith.cmpf ogt, %select_n3A_1048, %max3A_949 : vector<8x128xf32>
      %jit3A_1050 = arith.constant 6.900000e+01 : f32
      %broadcast_in_dim3A_1051 = vector.broadcast %jit3A_1050 : f32 to vector<8x128xf32>
      %select_n3A_1052 = arith.select %gt3A_1049, %broadcast_in_dim3A_1051, %select_n3A_948 : vector<8x128xi1>, vector<8x128xf32>
      %max3A_1053 = arith.maximumf %select_n3A_1048, %max3A_949 : vector<8x128xf32>
      %get3A_1054 = arith.constant 70 : index
      %get3A_1055 = arith.constant 0 : index
      %get3A_1056 = arith.constant 0 : index
      %get3A_1057 = vector.load %arg13[%get3A_1054, %get3A_1055, %get3A_1056] : memref<151x8x128xf32, #tpu.memory_space<vmem>>, vector<1x8x128xf32>
      %get3A_1058 = vector.shape_cast %get3A_1057 : vector<1x8x128xf32> to vector<8x128xf32>
      %jit3A_1059 = arith.constant -1.000000e+00 : f32
      %broadcast_in_dim3A_1060 = vector.broadcast %jit3A_1059 : f32 to vector<8x128xf32>
      %select_n3A_1061 = arith.select %gt3A_112, %broadcast_in_dim3A_1060, %get3A_1058 : vector<8x128xi1>, vector<8x128xf32>
      %gt3A_1062 = arith.cmpf ogt, %select_n3A_1061, %max3A_962 : vector<8x128xf32>
      %jit3A_1063 = arith.constant 7.000000e+01 : f32
      %broadcast_in_dim3A_1064 = vector.broadcast %jit3A_1063 : f32 to vector<8x128xf32>
      %select_n3A_1065 = arith.select %gt3A_1062, %broadcast_in_dim3A_1064, %select_n3A_961 : vector<8x128xi1>, vector<8x128xf32>
      %max3A_1066 = arith.maximumf %select_n3A_1061, %max3A_962 : vector<8x128xf32>
      %get3A_1067 = arith.constant 71 : index
      %get3A_1068 = arith.constant 0 : index
      %get3A_1069 = arith.constant 0 : index
      %get3A_1070 = vector.load %arg13[%get3A_1067, %get3A_1068, %get3A_1069] : memref<151x8x128xf32, #tpu.memory_space<vmem>>, vector<1x8x128xf32>
      %get3A_1071 = vector.shape_cast %get3A_1070 : vector<1x8x128xf32> to vector<8x128xf32>
      %jit3A_1072 = arith.constant -1.000000e+00 : f32
      %broadcast_in_dim3A_1073 = vector.broadcast %jit3A_1072 : f32 to vector<8x128xf32>
      %select_n3A_1074 = arith.select %gt3A_112, %broadcast_in_dim3A_1073, %get3A_1071 : vector<8x128xi1>, vector<8x128xf32>
      %gt3A_1075 = arith.cmpf ogt, %select_n3A_1074, %max3A_975 : vector<8x128xf32>
      %jit3A_1076 = arith.constant 7.100000e+01 : f32
      %broadcast_in_dim3A_1077 = vector.broadcast %jit3A_1076 : f32 to vector<8x128xf32>
      %select_n3A_1078 = arith.select %gt3A_1075, %broadcast_in_dim3A_1077, %select_n3A_974 : vector<8x128xi1>, vector<8x128xf32>
      %max3A_1079 = arith.maximumf %select_n3A_1074, %max3A_975 : vector<8x128xf32>
      %get3A_1080 = arith.constant 72 : index
      %get3A_1081 = arith.constant 0 : index
      %get3A_1082 = arith.constant 0 : index
      %get3A_1083 = vector.load %arg13[%get3A_1080, %get3A_1081, %get3A_1082] : memref<151x8x128xf32, #tpu.memory_space<vmem>>, vector<1x8x128xf32>
      %get3A_1084 = vector.shape_cast %get3A_1083 : vector<1x8x128xf32> to vector<8x128xf32>
      %jit3A_1085 = arith.constant -1.000000e+00 : f32
      %broadcast_in_dim3A_1086 = vector.broadcast %jit3A_1085 : f32 to vector<8x128xf32>
      %select_n3A_1087 = arith.select %gt3A_112, %broadcast_in_dim3A_1086, %get3A_1084 : vector<8x128xi1>, vector<8x128xf32>
      %gt3A_1088 = arith.cmpf ogt, %select_n3A_1087, %max3A_988 : vector<8x128xf32>
      %jit3A_1089 = arith.constant 7.200000e+01 : f32
      %broadcast_in_dim3A_1090 = vector.broadcast %jit3A_1089 : f32 to vector<8x128xf32>
      %select_n3A_1091 = arith.select %gt3A_1088, %broadcast_in_dim3A_1090, %select_n3A_987 : vector<8x128xi1>, vector<8x128xf32>
      %max3A_1092 = arith.maximumf %select_n3A_1087, %max3A_988 : vector<8x128xf32>
      %get3A_1093 = arith.constant 73 : index
      %get3A_1094 = arith.constant 0 : index
      %get3A_1095 = arith.constant 0 : index
      %get3A_1096 = vector.load %arg13[%get3A_1093, %get3A_1094, %get3A_1095] : memref<151x8x128xf32, #tpu.memory_space<vmem>>, vector<1x8x128xf32>
      %get3A_1097 = vector.shape_cast %get3A_1096 : vector<1x8x128xf32> to vector<8x128xf32>
      %jit3A_1098 = arith.constant -1.000000e+00 : f32
      %broadcast_in_dim3A_1099 = vector.broadcast %jit3A_1098 : f32 to vector<8x128xf32>
      %select_n3A_1100 = arith.select %gt3A_112, %broadcast_in_dim3A_1099, %get3A_1097 : vector<8x128xi1>, vector<8x128xf32>
      %gt3A_1101 = arith.cmpf ogt, %select_n3A_1100, %max3A_1001 : vector<8x128xf32>
      %jit3A_1102 = arith.constant 7.300000e+01 : f32
      %broadcast_in_dim3A_1103 = vector.broadcast %jit3A_1102 : f32 to vector<8x128xf32>
      %select_n3A_1104 = arith.select %gt3A_1101, %broadcast_in_dim3A_1103, %select_n3A_1000 : vector<8x128xi1>, vector<8x128xf32>
      %max3A_1105 = arith.maximumf %select_n3A_1100, %max3A_1001 : vector<8x128xf32>
      %get3A_1106 = arith.constant 74 : index
      %get3A_1107 = arith.constant 0 : index
      %get3A_1108 = arith.constant 0 : index
      %get3A_1109 = vector.load %arg13[%get3A_1106, %get3A_1107, %get3A_1108] : memref<151x8x128xf32, #tpu.memory_space<vmem>>, vector<1x8x128xf32>
      %get3A_1110 = vector.shape_cast %get3A_1109 : vector<1x8x128xf32> to vector<8x128xf32>
      %jit3A_1111 = arith.constant -1.000000e+00 : f32
      %broadcast_in_dim3A_1112 = vector.broadcast %jit3A_1111 : f32 to vector<8x128xf32>
      %select_n3A_1113 = arith.select %gt3A_112, %broadcast_in_dim3A_1112, %get3A_1110 : vector<8x128xi1>, vector<8x128xf32>
      %gt3A_1114 = arith.cmpf ogt, %select_n3A_1113, %max3A_1014 : vector<8x128xf32>
      %jit3A_1115 = arith.constant 7.400000e+01 : f32
      %broadcast_in_dim3A_1116 = vector.broadcast %jit3A_1115 : f32 to vector<8x128xf32>
      %select_n3A_1117 = arith.select %gt3A_1114, %broadcast_in_dim3A_1116, %select_n3A_1013 : vector<8x128xi1>, vector<8x128xf32>
      %max3A_1118 = arith.maximumf %select_n3A_1113, %max3A_1014 : vector<8x128xf32>
      %get3A_1119 = arith.constant 75 : index
      %get3A_1120 = arith.constant 0 : index
      %get3A_1121 = arith.constant 0 : index
      %get3A_1122 = vector.load %arg13[%get3A_1119, %get3A_1120, %get3A_1121] : memref<151x8x128xf32, #tpu.memory_space<vmem>>, vector<1x8x128xf32>
      %get3A_1123 = vector.shape_cast %get3A_1122 : vector<1x8x128xf32> to vector<8x128xf32>
      %jit3A_1124 = arith.constant -1.000000e+00 : f32
      %broadcast_in_dim3A_1125 = vector.broadcast %jit3A_1124 : f32 to vector<8x128xf32>
      %select_n3A_1126 = arith.select %gt3A_112, %broadcast_in_dim3A_1125, %get3A_1123 : vector<8x128xi1>, vector<8x128xf32>
      %gt3A_1127 = arith.cmpf ogt, %select_n3A_1126, %max3A_1027 : vector<8x128xf32>
      %jit3A_1128 = arith.constant 7.500000e+01 : f32
      %broadcast_in_dim3A_1129 = vector.broadcast %jit3A_1128 : f32 to vector<8x128xf32>
      %select_n3A_1130 = arith.select %gt3A_1127, %broadcast_in_dim3A_1129, %select_n3A_1026 : vector<8x128xi1>, vector<8x128xf32>
      %max3A_1131 = arith.maximumf %select_n3A_1126, %max3A_1027 : vector<8x128xf32>
      %get3A_1132 = arith.constant 76 : index
      %get3A_1133 = arith.constant 0 : index
      %get3A_1134 = arith.constant 0 : index
      %get3A_1135 = vector.load %arg13[%get3A_1132, %get3A_1133, %get3A_1134] : memref<151x8x128xf32, #tpu.memory_space<vmem>>, vector<1x8x128xf32>
      %get3A_1136 = vector.shape_cast %get3A_1135 : vector<1x8x128xf32> to vector<8x128xf32>
      %jit3A_1137 = arith.constant -1.000000e+00 : f32
      %broadcast_in_dim3A_1138 = vector.broadcast %jit3A_1137 : f32 to vector<8x128xf32>
      %select_n3A_1139 = arith.select %gt3A_112, %broadcast_in_dim3A_1138, %get3A_1136 : vector<8x128xi1>, vector<8x128xf32>
      %gt3A_1140 = arith.cmpf ogt, %select_n3A_1139, %max3A_1040 : vector<8x128xf32>
      %jit3A_1141 = arith.constant 7.600000e+01 : f32
      %broadcast_in_dim3A_1142 = vector.broadcast %jit3A_1141 : f32 to vector<8x128xf32>
      %select_n3A_1143 = arith.select %gt3A_1140, %broadcast_in_dim3A_1142, %select_n3A_1039 : vector<8x128xi1>, vector<8x128xf32>
      %max3A_1144 = arith.maximumf %select_n3A_1139, %max3A_1040 : vector<8x128xf32>
      %get3A_1145 = arith.constant 77 : index
      %get3A_1146 = arith.constant 0 : index
      %get3A_1147 = arith.constant 0 : index
      %get3A_1148 = vector.load %arg13[%get3A_1145, %get3A_1146, %get3A_1147] : memref<151x8x128xf32, #tpu.memory_space<vmem>>, vector<1x8x128xf32>
      %get3A_1149 = vector.shape_cast %get3A_1148 : vector<1x8x128xf32> to vector<8x128xf32>
      %jit3A_1150 = arith.constant -1.000000e+00 : f32
      %broadcast_in_dim3A_1151 = vector.broadcast %jit3A_1150 : f32 to vector<8x128xf32>
      %select_n3A_1152 = arith.select %gt3A_112, %broadcast_in_dim3A_1151, %get3A_1149 : vector<8x128xi1>, vector<8x128xf32>
      %gt3A_1153 = arith.cmpf ogt, %select_n3A_1152, %max3A_1053 : vector<8x128xf32>
      %jit3A_1154 = arith.constant 7.700000e+01 : f32
      %broadcast_in_dim3A_1155 = vector.broadcast %jit3A_1154 : f32 to vector<8x128xf32>
      %select_n3A_1156 = arith.select %gt3A_1153, %broadcast_in_dim3A_1155, %select_n3A_1052 : vector<8x128xi1>, vector<8x128xf32>
      %max3A_1157 = arith.maximumf %select_n3A_1152, %max3A_1053 : vector<8x128xf32>
      %get3A_1158 = arith.constant 78 : index
      %get3A_1159 = arith.constant 0 : index
      %get3A_1160 = arith.constant 0 : index
      %get3A_1161 = vector.load %arg13[%get3A_1158, %get3A_1159, %get3A_1160] : memref<151x8x128xf32, #tpu.memory_space<vmem>>, vector<1x8x128xf32>
      %get3A_1162 = vector.shape_cast %get3A_1161 : vector<1x8x128xf32> to vector<8x128xf32>
      %jit3A_1163 = arith.constant -1.000000e+00 : f32
      %broadcast_in_dim3A_1164 = vector.broadcast %jit3A_1163 : f32 to vector<8x128xf32>
      %select_n3A_1165 = arith.select %gt3A_112, %broadcast_in_dim3A_1164, %get3A_1162 : vector<8x128xi1>, vector<8x128xf32>
      %gt3A_1166 = arith.cmpf ogt, %select_n3A_1165, %max3A_1066 : vector<8x128xf32>
      %jit3A_1167 = arith.constant 7.800000e+01 : f32
      %broadcast_in_dim3A_1168 = vector.broadcast %jit3A_1167 : f32 to vector<8x128xf32>
      %select_n3A_1169 = arith.select %gt3A_1166, %broadcast_in_dim3A_1168, %select_n3A_1065 : vector<8x128xi1>, vector<8x128xf32>
      %max3A_1170 = arith.maximumf %select_n3A_1165, %max3A_1066 : vector<8x128xf32>
      %get3A_1171 = arith.constant 79 : index
      %get3A_1172 = arith.constant 0 : index
      %get3A_1173 = arith.constant 0 : index
      %get3A_1174 = vector.load %arg13[%get3A_1171, %get3A_1172, %get3A_1173] : memref<151x8x128xf32, #tpu.memory_space<vmem>>, vector<1x8x128xf32>
      %get3A_1175 = vector.shape_cast %get3A_1174 : vector<1x8x128xf32> to vector<8x128xf32>
      %jit3A_1176 = arith.constant -1.000000e+00 : f32
      %broadcast_in_dim3A_1177 = vector.broadcast %jit3A_1176 : f32 to vector<8x128xf32>
      %select_n3A_1178 = arith.select %gt3A_112, %broadcast_in_dim3A_1177, %get3A_1175 : vector<8x128xi1>, vector<8x128xf32>
      %gt3A_1179 = arith.cmpf ogt, %select_n3A_1178, %max3A_1079 : vector<8x128xf32>
      %jit3A_1180 = arith.constant 7.900000e+01 : f32
      %broadcast_in_dim3A_1181 = vector.broadcast %jit3A_1180 : f32 to vector<8x128xf32>
      %select_n3A_1182 = arith.select %gt3A_1179, %broadcast_in_dim3A_1181, %select_n3A_1078 : vector<8x128xi1>, vector<8x128xf32>
      %max3A_1183 = arith.maximumf %select_n3A_1178, %max3A_1079 : vector<8x128xf32>
      %get3A_1184 = arith.constant 80 : index
      %get3A_1185 = arith.constant 0 : index
      %get3A_1186 = arith.constant 0 : index
      %get3A_1187 = vector.load %arg13[%get3A_1184, %get3A_1185, %get3A_1186] : memref<151x8x128xf32, #tpu.memory_space<vmem>>, vector<1x8x128xf32>
      %get3A_1188 = vector.shape_cast %get3A_1187 : vector<1x8x128xf32> to vector<8x128xf32>
      %jit3A_1189 = arith.constant -1.000000e+00 : f32
      %broadcast_in_dim3A_1190 = vector.broadcast %jit3A_1189 : f32 to vector<8x128xf32>
      %select_n3A_1191 = arith.select %gt3A_112, %broadcast_in_dim3A_1190, %get3A_1188 : vector<8x128xi1>, vector<8x128xf32>
      %gt3A_1192 = arith.cmpf ogt, %select_n3A_1191, %max3A_1092 : vector<8x128xf32>
      %jit3A_1193 = arith.constant 8.000000e+01 : f32
      %broadcast_in_dim3A_1194 = vector.broadcast %jit3A_1193 : f32 to vector<8x128xf32>
      %select_n3A_1195 = arith.select %gt3A_1192, %broadcast_in_dim3A_1194, %select_n3A_1091 : vector<8x128xi1>, vector<8x128xf32>
      %max3A_1196 = arith.maximumf %select_n3A_1191, %max3A_1092 : vector<8x128xf32>
      %get3A_1197 = arith.constant 81 : index
      %get3A_1198 = arith.constant 0 : index
      %get3A_1199 = arith.constant 0 : index
      %get3A_1200 = vector.load %arg13[%get3A_1197, %get3A_1198, %get3A_1199] : memref<151x8x128xf32, #tpu.memory_space<vmem>>, vector<1x8x128xf32>
      %get3A_1201 = vector.shape_cast %get3A_1200 : vector<1x8x128xf32> to vector<8x128xf32>
      %jit3A_1202 = arith.constant -1.000000e+00 : f32
      %broadcast_in_dim3A_1203 = vector.broadcast %jit3A_1202 : f32 to vector<8x128xf32>
      %select_n3A_1204 = arith.select %gt3A_112, %broadcast_in_dim3A_1203, %get3A_1201 : vector<8x128xi1>, vector<8x128xf32>
      %gt3A_1205 = arith.cmpf ogt, %select_n3A_1204, %max3A_1105 : vector<8x128xf32>
      %jit3A_1206 = arith.constant 8.100000e+01 : f32
      %broadcast_in_dim3A_1207 = vector.broadcast %jit3A_1206 : f32 to vector<8x128xf32>
      %select_n3A_1208 = arith.select %gt3A_1205, %broadcast_in_dim3A_1207, %select_n3A_1104 : vector<8x128xi1>, vector<8x128xf32>
      %max3A_1209 = arith.maximumf %select_n3A_1204, %max3A_1105 : vector<8x128xf32>
      %get3A_1210 = arith.constant 82 : index
      %get3A_1211 = arith.constant 0 : index
      %get3A_1212 = arith.constant 0 : index
      %get3A_1213 = vector.load %arg13[%get3A_1210, %get3A_1211, %get3A_1212] : memref<151x8x128xf32, #tpu.memory_space<vmem>>, vector<1x8x128xf32>
      %get3A_1214 = vector.shape_cast %get3A_1213 : vector<1x8x128xf32> to vector<8x128xf32>
      %jit3A_1215 = arith.constant -1.000000e+00 : f32
      %broadcast_in_dim3A_1216 = vector.broadcast %jit3A_1215 : f32 to vector<8x128xf32>
      %select_n3A_1217 = arith.select %gt3A_112, %broadcast_in_dim3A_1216, %get3A_1214 : vector<8x128xi1>, vector<8x128xf32>
      %gt3A_1218 = arith.cmpf ogt, %select_n3A_1217, %max3A_1118 : vector<8x128xf32>
      %jit3A_1219 = arith.constant 8.200000e+01 : f32
      %broadcast_in_dim3A_1220 = vector.broadcast %jit3A_1219 : f32 to vector<8x128xf32>
      %select_n3A_1221 = arith.select %gt3A_1218, %broadcast_in_dim3A_1220, %select_n3A_1117 : vector<8x128xi1>, vector<8x128xf32>
      %max3A_1222 = arith.maximumf %select_n3A_1217, %max3A_1118 : vector<8x128xf32>
      %get3A_1223 = arith.constant 83 : index
      %get3A_1224 = arith.constant 0 : index
      %get3A_1225 = arith.constant 0 : index
      %get3A_1226 = vector.load %arg13[%get3A_1223, %get3A_1224, %get3A_1225] : memref<151x8x128xf32, #tpu.memory_space<vmem>>, vector<1x8x128xf32>
      %get3A_1227 = vector.shape_cast %get3A_1226 : vector<1x8x128xf32> to vector<8x128xf32>
      %jit3A_1228 = arith.constant -1.000000e+00 : f32
      %broadcast_in_dim3A_1229 = vector.broadcast %jit3A_1228 : f32 to vector<8x128xf32>
      %select_n3A_1230 = arith.select %gt3A_112, %broadcast_in_dim3A_1229, %get3A_1227 : vector<8x128xi1>, vector<8x128xf32>
      %gt3A_1231 = arith.cmpf ogt, %select_n3A_1230, %max3A_1131 : vector<8x128xf32>
      %jit3A_1232 = arith.constant 8.300000e+01 : f32
      %broadcast_in_dim3A_1233 = vector.broadcast %jit3A_1232 : f32 to vector<8x128xf32>
      %select_n3A_1234 = arith.select %gt3A_1231, %broadcast_in_dim3A_1233, %select_n3A_1130 : vector<8x128xi1>, vector<8x128xf32>
      %max3A_1235 = arith.maximumf %select_n3A_1230, %max3A_1131 : vector<8x128xf32>
      %get3A_1236 = arith.constant 84 : index
      %get3A_1237 = arith.constant 0 : index
      %get3A_1238 = arith.constant 0 : index
      %get3A_1239 = vector.load %arg13[%get3A_1236, %get3A_1237, %get3A_1238] : memref<151x8x128xf32, #tpu.memory_space<vmem>>, vector<1x8x128xf32>
      %get3A_1240 = vector.shape_cast %get3A_1239 : vector<1x8x128xf32> to vector<8x128xf32>
      %jit3A_1241 = arith.constant -1.000000e+00 : f32
      %broadcast_in_dim3A_1242 = vector.broadcast %jit3A_1241 : f32 to vector<8x128xf32>
      %select_n3A_1243 = arith.select %gt3A_112, %broadcast_in_dim3A_1242, %get3A_1240 : vector<8x128xi1>, vector<8x128xf32>
      %gt3A_1244 = arith.cmpf ogt, %select_n3A_1243, %max3A_1144 : vector<8x128xf32>
      %jit3A_1245 = arith.constant 8.400000e+01 : f32
      %broadcast_in_dim3A_1246 = vector.broadcast %jit3A_1245 : f32 to vector<8x128xf32>
      %select_n3A_1247 = arith.select %gt3A_1244, %broadcast_in_dim3A_1246, %select_n3A_1143 : vector<8x128xi1>, vector<8x128xf32>
      %max3A_1248 = arith.maximumf %select_n3A_1243, %max3A_1144 : vector<8x128xf32>
      %get3A_1249 = arith.constant 85 : index
      %get3A_1250 = arith.constant 0 : index
      %get3A_1251 = arith.constant 0 : index
      %get3A_1252 = vector.load %arg13[%get3A_1249, %get3A_1250, %get3A_1251] : memref<151x8x128xf32, #tpu.memory_space<vmem>>, vector<1x8x128xf32>
      %get3A_1253 = vector.shape_cast %get3A_1252 : vector<1x8x128xf32> to vector<8x128xf32>
      %jit3A_1254 = arith.constant -1.000000e+00 : f32
      %broadcast_in_dim3A_1255 = vector.broadcast %jit3A_1254 : f32 to vector<8x128xf32>
      %select_n3A_1256 = arith.select %gt3A_112, %broadcast_in_dim3A_1255, %get3A_1253 : vector<8x128xi1>, vector<8x128xf32>
      %gt3A_1257 = arith.cmpf ogt, %select_n3A_1256, %max3A_1157 : vector<8x128xf32>
      %jit3A_1258 = arith.constant 8.500000e+01 : f32
      %broadcast_in_dim3A_1259 = vector.broadcast %jit3A_1258 : f32 to vector<8x128xf32>
      %select_n3A_1260 = arith.select %gt3A_1257, %broadcast_in_dim3A_1259, %select_n3A_1156 : vector<8x128xi1>, vector<8x128xf32>
      %max3A_1261 = arith.maximumf %select_n3A_1256, %max3A_1157 : vector<8x128xf32>
      %get3A_1262 = arith.constant 86 : index
      %get3A_1263 = arith.constant 0 : index
      %get3A_1264 = arith.constant 0 : index
      %get3A_1265 = vector.load %arg13[%get3A_1262, %get3A_1263, %get3A_1264] : memref<151x8x128xf32, #tpu.memory_space<vmem>>, vector<1x8x128xf32>
      %get3A_1266 = vector.shape_cast %get3A_1265 : vector<1x8x128xf32> to vector<8x128xf32>
      %jit3A_1267 = arith.constant -1.000000e+00 : f32
      %broadcast_in_dim3A_1268 = vector.broadcast %jit3A_1267 : f32 to vector<8x128xf32>
      %select_n3A_1269 = arith.select %gt3A_112, %broadcast_in_dim3A_1268, %get3A_1266 : vector<8x128xi1>, vector<8x128xf32>
      %gt3A_1270 = arith.cmpf ogt, %select_n3A_1269, %max3A_1170 : vector<8x128xf32>
      %jit3A_1271 = arith.constant 8.600000e+01 : f32
      %broadcast_in_dim3A_1272 = vector.broadcast %jit3A_1271 : f32 to vector<8x128xf32>
      %select_n3A_1273 = arith.select %gt3A_1270, %broadcast_in_dim3A_1272, %select_n3A_1169 : vector<8x128xi1>, vector<8x128xf32>
      %max3A_1274 = arith.maximumf %select_n3A_1269, %max3A_1170 : vector<8x128xf32>
      %get3A_1275 = arith.constant 87 : index
      %get3A_1276 = arith.constant 0 : index
      %get3A_1277 = arith.constant 0 : index
      %get3A_1278 = vector.load %arg13[%get3A_1275, %get3A_1276, %get3A_1277] : memref<151x8x128xf32, #tpu.memory_space<vmem>>, vector<1x8x128xf32>
      %get3A_1279 = vector.shape_cast %get3A_1278 : vector<1x8x128xf32> to vector<8x128xf32>
      %jit3A_1280 = arith.constant -1.000000e+00 : f32
      %broadcast_in_dim3A_1281 = vector.broadcast %jit3A_1280 : f32 to vector<8x128xf32>
      %select_n3A_1282 = arith.select %gt3A_112, %broadcast_in_dim3A_1281, %get3A_1279 : vector<8x128xi1>, vector<8x128xf32>
      %gt3A_1283 = arith.cmpf ogt, %select_n3A_1282, %max3A_1183 : vector<8x128xf32>
      %jit3A_1284 = arith.constant 8.700000e+01 : f32
      %broadcast_in_dim3A_1285 = vector.broadcast %jit3A_1284 : f32 to vector<8x128xf32>
      %select_n3A_1286 = arith.select %gt3A_1283, %broadcast_in_dim3A_1285, %select_n3A_1182 : vector<8x128xi1>, vector<8x128xf32>
      %max3A_1287 = arith.maximumf %select_n3A_1282, %max3A_1183 : vector<8x128xf32>
      %get3A_1288 = arith.constant 88 : index
      %get3A_1289 = arith.constant 0 : index
      %get3A_1290 = arith.constant 0 : index
      %get3A_1291 = vector.load %arg13[%get3A_1288, %get3A_1289, %get3A_1290] : memref<151x8x128xf32, #tpu.memory_space<vmem>>, vector<1x8x128xf32>
      %get3A_1292 = vector.shape_cast %get3A_1291 : vector<1x8x128xf32> to vector<8x128xf32>
      %jit3A_1293 = arith.constant -1.000000e+00 : f32
      %broadcast_in_dim3A_1294 = vector.broadcast %jit3A_1293 : f32 to vector<8x128xf32>
      %select_n3A_1295 = arith.select %gt3A_112, %broadcast_in_dim3A_1294, %get3A_1292 : vector<8x128xi1>, vector<8x128xf32>
      %gt3A_1296 = arith.cmpf ogt, %select_n3A_1295, %max3A_1196 : vector<8x128xf32>
      %jit3A_1297 = arith.constant 8.800000e+01 : f32
      %broadcast_in_dim3A_1298 = vector.broadcast %jit3A_1297 : f32 to vector<8x128xf32>
      %select_n3A_1299 = arith.select %gt3A_1296, %broadcast_in_dim3A_1298, %select_n3A_1195 : vector<8x128xi1>, vector<8x128xf32>
      %max3A_1300 = arith.maximumf %select_n3A_1295, %max3A_1196 : vector<8x128xf32>
      %get3A_1301 = arith.constant 89 : index
      %get3A_1302 = arith.constant 0 : index
      %get3A_1303 = arith.constant 0 : index
      %get3A_1304 = vector.load %arg13[%get3A_1301, %get3A_1302, %get3A_1303] : memref<151x8x128xf32, #tpu.memory_space<vmem>>, vector<1x8x128xf32>
      %get3A_1305 = vector.shape_cast %get3A_1304 : vector<1x8x128xf32> to vector<8x128xf32>
      %jit3A_1306 = arith.constant -1.000000e+00 : f32
      %broadcast_in_dim3A_1307 = vector.broadcast %jit3A_1306 : f32 to vector<8x128xf32>
      %select_n3A_1308 = arith.select %gt3A_112, %broadcast_in_dim3A_1307, %get3A_1305 : vector<8x128xi1>, vector<8x128xf32>
      %gt3A_1309 = arith.cmpf ogt, %select_n3A_1308, %max3A_1209 : vector<8x128xf32>
      %jit3A_1310 = arith.constant 8.900000e+01 : f32
      %broadcast_in_dim3A_1311 = vector.broadcast %jit3A_1310 : f32 to vector<8x128xf32>
      %select_n3A_1312 = arith.select %gt3A_1309, %broadcast_in_dim3A_1311, %select_n3A_1208 : vector<8x128xi1>, vector<8x128xf32>
      %max3A_1313 = arith.maximumf %select_n3A_1308, %max3A_1209 : vector<8x128xf32>
      %get3A_1314 = arith.constant 90 : index
      %get3A_1315 = arith.constant 0 : index
      %get3A_1316 = arith.constant 0 : index
      %get3A_1317 = vector.load %arg13[%get3A_1314, %get3A_1315, %get3A_1316] : memref<151x8x128xf32, #tpu.memory_space<vmem>>, vector<1x8x128xf32>
      %get3A_1318 = vector.shape_cast %get3A_1317 : vector<1x8x128xf32> to vector<8x128xf32>
      %jit3A_1319 = arith.constant -1.000000e+00 : f32
      %broadcast_in_dim3A_1320 = vector.broadcast %jit3A_1319 : f32 to vector<8x128xf32>
      %select_n3A_1321 = arith.select %gt3A_112, %broadcast_in_dim3A_1320, %get3A_1318 : vector<8x128xi1>, vector<8x128xf32>
      %gt3A_1322 = arith.cmpf ogt, %select_n3A_1321, %max3A_1222 : vector<8x128xf32>
      %jit3A_1323 = arith.constant 9.000000e+01 : f32
      %broadcast_in_dim3A_1324 = vector.broadcast %jit3A_1323 : f32 to vector<8x128xf32>
      %select_n3A_1325 = arith.select %gt3A_1322, %broadcast_in_dim3A_1324, %select_n3A_1221 : vector<8x128xi1>, vector<8x128xf32>
      %max3A_1326 = arith.maximumf %select_n3A_1321, %max3A_1222 : vector<8x128xf32>
      %get3A_1327 = arith.constant 91 : index
      %get3A_1328 = arith.constant 0 : index
      %get3A_1329 = arith.constant 0 : index
      %get3A_1330 = vector.load %arg13[%get3A_1327, %get3A_1328, %get3A_1329] : memref<151x8x128xf32, #tpu.memory_space<vmem>>, vector<1x8x128xf32>
      %get3A_1331 = vector.shape_cast %get3A_1330 : vector<1x8x128xf32> to vector<8x128xf32>
      %jit3A_1332 = arith.constant -1.000000e+00 : f32
      %broadcast_in_dim3A_1333 = vector.broadcast %jit3A_1332 : f32 to vector<8x128xf32>
      %select_n3A_1334 = arith.select %gt3A_112, %broadcast_in_dim3A_1333, %get3A_1331 : vector<8x128xi1>, vector<8x128xf32>
      %gt3A_1335 = arith.cmpf ogt, %select_n3A_1334, %max3A_1235 : vector<8x128xf32>
      %jit3A_1336 = arith.constant 9.100000e+01 : f32
      %broadcast_in_dim3A_1337 = vector.broadcast %jit3A_1336 : f32 to vector<8x128xf32>
      %select_n3A_1338 = arith.select %gt3A_1335, %broadcast_in_dim3A_1337, %select_n3A_1234 : vector<8x128xi1>, vector<8x128xf32>
      %max3A_1339 = arith.maximumf %select_n3A_1334, %max3A_1235 : vector<8x128xf32>
      %get3A_1340 = arith.constant 92 : index
      %get3A_1341 = arith.constant 0 : index
      %get3A_1342 = arith.constant 0 : index
      %get3A_1343 = vector.load %arg13[%get3A_1340, %get3A_1341, %get3A_1342] : memref<151x8x128xf32, #tpu.memory_space<vmem>>, vector<1x8x128xf32>
      %get3A_1344 = vector.shape_cast %get3A_1343 : vector<1x8x128xf32> to vector<8x128xf32>
      %jit3A_1345 = arith.constant -1.000000e+00 : f32
      %broadcast_in_dim3A_1346 = vector.broadcast %jit3A_1345 : f32 to vector<8x128xf32>
      %select_n3A_1347 = arith.select %gt3A_112, %broadcast_in_dim3A_1346, %get3A_1344 : vector<8x128xi1>, vector<8x128xf32>
      %gt3A_1348 = arith.cmpf ogt, %select_n3A_1347, %max3A_1248 : vector<8x128xf32>
      %jit3A_1349 = arith.constant 9.200000e+01 : f32
      %broadcast_in_dim3A_1350 = vector.broadcast %jit3A_1349 : f32 to vector<8x128xf32>
      %select_n3A_1351 = arith.select %gt3A_1348, %broadcast_in_dim3A_1350, %select_n3A_1247 : vector<8x128xi1>, vector<8x128xf32>
      %max3A_1352 = arith.maximumf %select_n3A_1347, %max3A_1248 : vector<8x128xf32>
      %get3A_1353 = arith.constant 93 : index
      %get3A_1354 = arith.constant 0 : index
      %get3A_1355 = arith.constant 0 : index
      %get3A_1356 = vector.load %arg13[%get3A_1353, %get3A_1354, %get3A_1355] : memref<151x8x128xf32, #tpu.memory_space<vmem>>, vector<1x8x128xf32>
      %get3A_1357 = vector.shape_cast %get3A_1356 : vector<1x8x128xf32> to vector<8x128xf32>
      %jit3A_1358 = arith.constant -1.000000e+00 : f32
      %broadcast_in_dim3A_1359 = vector.broadcast %jit3A_1358 : f32 to vector<8x128xf32>
      %select_n3A_1360 = arith.select %gt3A_112, %broadcast_in_dim3A_1359, %get3A_1357 : vector<8x128xi1>, vector<8x128xf32>
      %gt3A_1361 = arith.cmpf ogt, %select_n3A_1360, %max3A_1261 : vector<8x128xf32>
      %jit3A_1362 = arith.constant 9.300000e+01 : f32
      %broadcast_in_dim3A_1363 = vector.broadcast %jit3A_1362 : f32 to vector<8x128xf32>
      %select_n3A_1364 = arith.select %gt3A_1361, %broadcast_in_dim3A_1363, %select_n3A_1260 : vector<8x128xi1>, vector<8x128xf32>
      %max3A_1365 = arith.maximumf %select_n3A_1360, %max3A_1261 : vector<8x128xf32>
      %get3A_1366 = arith.constant 94 : index
      %get3A_1367 = arith.constant 0 : index
      %get3A_1368 = arith.constant 0 : index
      %get3A_1369 = vector.load %arg13[%get3A_1366, %get3A_1367, %get3A_1368] : memref<151x8x128xf32, #tpu.memory_space<vmem>>, vector<1x8x128xf32>
      %get3A_1370 = vector.shape_cast %get3A_1369 : vector<1x8x128xf32> to vector<8x128xf32>
      %jit3A_1371 = arith.constant -1.000000e+00 : f32
      %broadcast_in_dim3A_1372 = vector.broadcast %jit3A_1371 : f32 to vector<8x128xf32>
      %select_n3A_1373 = arith.select %gt3A_112, %broadcast_in_dim3A_1372, %get3A_1370 : vector<8x128xi1>, vector<8x128xf32>
      %gt3A_1374 = arith.cmpf ogt, %select_n3A_1373, %max3A_1274 : vector<8x128xf32>
      %jit3A_1375 = arith.constant 9.400000e+01 : f32
      %broadcast_in_dim3A_1376 = vector.broadcast %jit3A_1375 : f32 to vector<8x128xf32>
      %select_n3A_1377 = arith.select %gt3A_1374, %broadcast_in_dim3A_1376, %select_n3A_1273 : vector<8x128xi1>, vector<8x128xf32>
      %max3A_1378 = arith.maximumf %select_n3A_1373, %max3A_1274 : vector<8x128xf32>
      %get3A_1379 = arith.constant 95 : index
      %get3A_1380 = arith.constant 0 : index
      %get3A_1381 = arith.constant 0 : index
      %get3A_1382 = vector.load %arg13[%get3A_1379, %get3A_1380, %get3A_1381] : memref<151x8x128xf32, #tpu.memory_space<vmem>>, vector<1x8x128xf32>
      %get3A_1383 = vector.shape_cast %get3A_1382 : vector<1x8x128xf32> to vector<8x128xf32>
      %jit3A_1384 = arith.constant -1.000000e+00 : f32
      %broadcast_in_dim3A_1385 = vector.broadcast %jit3A_1384 : f32 to vector<8x128xf32>
      %select_n3A_1386 = arith.select %gt3A_112, %broadcast_in_dim3A_1385, %get3A_1383 : vector<8x128xi1>, vector<8x128xf32>
      %gt3A_1387 = arith.cmpf ogt, %select_n3A_1386, %max3A_1287 : vector<8x128xf32>
      %jit3A_1388 = arith.constant 9.500000e+01 : f32
      %broadcast_in_dim3A_1389 = vector.broadcast %jit3A_1388 : f32 to vector<8x128xf32>
      %select_n3A_1390 = arith.select %gt3A_1387, %broadcast_in_dim3A_1389, %select_n3A_1286 : vector<8x128xi1>, vector<8x128xf32>
      %max3A_1391 = arith.maximumf %select_n3A_1386, %max3A_1287 : vector<8x128xf32>
      %get3A_1392 = arith.constant 96 : index
      %get3A_1393 = arith.constant 0 : index
      %get3A_1394 = arith.constant 0 : index
      %get3A_1395 = vector.load %arg13[%get3A_1392, %get3A_1393, %get3A_1394] : memref<151x8x128xf32, #tpu.memory_space<vmem>>, vector<1x8x128xf32>
      %get3A_1396 = vector.shape_cast %get3A_1395 : vector<1x8x128xf32> to vector<8x128xf32>
      %jit3A_1397 = arith.constant -1.000000e+00 : f32
      %broadcast_in_dim3A_1398 = vector.broadcast %jit3A_1397 : f32 to vector<8x128xf32>
      %select_n3A_1399 = arith.select %gt3A_112, %broadcast_in_dim3A_1398, %get3A_1396 : vector<8x128xi1>, vector<8x128xf32>
      %gt3A_1400 = arith.cmpf ogt, %select_n3A_1399, %max3A_1300 : vector<8x128xf32>
      %jit3A_1401 = arith.constant 9.600000e+01 : f32
      %broadcast_in_dim3A_1402 = vector.broadcast %jit3A_1401 : f32 to vector<8x128xf32>
      %select_n3A_1403 = arith.select %gt3A_1400, %broadcast_in_dim3A_1402, %select_n3A_1299 : vector<8x128xi1>, vector<8x128xf32>
      %max3A_1404 = arith.maximumf %select_n3A_1399, %max3A_1300 : vector<8x128xf32>
      %get3A_1405 = arith.constant 97 : index
      %get3A_1406 = arith.constant 0 : index
      %get3A_1407 = arith.constant 0 : index
      %get3A_1408 = vector.load %arg13[%get3A_1405, %get3A_1406, %get3A_1407] : memref<151x8x128xf32, #tpu.memory_space<vmem>>, vector<1x8x128xf32>
      %get3A_1409 = vector.shape_cast %get3A_1408 : vector<1x8x128xf32> to vector<8x128xf32>
      %jit3A_1410 = arith.constant -1.000000e+00 : f32
      %broadcast_in_dim3A_1411 = vector.broadcast %jit3A_1410 : f32 to vector<8x128xf32>
      %select_n3A_1412 = arith.select %gt3A_112, %broadcast_in_dim3A_1411, %get3A_1409 : vector<8x128xi1>, vector<8x128xf32>
      %gt3A_1413 = arith.cmpf ogt, %select_n3A_1412, %max3A_1313 : vector<8x128xf32>
      %jit3A_1414 = arith.constant 9.700000e+01 : f32
      %broadcast_in_dim3A_1415 = vector.broadcast %jit3A_1414 : f32 to vector<8x128xf32>
      %select_n3A_1416 = arith.select %gt3A_1413, %broadcast_in_dim3A_1415, %select_n3A_1312 : vector<8x128xi1>, vector<8x128xf32>
      %max3A_1417 = arith.maximumf %select_n3A_1412, %max3A_1313 : vector<8x128xf32>
      %get3A_1418 = arith.constant 98 : index
      %get3A_1419 = arith.constant 0 : index
      %get3A_1420 = arith.constant 0 : index
      %get3A_1421 = vector.load %arg13[%get3A_1418, %get3A_1419, %get3A_1420] : memref<151x8x128xf32, #tpu.memory_space<vmem>>, vector<1x8x128xf32>
      %get3A_1422 = vector.shape_cast %get3A_1421 : vector<1x8x128xf32> to vector<8x128xf32>
      %jit3A_1423 = arith.constant -1.000000e+00 : f32
      %broadcast_in_dim3A_1424 = vector.broadcast %jit3A_1423 : f32 to vector<8x128xf32>
      %select_n3A_1425 = arith.select %gt3A_112, %broadcast_in_dim3A_1424, %get3A_1422 : vector<8x128xi1>, vector<8x128xf32>
      %gt3A_1426 = arith.cmpf ogt, %select_n3A_1425, %max3A_1326 : vector<8x128xf32>
      %jit3A_1427 = arith.constant 9.800000e+01 : f32
      %broadcast_in_dim3A_1428 = vector.broadcast %jit3A_1427 : f32 to vector<8x128xf32>
      %select_n3A_1429 = arith.select %gt3A_1426, %broadcast_in_dim3A_1428, %select_n3A_1325 : vector<8x128xi1>, vector<8x128xf32>
      %max3A_1430 = arith.maximumf %select_n3A_1425, %max3A_1326 : vector<8x128xf32>
      %get3A_1431 = arith.constant 99 : index
      %get3A_1432 = arith.constant 0 : index
      %get3A_1433 = arith.constant 0 : index
      %get3A_1434 = vector.load %arg13[%get3A_1431, %get3A_1432, %get3A_1433] : memref<151x8x128xf32, #tpu.memory_space<vmem>>, vector<1x8x128xf32>
      %get3A_1435 = vector.shape_cast %get3A_1434 : vector<1x8x128xf32> to vector<8x128xf32>
      %jit3A_1436 = arith.constant -1.000000e+00 : f32
      %broadcast_in_dim3A_1437 = vector.broadcast %jit3A_1436 : f32 to vector<8x128xf32>
      %select_n3A_1438 = arith.select %gt3A_112, %broadcast_in_dim3A_1437, %get3A_1435 : vector<8x128xi1>, vector<8x128xf32>
      %gt3A_1439 = arith.cmpf ogt, %select_n3A_1438, %max3A_1339 : vector<8x128xf32>
      %jit3A_1440 = arith.constant 9.900000e+01 : f32
      %broadcast_in_dim3A_1441 = vector.broadcast %jit3A_1440 : f32 to vector<8x128xf32>
      %select_n3A_1442 = arith.select %gt3A_1439, %broadcast_in_dim3A_1441, %select_n3A_1338 : vector<8x128xi1>, vector<8x128xf32>
      %max3A_1443 = arith.maximumf %select_n3A_1438, %max3A_1339 : vector<8x128xf32>
      %get3A_1444 = arith.constant 100 : index
      %get3A_1445 = arith.constant 0 : index
      %get3A_1446 = arith.constant 0 : index
      %get3A_1447 = vector.load %arg13[%get3A_1444, %get3A_1445, %get3A_1446] : memref<151x8x128xf32, #tpu.memory_space<vmem>>, vector<1x8x128xf32>
      %get3A_1448 = vector.shape_cast %get3A_1447 : vector<1x8x128xf32> to vector<8x128xf32>
      %jit3A_1449 = arith.constant -1.000000e+00 : f32
      %broadcast_in_dim3A_1450 = vector.broadcast %jit3A_1449 : f32 to vector<8x128xf32>
      %select_n3A_1451 = arith.select %gt3A_112, %broadcast_in_dim3A_1450, %get3A_1448 : vector<8x128xi1>, vector<8x128xf32>
      %gt3A_1452 = arith.cmpf ogt, %select_n3A_1451, %max3A_1352 : vector<8x128xf32>
      %jit3A_1453 = arith.constant 1.000000e+02 : f32
      %broadcast_in_dim3A_1454 = vector.broadcast %jit3A_1453 : f32 to vector<8x128xf32>
      %select_n3A_1455 = arith.select %gt3A_1452, %broadcast_in_dim3A_1454, %select_n3A_1351 : vector<8x128xi1>, vector<8x128xf32>
      %max3A_1456 = arith.maximumf %select_n3A_1451, %max3A_1352 : vector<8x128xf32>
      %get3A_1457 = arith.constant 101 : index
      %get3A_1458 = arith.constant 0 : index
      %get3A_1459 = arith.constant 0 : index
      %get3A_1460 = vector.load %arg13[%get3A_1457, %get3A_1458, %get3A_1459] : memref<151x8x128xf32, #tpu.memory_space<vmem>>, vector<1x8x128xf32>
      %get3A_1461 = vector.shape_cast %get3A_1460 : vector<1x8x128xf32> to vector<8x128xf32>
      %jit3A_1462 = arith.constant -1.000000e+00 : f32
      %broadcast_in_dim3A_1463 = vector.broadcast %jit3A_1462 : f32 to vector<8x128xf32>
      %select_n3A_1464 = arith.select %gt3A_112, %broadcast_in_dim3A_1463, %get3A_1461 : vector<8x128xi1>, vector<8x128xf32>
      %gt3A_1465 = arith.cmpf ogt, %select_n3A_1464, %max3A_1365 : vector<8x128xf32>
      %jit3A_1466 = arith.constant 1.010000e+02 : f32
      %broadcast_in_dim3A_1467 = vector.broadcast %jit3A_1466 : f32 to vector<8x128xf32>
      %select_n3A_1468 = arith.select %gt3A_1465, %broadcast_in_dim3A_1467, %select_n3A_1364 : vector<8x128xi1>, vector<8x128xf32>
      %max3A_1469 = arith.maximumf %select_n3A_1464, %max3A_1365 : vector<8x128xf32>
      %get3A_1470 = arith.constant 102 : index
      %get3A_1471 = arith.constant 0 : index
      %get3A_1472 = arith.constant 0 : index
      %get3A_1473 = vector.load %arg13[%get3A_1470, %get3A_1471, %get3A_1472] : memref<151x8x128xf32, #tpu.memory_space<vmem>>, vector<1x8x128xf32>
      %get3A_1474 = vector.shape_cast %get3A_1473 : vector<1x8x128xf32> to vector<8x128xf32>
      %jit3A_1475 = arith.constant -1.000000e+00 : f32
      %broadcast_in_dim3A_1476 = vector.broadcast %jit3A_1475 : f32 to vector<8x128xf32>
      %select_n3A_1477 = arith.select %gt3A_112, %broadcast_in_dim3A_1476, %get3A_1474 : vector<8x128xi1>, vector<8x128xf32>
      %gt3A_1478 = arith.cmpf ogt, %select_n3A_1477, %max3A_1378 : vector<8x128xf32>
      %jit3A_1479 = arith.constant 1.020000e+02 : f32
      %broadcast_in_dim3A_1480 = vector.broadcast %jit3A_1479 : f32 to vector<8x128xf32>
      %select_n3A_1481 = arith.select %gt3A_1478, %broadcast_in_dim3A_1480, %select_n3A_1377 : vector<8x128xi1>, vector<8x128xf32>
      %max3A_1482 = arith.maximumf %select_n3A_1477, %max3A_1378 : vector<8x128xf32>
      %get3A_1483 = arith.constant 103 : index
      %get3A_1484 = arith.constant 0 : index
      %get3A_1485 = arith.constant 0 : index
      %get3A_1486 = vector.load %arg13[%get3A_1483, %get3A_1484, %get3A_1485] : memref<151x8x128xf32, #tpu.memory_space<vmem>>, vector<1x8x128xf32>
      %get3A_1487 = vector.shape_cast %get3A_1486 : vector<1x8x128xf32> to vector<8x128xf32>
      %jit3A_1488 = arith.constant -1.000000e+00 : f32
      %broadcast_in_dim3A_1489 = vector.broadcast %jit3A_1488 : f32 to vector<8x128xf32>
      %select_n3A_1490 = arith.select %gt3A_112, %broadcast_in_dim3A_1489, %get3A_1487 : vector<8x128xi1>, vector<8x128xf32>
      %gt3A_1491 = arith.cmpf ogt, %select_n3A_1490, %max3A_1391 : vector<8x128xf32>
      %jit3A_1492 = arith.constant 1.030000e+02 : f32
      %broadcast_in_dim3A_1493 = vector.broadcast %jit3A_1492 : f32 to vector<8x128xf32>
      %select_n3A_1494 = arith.select %gt3A_1491, %broadcast_in_dim3A_1493, %select_n3A_1390 : vector<8x128xi1>, vector<8x128xf32>
      %max3A_1495 = arith.maximumf %select_n3A_1490, %max3A_1391 : vector<8x128xf32>
      %get3A_1496 = arith.constant 104 : index
      %get3A_1497 = arith.constant 0 : index
      %get3A_1498 = arith.constant 0 : index
      %get3A_1499 = vector.load %arg13[%get3A_1496, %get3A_1497, %get3A_1498] : memref<151x8x128xf32, #tpu.memory_space<vmem>>, vector<1x8x128xf32>
      %get3A_1500 = vector.shape_cast %get3A_1499 : vector<1x8x128xf32> to vector<8x128xf32>
      %jit3A_1501 = arith.constant -1.000000e+00 : f32
      %broadcast_in_dim3A_1502 = vector.broadcast %jit3A_1501 : f32 to vector<8x128xf32>
      %select_n3A_1503 = arith.select %gt3A_112, %broadcast_in_dim3A_1502, %get3A_1500 : vector<8x128xi1>, vector<8x128xf32>
      %gt3A_1504 = arith.cmpf ogt, %select_n3A_1503, %max3A_1404 : vector<8x128xf32>
      %jit3A_1505 = arith.constant 1.040000e+02 : f32
      %broadcast_in_dim3A_1506 = vector.broadcast %jit3A_1505 : f32 to vector<8x128xf32>
      %select_n3A_1507 = arith.select %gt3A_1504, %broadcast_in_dim3A_1506, %select_n3A_1403 : vector<8x128xi1>, vector<8x128xf32>
      %max3A_1508 = arith.maximumf %select_n3A_1503, %max3A_1404 : vector<8x128xf32>
      %get3A_1509 = arith.constant 105 : index
      %get3A_1510 = arith.constant 0 : index
      %get3A_1511 = arith.constant 0 : index
      %get3A_1512 = vector.load %arg13[%get3A_1509, %get3A_1510, %get3A_1511] : memref<151x8x128xf32, #tpu.memory_space<vmem>>, vector<1x8x128xf32>
      %get3A_1513 = vector.shape_cast %get3A_1512 : vector<1x8x128xf32> to vector<8x128xf32>
      %jit3A_1514 = arith.constant -1.000000e+00 : f32
      %broadcast_in_dim3A_1515 = vector.broadcast %jit3A_1514 : f32 to vector<8x128xf32>
      %select_n3A_1516 = arith.select %gt3A_112, %broadcast_in_dim3A_1515, %get3A_1513 : vector<8x128xi1>, vector<8x128xf32>
      %gt3A_1517 = arith.cmpf ogt, %select_n3A_1516, %max3A_1417 : vector<8x128xf32>
      %jit3A_1518 = arith.constant 1.050000e+02 : f32
      %broadcast_in_dim3A_1519 = vector.broadcast %jit3A_1518 : f32 to vector<8x128xf32>
      %select_n3A_1520 = arith.select %gt3A_1517, %broadcast_in_dim3A_1519, %select_n3A_1416 : vector<8x128xi1>, vector<8x128xf32>
      %max3A_1521 = arith.maximumf %select_n3A_1516, %max3A_1417 : vector<8x128xf32>
      %get3A_1522 = arith.constant 106 : index
      %get3A_1523 = arith.constant 0 : index
      %get3A_1524 = arith.constant 0 : index
      %get3A_1525 = vector.load %arg13[%get3A_1522, %get3A_1523, %get3A_1524] : memref<151x8x128xf32, #tpu.memory_space<vmem>>, vector<1x8x128xf32>
      %get3A_1526 = vector.shape_cast %get3A_1525 : vector<1x8x128xf32> to vector<8x128xf32>
      %jit3A_1527 = arith.constant -1.000000e+00 : f32
      %broadcast_in_dim3A_1528 = vector.broadcast %jit3A_1527 : f32 to vector<8x128xf32>
      %select_n3A_1529 = arith.select %gt3A_112, %broadcast_in_dim3A_1528, %get3A_1526 : vector<8x128xi1>, vector<8x128xf32>
      %gt3A_1530 = arith.cmpf ogt, %select_n3A_1529, %max3A_1430 : vector<8x128xf32>
      %jit3A_1531 = arith.constant 1.060000e+02 : f32
      %broadcast_in_dim3A_1532 = vector.broadcast %jit3A_1531 : f32 to vector<8x128xf32>
      %select_n3A_1533 = arith.select %gt3A_1530, %broadcast_in_dim3A_1532, %select_n3A_1429 : vector<8x128xi1>, vector<8x128xf32>
      %max3A_1534 = arith.maximumf %select_n3A_1529, %max3A_1430 : vector<8x128xf32>
      %get3A_1535 = arith.constant 107 : index
      %get3A_1536 = arith.constant 0 : index
      %get3A_1537 = arith.constant 0 : index
      %get3A_1538 = vector.load %arg13[%get3A_1535, %get3A_1536, %get3A_1537] : memref<151x8x128xf32, #tpu.memory_space<vmem>>, vector<1x8x128xf32>
      %get3A_1539 = vector.shape_cast %get3A_1538 : vector<1x8x128xf32> to vector<8x128xf32>
      %jit3A_1540 = arith.constant -1.000000e+00 : f32
      %broadcast_in_dim3A_1541 = vector.broadcast %jit3A_1540 : f32 to vector<8x128xf32>
      %select_n3A_1542 = arith.select %gt3A_112, %broadcast_in_dim3A_1541, %get3A_1539 : vector<8x128xi1>, vector<8x128xf32>
      %gt3A_1543 = arith.cmpf ogt, %select_n3A_1542, %max3A_1443 : vector<8x128xf32>
      %jit3A_1544 = arith.constant 1.070000e+02 : f32
      %broadcast_in_dim3A_1545 = vector.broadcast %jit3A_1544 : f32 to vector<8x128xf32>
      %select_n3A_1546 = arith.select %gt3A_1543, %broadcast_in_dim3A_1545, %select_n3A_1442 : vector<8x128xi1>, vector<8x128xf32>
      %max3A_1547 = arith.maximumf %select_n3A_1542, %max3A_1443 : vector<8x128xf32>
      %get3A_1548 = arith.constant 108 : index
      %get3A_1549 = arith.constant 0 : index
      %get3A_1550 = arith.constant 0 : index
      %get3A_1551 = vector.load %arg13[%get3A_1548, %get3A_1549, %get3A_1550] : memref<151x8x128xf32, #tpu.memory_space<vmem>>, vector<1x8x128xf32>
      %get3A_1552 = vector.shape_cast %get3A_1551 : vector<1x8x128xf32> to vector<8x128xf32>
      %jit3A_1553 = arith.constant -1.000000e+00 : f32
      %broadcast_in_dim3A_1554 = vector.broadcast %jit3A_1553 : f32 to vector<8x128xf32>
      %select_n3A_1555 = arith.select %gt3A_112, %broadcast_in_dim3A_1554, %get3A_1552 : vector<8x128xi1>, vector<8x128xf32>
      %gt3A_1556 = arith.cmpf ogt, %select_n3A_1555, %max3A_1456 : vector<8x128xf32>
      %jit3A_1557 = arith.constant 1.080000e+02 : f32
      %broadcast_in_dim3A_1558 = vector.broadcast %jit3A_1557 : f32 to vector<8x128xf32>
      %select_n3A_1559 = arith.select %gt3A_1556, %broadcast_in_dim3A_1558, %select_n3A_1455 : vector<8x128xi1>, vector<8x128xf32>
      %max3A_1560 = arith.maximumf %select_n3A_1555, %max3A_1456 : vector<8x128xf32>
      %get3A_1561 = arith.constant 109 : index
      %get3A_1562 = arith.constant 0 : index
      %get3A_1563 = arith.constant 0 : index
      %get3A_1564 = vector.load %arg13[%get3A_1561, %get3A_1562, %get3A_1563] : memref<151x8x128xf32, #tpu.memory_space<vmem>>, vector<1x8x128xf32>
      %get3A_1565 = vector.shape_cast %get3A_1564 : vector<1x8x128xf32> to vector<8x128xf32>
      %jit3A_1566 = arith.constant -1.000000e+00 : f32
      %broadcast_in_dim3A_1567 = vector.broadcast %jit3A_1566 : f32 to vector<8x128xf32>
      %select_n3A_1568 = arith.select %gt3A_112, %broadcast_in_dim3A_1567, %get3A_1565 : vector<8x128xi1>, vector<8x128xf32>
      %gt3A_1569 = arith.cmpf ogt, %select_n3A_1568, %max3A_1469 : vector<8x128xf32>
      %jit3A_1570 = arith.constant 1.090000e+02 : f32
      %broadcast_in_dim3A_1571 = vector.broadcast %jit3A_1570 : f32 to vector<8x128xf32>
      %select_n3A_1572 = arith.select %gt3A_1569, %broadcast_in_dim3A_1571, %select_n3A_1468 : vector<8x128xi1>, vector<8x128xf32>
      %max3A_1573 = arith.maximumf %select_n3A_1568, %max3A_1469 : vector<8x128xf32>
      %get3A_1574 = arith.constant 110 : index
      %get3A_1575 = arith.constant 0 : index
      %get3A_1576 = arith.constant 0 : index
      %get3A_1577 = vector.load %arg13[%get3A_1574, %get3A_1575, %get3A_1576] : memref<151x8x128xf32, #tpu.memory_space<vmem>>, vector<1x8x128xf32>
      %get3A_1578 = vector.shape_cast %get3A_1577 : vector<1x8x128xf32> to vector<8x128xf32>
      %jit3A_1579 = arith.constant -1.000000e+00 : f32
      %broadcast_in_dim3A_1580 = vector.broadcast %jit3A_1579 : f32 to vector<8x128xf32>
      %select_n3A_1581 = arith.select %gt3A_112, %broadcast_in_dim3A_1580, %get3A_1578 : vector<8x128xi1>, vector<8x128xf32>
      %gt3A_1582 = arith.cmpf ogt, %select_n3A_1581, %max3A_1482 : vector<8x128xf32>
      %jit3A_1583 = arith.constant 1.100000e+02 : f32
      %broadcast_in_dim3A_1584 = vector.broadcast %jit3A_1583 : f32 to vector<8x128xf32>
      %select_n3A_1585 = arith.select %gt3A_1582, %broadcast_in_dim3A_1584, %select_n3A_1481 : vector<8x128xi1>, vector<8x128xf32>
      %max3A_1586 = arith.maximumf %select_n3A_1581, %max3A_1482 : vector<8x128xf32>
      %get3A_1587 = arith.constant 111 : index
      %get3A_1588 = arith.constant 0 : index
      %get3A_1589 = arith.constant 0 : index
      %get3A_1590 = vector.load %arg13[%get3A_1587, %get3A_1588, %get3A_1589] : memref<151x8x128xf32, #tpu.memory_space<vmem>>, vector<1x8x128xf32>
      %get3A_1591 = vector.shape_cast %get3A_1590 : vector<1x8x128xf32> to vector<8x128xf32>
      %jit3A_1592 = arith.constant -1.000000e+00 : f32
      %broadcast_in_dim3A_1593 = vector.broadcast %jit3A_1592 : f32 to vector<8x128xf32>
      %select_n3A_1594 = arith.select %gt3A_112, %broadcast_in_dim3A_1593, %get3A_1591 : vector<8x128xi1>, vector<8x128xf32>
      %gt3A_1595 = arith.cmpf ogt, %select_n3A_1594, %max3A_1495 : vector<8x128xf32>
      %jit3A_1596 = arith.constant 1.110000e+02 : f32
      %broadcast_in_dim3A_1597 = vector.broadcast %jit3A_1596 : f32 to vector<8x128xf32>
      %select_n3A_1598 = arith.select %gt3A_1595, %broadcast_in_dim3A_1597, %select_n3A_1494 : vector<8x128xi1>, vector<8x128xf32>
      %max3A_1599 = arith.maximumf %select_n3A_1594, %max3A_1495 : vector<8x128xf32>
      %get3A_1600 = arith.constant 112 : index
      %get3A_1601 = arith.constant 0 : index
      %get3A_1602 = arith.constant 0 : index
      %get3A_1603 = vector.load %arg13[%get3A_1600, %get3A_1601, %get3A_1602] : memref<151x8x128xf32, #tpu.memory_space<vmem>>, vector<1x8x128xf32>
      %get3A_1604 = vector.shape_cast %get3A_1603 : vector<1x8x128xf32> to vector<8x128xf32>
      %jit3A_1605 = arith.constant -1.000000e+00 : f32
      %broadcast_in_dim3A_1606 = vector.broadcast %jit3A_1605 : f32 to vector<8x128xf32>
      %select_n3A_1607 = arith.select %gt3A_112, %broadcast_in_dim3A_1606, %get3A_1604 : vector<8x128xi1>, vector<8x128xf32>
      %gt3A_1608 = arith.cmpf ogt, %select_n3A_1607, %max3A_1508 : vector<8x128xf32>
      %jit3A_1609 = arith.constant 1.120000e+02 : f32
      %broadcast_in_dim3A_1610 = vector.broadcast %jit3A_1609 : f32 to vector<8x128xf32>
      %select_n3A_1611 = arith.select %gt3A_1608, %broadcast_in_dim3A_1610, %select_n3A_1507 : vector<8x128xi1>, vector<8x128xf32>
      %max3A_1612 = arith.maximumf %select_n3A_1607, %max3A_1508 : vector<8x128xf32>
      %get3A_1613 = arith.constant 113 : index
      %get3A_1614 = arith.constant 0 : index
      %get3A_1615 = arith.constant 0 : index
      %get3A_1616 = vector.load %arg13[%get3A_1613, %get3A_1614, %get3A_1615] : memref<151x8x128xf32, #tpu.memory_space<vmem>>, vector<1x8x128xf32>
      %get3A_1617 = vector.shape_cast %get3A_1616 : vector<1x8x128xf32> to vector<8x128xf32>
      %jit3A_1618 = arith.constant -1.000000e+00 : f32
      %broadcast_in_dim3A_1619 = vector.broadcast %jit3A_1618 : f32 to vector<8x128xf32>
      %select_n3A_1620 = arith.select %gt3A_112, %broadcast_in_dim3A_1619, %get3A_1617 : vector<8x128xi1>, vector<8x128xf32>
      %gt3A_1621 = arith.cmpf ogt, %select_n3A_1620, %max3A_1521 : vector<8x128xf32>
      %jit3A_1622 = arith.constant 1.130000e+02 : f32
      %broadcast_in_dim3A_1623 = vector.broadcast %jit3A_1622 : f32 to vector<8x128xf32>
      %select_n3A_1624 = arith.select %gt3A_1621, %broadcast_in_dim3A_1623, %select_n3A_1520 : vector<8x128xi1>, vector<8x128xf32>
      %max3A_1625 = arith.maximumf %select_n3A_1620, %max3A_1521 : vector<8x128xf32>
      %get3A_1626 = arith.constant 114 : index
      %get3A_1627 = arith.constant 0 : index
      %get3A_1628 = arith.constant 0 : index
      %get3A_1629 = vector.load %arg13[%get3A_1626, %get3A_1627, %get3A_1628] : memref<151x8x128xf32, #tpu.memory_space<vmem>>, vector<1x8x128xf32>
      %get3A_1630 = vector.shape_cast %get3A_1629 : vector<1x8x128xf32> to vector<8x128xf32>
      %jit3A_1631 = arith.constant -1.000000e+00 : f32
      %broadcast_in_dim3A_1632 = vector.broadcast %jit3A_1631 : f32 to vector<8x128xf32>
      %select_n3A_1633 = arith.select %gt3A_112, %broadcast_in_dim3A_1632, %get3A_1630 : vector<8x128xi1>, vector<8x128xf32>
      %gt3A_1634 = arith.cmpf ogt, %select_n3A_1633, %max3A_1534 : vector<8x128xf32>
      %jit3A_1635 = arith.constant 1.140000e+02 : f32
      %broadcast_in_dim3A_1636 = vector.broadcast %jit3A_1635 : f32 to vector<8x128xf32>
      %select_n3A_1637 = arith.select %gt3A_1634, %broadcast_in_dim3A_1636, %select_n3A_1533 : vector<8x128xi1>, vector<8x128xf32>
      %max3A_1638 = arith.maximumf %select_n3A_1633, %max3A_1534 : vector<8x128xf32>
      %get3A_1639 = arith.constant 115 : index
      %get3A_1640 = arith.constant 0 : index
      %get3A_1641 = arith.constant 0 : index
      %get3A_1642 = vector.load %arg13[%get3A_1639, %get3A_1640, %get3A_1641] : memref<151x8x128xf32, #tpu.memory_space<vmem>>, vector<1x8x128xf32>
      %get3A_1643 = vector.shape_cast %get3A_1642 : vector<1x8x128xf32> to vector<8x128xf32>
      %jit3A_1644 = arith.constant -1.000000e+00 : f32
      %broadcast_in_dim3A_1645 = vector.broadcast %jit3A_1644 : f32 to vector<8x128xf32>
      %select_n3A_1646 = arith.select %gt3A_112, %broadcast_in_dim3A_1645, %get3A_1643 : vector<8x128xi1>, vector<8x128xf32>
      %gt3A_1647 = arith.cmpf ogt, %select_n3A_1646, %max3A_1547 : vector<8x128xf32>
      %jit3A_1648 = arith.constant 1.150000e+02 : f32
      %broadcast_in_dim3A_1649 = vector.broadcast %jit3A_1648 : f32 to vector<8x128xf32>
      %select_n3A_1650 = arith.select %gt3A_1647, %broadcast_in_dim3A_1649, %select_n3A_1546 : vector<8x128xi1>, vector<8x128xf32>
      %max3A_1651 = arith.maximumf %select_n3A_1646, %max3A_1547 : vector<8x128xf32>
      %get3A_1652 = arith.constant 116 : index
      %get3A_1653 = arith.constant 0 : index
      %get3A_1654 = arith.constant 0 : index
      %get3A_1655 = vector.load %arg13[%get3A_1652, %get3A_1653, %get3A_1654] : memref<151x8x128xf32, #tpu.memory_space<vmem>>, vector<1x8x128xf32>
      %get3A_1656 = vector.shape_cast %get3A_1655 : vector<1x8x128xf32> to vector<8x128xf32>
      %jit3A_1657 = arith.constant -1.000000e+00 : f32
      %broadcast_in_dim3A_1658 = vector.broadcast %jit3A_1657 : f32 to vector<8x128xf32>
      %select_n3A_1659 = arith.select %gt3A_112, %broadcast_in_dim3A_1658, %get3A_1656 : vector<8x128xi1>, vector<8x128xf32>
      %gt3A_1660 = arith.cmpf ogt, %select_n3A_1659, %max3A_1560 : vector<8x128xf32>
      %jit3A_1661 = arith.constant 1.160000e+02 : f32
      %broadcast_in_dim3A_1662 = vector.broadcast %jit3A_1661 : f32 to vector<8x128xf32>
      %select_n3A_1663 = arith.select %gt3A_1660, %broadcast_in_dim3A_1662, %select_n3A_1559 : vector<8x128xi1>, vector<8x128xf32>
      %max3A_1664 = arith.maximumf %select_n3A_1659, %max3A_1560 : vector<8x128xf32>
      %get3A_1665 = arith.constant 117 : index
      %get3A_1666 = arith.constant 0 : index
      %get3A_1667 = arith.constant 0 : index
      %get3A_1668 = vector.load %arg13[%get3A_1665, %get3A_1666, %get3A_1667] : memref<151x8x128xf32, #tpu.memory_space<vmem>>, vector<1x8x128xf32>
      %get3A_1669 = vector.shape_cast %get3A_1668 : vector<1x8x128xf32> to vector<8x128xf32>
      %jit3A_1670 = arith.constant -1.000000e+00 : f32
      %broadcast_in_dim3A_1671 = vector.broadcast %jit3A_1670 : f32 to vector<8x128xf32>
      %select_n3A_1672 = arith.select %gt3A_112, %broadcast_in_dim3A_1671, %get3A_1669 : vector<8x128xi1>, vector<8x128xf32>
      %gt3A_1673 = arith.cmpf ogt, %select_n3A_1672, %max3A_1573 : vector<8x128xf32>
      %jit3A_1674 = arith.constant 1.170000e+02 : f32
      %broadcast_in_dim3A_1675 = vector.broadcast %jit3A_1674 : f32 to vector<8x128xf32>
      %select_n3A_1676 = arith.select %gt3A_1673, %broadcast_in_dim3A_1675, %select_n3A_1572 : vector<8x128xi1>, vector<8x128xf32>
      %max3A_1677 = arith.maximumf %select_n3A_1672, %max3A_1573 : vector<8x128xf32>
      %get3A_1678 = arith.constant 118 : index
      %get3A_1679 = arith.constant 0 : index
      %get3A_1680 = arith.constant 0 : index
      %get3A_1681 = vector.load %arg13[%get3A_1678, %get3A_1679, %get3A_1680] : memref<151x8x128xf32, #tpu.memory_space<vmem>>, vector<1x8x128xf32>
      %get3A_1682 = vector.shape_cast %get3A_1681 : vector<1x8x128xf32> to vector<8x128xf32>
      %jit3A_1683 = arith.constant -1.000000e+00 : f32
      %broadcast_in_dim3A_1684 = vector.broadcast %jit3A_1683 : f32 to vector<8x128xf32>
      %select_n3A_1685 = arith.select %gt3A_112, %broadcast_in_dim3A_1684, %get3A_1682 : vector<8x128xi1>, vector<8x128xf32>
      %gt3A_1686 = arith.cmpf ogt, %select_n3A_1685, %max3A_1586 : vector<8x128xf32>
      %jit3A_1687 = arith.constant 1.180000e+02 : f32
      %broadcast_in_dim3A_1688 = vector.broadcast %jit3A_1687 : f32 to vector<8x128xf32>
      %select_n3A_1689 = arith.select %gt3A_1686, %broadcast_in_dim3A_1688, %select_n3A_1585 : vector<8x128xi1>, vector<8x128xf32>
      %max3A_1690 = arith.maximumf %select_n3A_1685, %max3A_1586 : vector<8x128xf32>
      %get3A_1691 = arith.constant 119 : index
      %get3A_1692 = arith.constant 0 : index
      %get3A_1693 = arith.constant 0 : index
      %get3A_1694 = vector.load %arg13[%get3A_1691, %get3A_1692, %get3A_1693] : memref<151x8x128xf32, #tpu.memory_space<vmem>>, vector<1x8x128xf32>
      %get3A_1695 = vector.shape_cast %get3A_1694 : vector<1x8x128xf32> to vector<8x128xf32>
      %jit3A_1696 = arith.constant -1.000000e+00 : f32
      %broadcast_in_dim3A_1697 = vector.broadcast %jit3A_1696 : f32 to vector<8x128xf32>
      %select_n3A_1698 = arith.select %gt3A_112, %broadcast_in_dim3A_1697, %get3A_1695 : vector<8x128xi1>, vector<8x128xf32>
      %gt3A_1699 = arith.cmpf ogt, %select_n3A_1698, %max3A_1599 : vector<8x128xf32>
      %jit3A_1700 = arith.constant 1.190000e+02 : f32
      %broadcast_in_dim3A_1701 = vector.broadcast %jit3A_1700 : f32 to vector<8x128xf32>
      %select_n3A_1702 = arith.select %gt3A_1699, %broadcast_in_dim3A_1701, %select_n3A_1598 : vector<8x128xi1>, vector<8x128xf32>
      %max3A_1703 = arith.maximumf %select_n3A_1698, %max3A_1599 : vector<8x128xf32>
      %get3A_1704 = arith.constant 120 : index
      %get3A_1705 = arith.constant 0 : index
      %get3A_1706 = arith.constant 0 : index
      %get3A_1707 = vector.load %arg13[%get3A_1704, %get3A_1705, %get3A_1706] : memref<151x8x128xf32, #tpu.memory_space<vmem>>, vector<1x8x128xf32>
      %get3A_1708 = vector.shape_cast %get3A_1707 : vector<1x8x128xf32> to vector<8x128xf32>
      %jit3A_1709 = arith.constant -1.000000e+00 : f32
      %broadcast_in_dim3A_1710 = vector.broadcast %jit3A_1709 : f32 to vector<8x128xf32>
      %select_n3A_1711 = arith.select %gt3A_112, %broadcast_in_dim3A_1710, %get3A_1708 : vector<8x128xi1>, vector<8x128xf32>
      %gt3A_1712 = arith.cmpf ogt, %select_n3A_1711, %max3A_1612 : vector<8x128xf32>
      %jit3A_1713 = arith.constant 1.200000e+02 : f32
      %broadcast_in_dim3A_1714 = vector.broadcast %jit3A_1713 : f32 to vector<8x128xf32>
      %select_n3A_1715 = arith.select %gt3A_1712, %broadcast_in_dim3A_1714, %select_n3A_1611 : vector<8x128xi1>, vector<8x128xf32>
      %max3A_1716 = arith.maximumf %select_n3A_1711, %max3A_1612 : vector<8x128xf32>
      %get3A_1717 = arith.constant 121 : index
      %get3A_1718 = arith.constant 0 : index
      %get3A_1719 = arith.constant 0 : index
      %get3A_1720 = vector.load %arg13[%get3A_1717, %get3A_1718, %get3A_1719] : memref<151x8x128xf32, #tpu.memory_space<vmem>>, vector<1x8x128xf32>
      %get3A_1721 = vector.shape_cast %get3A_1720 : vector<1x8x128xf32> to vector<8x128xf32>
      %jit3A_1722 = arith.constant -1.000000e+00 : f32
      %broadcast_in_dim3A_1723 = vector.broadcast %jit3A_1722 : f32 to vector<8x128xf32>
      %select_n3A_1724 = arith.select %gt3A_112, %broadcast_in_dim3A_1723, %get3A_1721 : vector<8x128xi1>, vector<8x128xf32>
      %gt3A_1725 = arith.cmpf ogt, %select_n3A_1724, %max3A_1625 : vector<8x128xf32>
      %jit3A_1726 = arith.constant 1.210000e+02 : f32
      %broadcast_in_dim3A_1727 = vector.broadcast %jit3A_1726 : f32 to vector<8x128xf32>
      %select_n3A_1728 = arith.select %gt3A_1725, %broadcast_in_dim3A_1727, %select_n3A_1624 : vector<8x128xi1>, vector<8x128xf32>
      %max3A_1729 = arith.maximumf %select_n3A_1724, %max3A_1625 : vector<8x128xf32>
      %get3A_1730 = arith.constant 122 : index
      %get3A_1731 = arith.constant 0 : index
      %get3A_1732 = arith.constant 0 : index
      %get3A_1733 = vector.load %arg13[%get3A_1730, %get3A_1731, %get3A_1732] : memref<151x8x128xf32, #tpu.memory_space<vmem>>, vector<1x8x128xf32>
      %get3A_1734 = vector.shape_cast %get3A_1733 : vector<1x8x128xf32> to vector<8x128xf32>
      %jit3A_1735 = arith.constant -1.000000e+00 : f32
      %broadcast_in_dim3A_1736 = vector.broadcast %jit3A_1735 : f32 to vector<8x128xf32>
      %select_n3A_1737 = arith.select %gt3A_112, %broadcast_in_dim3A_1736, %get3A_1734 : vector<8x128xi1>, vector<8x128xf32>
      %gt3A_1738 = arith.cmpf ogt, %select_n3A_1737, %max3A_1638 : vector<8x128xf32>
      %jit3A_1739 = arith.constant 1.220000e+02 : f32
      %broadcast_in_dim3A_1740 = vector.broadcast %jit3A_1739 : f32 to vector<8x128xf32>
      %select_n3A_1741 = arith.select %gt3A_1738, %broadcast_in_dim3A_1740, %select_n3A_1637 : vector<8x128xi1>, vector<8x128xf32>
      %max3A_1742 = arith.maximumf %select_n3A_1737, %max3A_1638 : vector<8x128xf32>
      %get3A_1743 = arith.constant 123 : index
      %get3A_1744 = arith.constant 0 : index
      %get3A_1745 = arith.constant 0 : index
      %get3A_1746 = vector.load %arg13[%get3A_1743, %get3A_1744, %get3A_1745] : memref<151x8x128xf32, #tpu.memory_space<vmem>>, vector<1x8x128xf32>
      %get3A_1747 = vector.shape_cast %get3A_1746 : vector<1x8x128xf32> to vector<8x128xf32>
      %jit3A_1748 = arith.constant -1.000000e+00 : f32
      %broadcast_in_dim3A_1749 = vector.broadcast %jit3A_1748 : f32 to vector<8x128xf32>
      %select_n3A_1750 = arith.select %gt3A_112, %broadcast_in_dim3A_1749, %get3A_1747 : vector<8x128xi1>, vector<8x128xf32>
      %gt3A_1751 = arith.cmpf ogt, %select_n3A_1750, %max3A_1651 : vector<8x128xf32>
      %jit3A_1752 = arith.constant 1.230000e+02 : f32
      %broadcast_in_dim3A_1753 = vector.broadcast %jit3A_1752 : f32 to vector<8x128xf32>
      %select_n3A_1754 = arith.select %gt3A_1751, %broadcast_in_dim3A_1753, %select_n3A_1650 : vector<8x128xi1>, vector<8x128xf32>
      %max3A_1755 = arith.maximumf %select_n3A_1750, %max3A_1651 : vector<8x128xf32>
      %get3A_1756 = arith.constant 124 : index
      %get3A_1757 = arith.constant 0 : index
      %get3A_1758 = arith.constant 0 : index
      %get3A_1759 = vector.load %arg13[%get3A_1756, %get3A_1757, %get3A_1758] : memref<151x8x128xf32, #tpu.memory_space<vmem>>, vector<1x8x128xf32>
      %get3A_1760 = vector.shape_cast %get3A_1759 : vector<1x8x128xf32> to vector<8x128xf32>
      %jit3A_1761 = arith.constant -1.000000e+00 : f32
      %broadcast_in_dim3A_1762 = vector.broadcast %jit3A_1761 : f32 to vector<8x128xf32>
      %select_n3A_1763 = arith.select %gt3A_112, %broadcast_in_dim3A_1762, %get3A_1760 : vector<8x128xi1>, vector<8x128xf32>
      %gt3A_1764 = arith.cmpf ogt, %select_n3A_1763, %max3A_1664 : vector<8x128xf32>
      %jit3A_1765 = arith.constant 1.240000e+02 : f32
      %broadcast_in_dim3A_1766 = vector.broadcast %jit3A_1765 : f32 to vector<8x128xf32>
      %select_n3A_1767 = arith.select %gt3A_1764, %broadcast_in_dim3A_1766, %select_n3A_1663 : vector<8x128xi1>, vector<8x128xf32>
      %max3A_1768 = arith.maximumf %select_n3A_1763, %max3A_1664 : vector<8x128xf32>
      %get3A_1769 = arith.constant 125 : index
      %get3A_1770 = arith.constant 0 : index
      %get3A_1771 = arith.constant 0 : index
      %get3A_1772 = vector.load %arg13[%get3A_1769, %get3A_1770, %get3A_1771] : memref<151x8x128xf32, #tpu.memory_space<vmem>>, vector<1x8x128xf32>
      %get3A_1773 = vector.shape_cast %get3A_1772 : vector<1x8x128xf32> to vector<8x128xf32>
      %jit3A_1774 = arith.constant -1.000000e+00 : f32
      %broadcast_in_dim3A_1775 = vector.broadcast %jit3A_1774 : f32 to vector<8x128xf32>
      %select_n3A_1776 = arith.select %gt3A_112, %broadcast_in_dim3A_1775, %get3A_1773 : vector<8x128xi1>, vector<8x128xf32>
      %gt3A_1777 = arith.cmpf ogt, %select_n3A_1776, %max3A_1677 : vector<8x128xf32>
      %jit3A_1778 = arith.constant 1.250000e+02 : f32
      %broadcast_in_dim3A_1779 = vector.broadcast %jit3A_1778 : f32 to vector<8x128xf32>
      %select_n3A_1780 = arith.select %gt3A_1777, %broadcast_in_dim3A_1779, %select_n3A_1676 : vector<8x128xi1>, vector<8x128xf32>
      %max3A_1781 = arith.maximumf %select_n3A_1776, %max3A_1677 : vector<8x128xf32>
      %get3A_1782 = arith.constant 126 : index
      %get3A_1783 = arith.constant 0 : index
      %get3A_1784 = arith.constant 0 : index
      %get3A_1785 = vector.load %arg13[%get3A_1782, %get3A_1783, %get3A_1784] : memref<151x8x128xf32, #tpu.memory_space<vmem>>, vector<1x8x128xf32>
      %get3A_1786 = vector.shape_cast %get3A_1785 : vector<1x8x128xf32> to vector<8x128xf32>
      %jit3A_1787 = arith.constant -1.000000e+00 : f32
      %broadcast_in_dim3A_1788 = vector.broadcast %jit3A_1787 : f32 to vector<8x128xf32>
      %select_n3A_1789 = arith.select %gt3A_112, %broadcast_in_dim3A_1788, %get3A_1786 : vector<8x128xi1>, vector<8x128xf32>
      %gt3A_1790 = arith.cmpf ogt, %select_n3A_1789, %max3A_1690 : vector<8x128xf32>
      %jit3A_1791 = arith.constant 1.260000e+02 : f32
      %broadcast_in_dim3A_1792 = vector.broadcast %jit3A_1791 : f32 to vector<8x128xf32>
      %select_n3A_1793 = arith.select %gt3A_1790, %broadcast_in_dim3A_1792, %select_n3A_1689 : vector<8x128xi1>, vector<8x128xf32>
      %max3A_1794 = arith.maximumf %select_n3A_1789, %max3A_1690 : vector<8x128xf32>
      %get3A_1795 = arith.constant 127 : index
      %get3A_1796 = arith.constant 0 : index
      %get3A_1797 = arith.constant 0 : index
      %get3A_1798 = vector.load %arg13[%get3A_1795, %get3A_1796, %get3A_1797] : memref<151x8x128xf32, #tpu.memory_space<vmem>>, vector<1x8x128xf32>
      %get3A_1799 = vector.shape_cast %get3A_1798 : vector<1x8x128xf32> to vector<8x128xf32>
      %jit3A_1800 = arith.constant -1.000000e+00 : f32
      %broadcast_in_dim3A_1801 = vector.broadcast %jit3A_1800 : f32 to vector<8x128xf32>
      %select_n3A_1802 = arith.select %gt3A_112, %broadcast_in_dim3A_1801, %get3A_1799 : vector<8x128xi1>, vector<8x128xf32>
      %gt3A_1803 = arith.cmpf ogt, %select_n3A_1802, %max3A_1703 : vector<8x128xf32>
      %jit3A_1804 = arith.constant 1.270000e+02 : f32
      %broadcast_in_dim3A_1805 = vector.broadcast %jit3A_1804 : f32 to vector<8x128xf32>
      %select_n3A_1806 = arith.select %gt3A_1803, %broadcast_in_dim3A_1805, %select_n3A_1702 : vector<8x128xi1>, vector<8x128xf32>
      %max3A_1807 = arith.maximumf %select_n3A_1802, %max3A_1703 : vector<8x128xf32>
      %get3A_1808 = arith.constant 128 : index
      %get3A_1809 = arith.constant 0 : index
      %get3A_1810 = arith.constant 0 : index
      %get3A_1811 = vector.load %arg13[%get3A_1808, %get3A_1809, %get3A_1810] : memref<151x8x128xf32, #tpu.memory_space<vmem>>, vector<1x8x128xf32>
      %get3A_1812 = vector.shape_cast %get3A_1811 : vector<1x8x128xf32> to vector<8x128xf32>
      %jit3A_1813 = arith.constant -1.000000e+00 : f32
      %broadcast_in_dim3A_1814 = vector.broadcast %jit3A_1813 : f32 to vector<8x128xf32>
      %select_n3A_1815 = arith.select %gt3A_112, %broadcast_in_dim3A_1814, %get3A_1812 : vector<8x128xi1>, vector<8x128xf32>
      %gt3A_1816 = arith.cmpf ogt, %select_n3A_1815, %max3A_1716 : vector<8x128xf32>
      %jit3A_1817 = arith.constant 1.280000e+02 : f32
      %broadcast_in_dim3A_1818 = vector.broadcast %jit3A_1817 : f32 to vector<8x128xf32>
      %select_n3A_1819 = arith.select %gt3A_1816, %broadcast_in_dim3A_1818, %select_n3A_1715 : vector<8x128xi1>, vector<8x128xf32>
      %max3A_1820 = arith.maximumf %select_n3A_1815, %max3A_1716 : vector<8x128xf32>
      %get3A_1821 = arith.constant 129 : index
      %get3A_1822 = arith.constant 0 : index
      %get3A_1823 = arith.constant 0 : index
      %get3A_1824 = vector.load %arg13[%get3A_1821, %get3A_1822, %get3A_1823] : memref<151x8x128xf32, #tpu.memory_space<vmem>>, vector<1x8x128xf32>
      %get3A_1825 = vector.shape_cast %get3A_1824 : vector<1x8x128xf32> to vector<8x128xf32>
      %jit3A_1826 = arith.constant -1.000000e+00 : f32
      %broadcast_in_dim3A_1827 = vector.broadcast %jit3A_1826 : f32 to vector<8x128xf32>
      %select_n3A_1828 = arith.select %gt3A_112, %broadcast_in_dim3A_1827, %get3A_1825 : vector<8x128xi1>, vector<8x128xf32>
      %gt3A_1829 = arith.cmpf ogt, %select_n3A_1828, %max3A_1729 : vector<8x128xf32>
      %jit3A_1830 = arith.constant 1.290000e+02 : f32
      %broadcast_in_dim3A_1831 = vector.broadcast %jit3A_1830 : f32 to vector<8x128xf32>
      %select_n3A_1832 = arith.select %gt3A_1829, %broadcast_in_dim3A_1831, %select_n3A_1728 : vector<8x128xi1>, vector<8x128xf32>
      %max3A_1833 = arith.maximumf %select_n3A_1828, %max3A_1729 : vector<8x128xf32>
      %get3A_1834 = arith.constant 130 : index
      %get3A_1835 = arith.constant 0 : index
      %get3A_1836 = arith.constant 0 : index
      %get3A_1837 = vector.load %arg13[%get3A_1834, %get3A_1835, %get3A_1836] : memref<151x8x128xf32, #tpu.memory_space<vmem>>, vector<1x8x128xf32>
      %get3A_1838 = vector.shape_cast %get3A_1837 : vector<1x8x128xf32> to vector<8x128xf32>
      %jit3A_1839 = arith.constant -1.000000e+00 : f32
      %broadcast_in_dim3A_1840 = vector.broadcast %jit3A_1839 : f32 to vector<8x128xf32>
      %select_n3A_1841 = arith.select %gt3A_112, %broadcast_in_dim3A_1840, %get3A_1838 : vector<8x128xi1>, vector<8x128xf32>
      %gt3A_1842 = arith.cmpf ogt, %select_n3A_1841, %max3A_1742 : vector<8x128xf32>
      %jit3A_1843 = arith.constant 1.300000e+02 : f32
      %broadcast_in_dim3A_1844 = vector.broadcast %jit3A_1843 : f32 to vector<8x128xf32>
      %select_n3A_1845 = arith.select %gt3A_1842, %broadcast_in_dim3A_1844, %select_n3A_1741 : vector<8x128xi1>, vector<8x128xf32>
      %max3A_1846 = arith.maximumf %select_n3A_1841, %max3A_1742 : vector<8x128xf32>
      %get3A_1847 = arith.constant 131 : index
      %get3A_1848 = arith.constant 0 : index
      %get3A_1849 = arith.constant 0 : index
      %get3A_1850 = vector.load %arg13[%get3A_1847, %get3A_1848, %get3A_1849] : memref<151x8x128xf32, #tpu.memory_space<vmem>>, vector<1x8x128xf32>
      %get3A_1851 = vector.shape_cast %get3A_1850 : vector<1x8x128xf32> to vector<8x128xf32>
      %jit3A_1852 = arith.constant -1.000000e+00 : f32
      %broadcast_in_dim3A_1853 = vector.broadcast %jit3A_1852 : f32 to vector<8x128xf32>
      %select_n3A_1854 = arith.select %gt3A_112, %broadcast_in_dim3A_1853, %get3A_1851 : vector<8x128xi1>, vector<8x128xf32>
      %gt3A_1855 = arith.cmpf ogt, %select_n3A_1854, %max3A_1755 : vector<8x128xf32>
      %jit3A_1856 = arith.constant 1.310000e+02 : f32
      %broadcast_in_dim3A_1857 = vector.broadcast %jit3A_1856 : f32 to vector<8x128xf32>
      %select_n3A_1858 = arith.select %gt3A_1855, %broadcast_in_dim3A_1857, %select_n3A_1754 : vector<8x128xi1>, vector<8x128xf32>
      %max3A_1859 = arith.maximumf %select_n3A_1854, %max3A_1755 : vector<8x128xf32>
      %get3A_1860 = arith.constant 132 : index
      %get3A_1861 = arith.constant 0 : index
      %get3A_1862 = arith.constant 0 : index
      %get3A_1863 = vector.load %arg13[%get3A_1860, %get3A_1861, %get3A_1862] : memref<151x8x128xf32, #tpu.memory_space<vmem>>, vector<1x8x128xf32>
      %get3A_1864 = vector.shape_cast %get3A_1863 : vector<1x8x128xf32> to vector<8x128xf32>
      %jit3A_1865 = arith.constant -1.000000e+00 : f32
      %broadcast_in_dim3A_1866 = vector.broadcast %jit3A_1865 : f32 to vector<8x128xf32>
      %select_n3A_1867 = arith.select %gt3A_112, %broadcast_in_dim3A_1866, %get3A_1864 : vector<8x128xi1>, vector<8x128xf32>
      %gt3A_1868 = arith.cmpf ogt, %select_n3A_1867, %max3A_1768 : vector<8x128xf32>
      %jit3A_1869 = arith.constant 1.320000e+02 : f32
      %broadcast_in_dim3A_1870 = vector.broadcast %jit3A_1869 : f32 to vector<8x128xf32>
      %select_n3A_1871 = arith.select %gt3A_1868, %broadcast_in_dim3A_1870, %select_n3A_1767 : vector<8x128xi1>, vector<8x128xf32>
      %max3A_1872 = arith.maximumf %select_n3A_1867, %max3A_1768 : vector<8x128xf32>
      %get3A_1873 = arith.constant 133 : index
      %get3A_1874 = arith.constant 0 : index
      %get3A_1875 = arith.constant 0 : index
      %get3A_1876 = vector.load %arg13[%get3A_1873, %get3A_1874, %get3A_1875] : memref<151x8x128xf32, #tpu.memory_space<vmem>>, vector<1x8x128xf32>
      %get3A_1877 = vector.shape_cast %get3A_1876 : vector<1x8x128xf32> to vector<8x128xf32>
      %jit3A_1878 = arith.constant -1.000000e+00 : f32
      %broadcast_in_dim3A_1879 = vector.broadcast %jit3A_1878 : f32 to vector<8x128xf32>
      %select_n3A_1880 = arith.select %gt3A_112, %broadcast_in_dim3A_1879, %get3A_1877 : vector<8x128xi1>, vector<8x128xf32>
      %gt3A_1881 = arith.cmpf ogt, %select_n3A_1880, %max3A_1781 : vector<8x128xf32>
      %jit3A_1882 = arith.constant 1.330000e+02 : f32
      %broadcast_in_dim3A_1883 = vector.broadcast %jit3A_1882 : f32 to vector<8x128xf32>
      %select_n3A_1884 = arith.select %gt3A_1881, %broadcast_in_dim3A_1883, %select_n3A_1780 : vector<8x128xi1>, vector<8x128xf32>
      %max3A_1885 = arith.maximumf %select_n3A_1880, %max3A_1781 : vector<8x128xf32>
      %get3A_1886 = arith.constant 134 : index
      %get3A_1887 = arith.constant 0 : index
      %get3A_1888 = arith.constant 0 : index
      %get3A_1889 = vector.load %arg13[%get3A_1886, %get3A_1887, %get3A_1888] : memref<151x8x128xf32, #tpu.memory_space<vmem>>, vector<1x8x128xf32>
      %get3A_1890 = vector.shape_cast %get3A_1889 : vector<1x8x128xf32> to vector<8x128xf32>
      %jit3A_1891 = arith.constant -1.000000e+00 : f32
      %broadcast_in_dim3A_1892 = vector.broadcast %jit3A_1891 : f32 to vector<8x128xf32>
      %select_n3A_1893 = arith.select %gt3A_112, %broadcast_in_dim3A_1892, %get3A_1890 : vector<8x128xi1>, vector<8x128xf32>
      %gt3A_1894 = arith.cmpf ogt, %select_n3A_1893, %max3A_1794 : vector<8x128xf32>
      %jit3A_1895 = arith.constant 1.340000e+02 : f32
      %broadcast_in_dim3A_1896 = vector.broadcast %jit3A_1895 : f32 to vector<8x128xf32>
      %select_n3A_1897 = arith.select %gt3A_1894, %broadcast_in_dim3A_1896, %select_n3A_1793 : vector<8x128xi1>, vector<8x128xf32>
      %max3A_1898 = arith.maximumf %select_n3A_1893, %max3A_1794 : vector<8x128xf32>
      %get3A_1899 = arith.constant 135 : index
      %get3A_1900 = arith.constant 0 : index
      %get3A_1901 = arith.constant 0 : index
      %get3A_1902 = vector.load %arg13[%get3A_1899, %get3A_1900, %get3A_1901] : memref<151x8x128xf32, #tpu.memory_space<vmem>>, vector<1x8x128xf32>
      %get3A_1903 = vector.shape_cast %get3A_1902 : vector<1x8x128xf32> to vector<8x128xf32>
      %jit3A_1904 = arith.constant -1.000000e+00 : f32
      %broadcast_in_dim3A_1905 = vector.broadcast %jit3A_1904 : f32 to vector<8x128xf32>
      %select_n3A_1906 = arith.select %gt3A_112, %broadcast_in_dim3A_1905, %get3A_1903 : vector<8x128xi1>, vector<8x128xf32>
      %gt3A_1907 = arith.cmpf ogt, %select_n3A_1906, %max3A_1807 : vector<8x128xf32>
      %jit3A_1908 = arith.constant 1.350000e+02 : f32
      %broadcast_in_dim3A_1909 = vector.broadcast %jit3A_1908 : f32 to vector<8x128xf32>
      %select_n3A_1910 = arith.select %gt3A_1907, %broadcast_in_dim3A_1909, %select_n3A_1806 : vector<8x128xi1>, vector<8x128xf32>
      %max3A_1911 = arith.maximumf %select_n3A_1906, %max3A_1807 : vector<8x128xf32>
      %get3A_1912 = arith.constant 136 : index
      %get3A_1913 = arith.constant 0 : index
      %get3A_1914 = arith.constant 0 : index
      %get3A_1915 = vector.load %arg13[%get3A_1912, %get3A_1913, %get3A_1914] : memref<151x8x128xf32, #tpu.memory_space<vmem>>, vector<1x8x128xf32>
      %get3A_1916 = vector.shape_cast %get3A_1915 : vector<1x8x128xf32> to vector<8x128xf32>
      %jit3A_1917 = arith.constant -1.000000e+00 : f32
      %broadcast_in_dim3A_1918 = vector.broadcast %jit3A_1917 : f32 to vector<8x128xf32>
      %select_n3A_1919 = arith.select %gt3A_112, %broadcast_in_dim3A_1918, %get3A_1916 : vector<8x128xi1>, vector<8x128xf32>
      %gt3A_1920 = arith.cmpf ogt, %select_n3A_1919, %max3A_1820 : vector<8x128xf32>
      %jit3A_1921 = arith.constant 1.360000e+02 : f32
      %broadcast_in_dim3A_1922 = vector.broadcast %jit3A_1921 : f32 to vector<8x128xf32>
      %select_n3A_1923 = arith.select %gt3A_1920, %broadcast_in_dim3A_1922, %select_n3A_1819 : vector<8x128xi1>, vector<8x128xf32>
      %max3A_1924 = arith.maximumf %select_n3A_1919, %max3A_1820 : vector<8x128xf32>
      %get3A_1925 = arith.constant 137 : index
      %get3A_1926 = arith.constant 0 : index
      %get3A_1927 = arith.constant 0 : index
      %get3A_1928 = vector.load %arg13[%get3A_1925, %get3A_1926, %get3A_1927] : memref<151x8x128xf32, #tpu.memory_space<vmem>>, vector<1x8x128xf32>
      %get3A_1929 = vector.shape_cast %get3A_1928 : vector<1x8x128xf32> to vector<8x128xf32>
      %jit3A_1930 = arith.constant -1.000000e+00 : f32
      %broadcast_in_dim3A_1931 = vector.broadcast %jit3A_1930 : f32 to vector<8x128xf32>
      %select_n3A_1932 = arith.select %gt3A_112, %broadcast_in_dim3A_1931, %get3A_1929 : vector<8x128xi1>, vector<8x128xf32>
      %gt3A_1933 = arith.cmpf ogt, %select_n3A_1932, %max3A_1833 : vector<8x128xf32>
      %jit3A_1934 = arith.constant 1.370000e+02 : f32
      %broadcast_in_dim3A_1935 = vector.broadcast %jit3A_1934 : f32 to vector<8x128xf32>
      %select_n3A_1936 = arith.select %gt3A_1933, %broadcast_in_dim3A_1935, %select_n3A_1832 : vector<8x128xi1>, vector<8x128xf32>
      %max3A_1937 = arith.maximumf %select_n3A_1932, %max3A_1833 : vector<8x128xf32>
      %get3A_1938 = arith.constant 138 : index
      %get3A_1939 = arith.constant 0 : index
      %get3A_1940 = arith.constant 0 : index
      %get3A_1941 = vector.load %arg13[%get3A_1938, %get3A_1939, %get3A_1940] : memref<151x8x128xf32, #tpu.memory_space<vmem>>, vector<1x8x128xf32>
      %get3A_1942 = vector.shape_cast %get3A_1941 : vector<1x8x128xf32> to vector<8x128xf32>
      %jit3A_1943 = arith.constant -1.000000e+00 : f32
      %broadcast_in_dim3A_1944 = vector.broadcast %jit3A_1943 : f32 to vector<8x128xf32>
      %select_n3A_1945 = arith.select %gt3A_112, %broadcast_in_dim3A_1944, %get3A_1942 : vector<8x128xi1>, vector<8x128xf32>
      %gt3A_1946 = arith.cmpf ogt, %select_n3A_1945, %max3A_1846 : vector<8x128xf32>
      %jit3A_1947 = arith.constant 1.380000e+02 : f32
      %broadcast_in_dim3A_1948 = vector.broadcast %jit3A_1947 : f32 to vector<8x128xf32>
      %select_n3A_1949 = arith.select %gt3A_1946, %broadcast_in_dim3A_1948, %select_n3A_1845 : vector<8x128xi1>, vector<8x128xf32>
      %max3A_1950 = arith.maximumf %select_n3A_1945, %max3A_1846 : vector<8x128xf32>
      %get3A_1951 = arith.constant 139 : index
      %get3A_1952 = arith.constant 0 : index
      %get3A_1953 = arith.constant 0 : index
      %get3A_1954 = vector.load %arg13[%get3A_1951, %get3A_1952, %get3A_1953] : memref<151x8x128xf32, #tpu.memory_space<vmem>>, vector<1x8x128xf32>
      %get3A_1955 = vector.shape_cast %get3A_1954 : vector<1x8x128xf32> to vector<8x128xf32>
      %jit3A_1956 = arith.constant -1.000000e+00 : f32
      %broadcast_in_dim3A_1957 = vector.broadcast %jit3A_1956 : f32 to vector<8x128xf32>
      %select_n3A_1958 = arith.select %gt3A_112, %broadcast_in_dim3A_1957, %get3A_1955 : vector<8x128xi1>, vector<8x128xf32>
      %gt3A_1959 = arith.cmpf ogt, %select_n3A_1958, %max3A_1859 : vector<8x128xf32>
      %jit3A_1960 = arith.constant 1.390000e+02 : f32
      %broadcast_in_dim3A_1961 = vector.broadcast %jit3A_1960 : f32 to vector<8x128xf32>
      %select_n3A_1962 = arith.select %gt3A_1959, %broadcast_in_dim3A_1961, %select_n3A_1858 : vector<8x128xi1>, vector<8x128xf32>
      %max3A_1963 = arith.maximumf %select_n3A_1958, %max3A_1859 : vector<8x128xf32>
      %get3A_1964 = arith.constant 140 : index
      %get3A_1965 = arith.constant 0 : index
      %get3A_1966 = arith.constant 0 : index
      %get3A_1967 = vector.load %arg13[%get3A_1964, %get3A_1965, %get3A_1966] : memref<151x8x128xf32, #tpu.memory_space<vmem>>, vector<1x8x128xf32>
      %get3A_1968 = vector.shape_cast %get3A_1967 : vector<1x8x128xf32> to vector<8x128xf32>
      %jit3A_1969 = arith.constant -1.000000e+00 : f32
      %broadcast_in_dim3A_1970 = vector.broadcast %jit3A_1969 : f32 to vector<8x128xf32>
      %select_n3A_1971 = arith.select %gt3A_112, %broadcast_in_dim3A_1970, %get3A_1968 : vector<8x128xi1>, vector<8x128xf32>
      %gt3A_1972 = arith.cmpf ogt, %select_n3A_1971, %max3A_1872 : vector<8x128xf32>
      %jit3A_1973 = arith.constant 1.400000e+02 : f32
      %broadcast_in_dim3A_1974 = vector.broadcast %jit3A_1973 : f32 to vector<8x128xf32>
      %select_n3A_1975 = arith.select %gt3A_1972, %broadcast_in_dim3A_1974, %select_n3A_1871 : vector<8x128xi1>, vector<8x128xf32>
      %max3A_1976 = arith.maximumf %select_n3A_1971, %max3A_1872 : vector<8x128xf32>
      %get3A_1977 = arith.constant 141 : index
      %get3A_1978 = arith.constant 0 : index
      %get3A_1979 = arith.constant 0 : index
      %get3A_1980 = vector.load %arg13[%get3A_1977, %get3A_1978, %get3A_1979] : memref<151x8x128xf32, #tpu.memory_space<vmem>>, vector<1x8x128xf32>
      %get3A_1981 = vector.shape_cast %get3A_1980 : vector<1x8x128xf32> to vector<8x128xf32>
      %jit3A_1982 = arith.constant -1.000000e+00 : f32
      %broadcast_in_dim3A_1983 = vector.broadcast %jit3A_1982 : f32 to vector<8x128xf32>
      %select_n3A_1984 = arith.select %gt3A_112, %broadcast_in_dim3A_1983, %get3A_1981 : vector<8x128xi1>, vector<8x128xf32>
      %gt3A_1985 = arith.cmpf ogt, %select_n3A_1984, %max3A_1885 : vector<8x128xf32>
      %jit3A_1986 = arith.constant 1.410000e+02 : f32
      %broadcast_in_dim3A_1987 = vector.broadcast %jit3A_1986 : f32 to vector<8x128xf32>
      %select_n3A_1988 = arith.select %gt3A_1985, %broadcast_in_dim3A_1987, %select_n3A_1884 : vector<8x128xi1>, vector<8x128xf32>
      %max3A_1989 = arith.maximumf %select_n3A_1984, %max3A_1885 : vector<8x128xf32>
      %get3A_1990 = arith.constant 142 : index
      %get3A_1991 = arith.constant 0 : index
      %get3A_1992 = arith.constant 0 : index
      %get3A_1993 = vector.load %arg13[%get3A_1990, %get3A_1991, %get3A_1992] : memref<151x8x128xf32, #tpu.memory_space<vmem>>, vector<1x8x128xf32>
      %get3A_1994 = vector.shape_cast %get3A_1993 : vector<1x8x128xf32> to vector<8x128xf32>
      %jit3A_1995 = arith.constant -1.000000e+00 : f32
      %broadcast_in_dim3A_1996 = vector.broadcast %jit3A_1995 : f32 to vector<8x128xf32>
      %select_n3A_1997 = arith.select %gt3A_112, %broadcast_in_dim3A_1996, %get3A_1994 : vector<8x128xi1>, vector<8x128xf32>
      %gt3A_1998 = arith.cmpf ogt, %select_n3A_1997, %max3A_1898 : vector<8x128xf32>
      %jit3A_1999 = arith.constant 1.420000e+02 : f32
      %broadcast_in_dim3A_2000 = vector.broadcast %jit3A_1999 : f32 to vector<8x128xf32>
      %select_n3A_2001 = arith.select %gt3A_1998, %broadcast_in_dim3A_2000, %select_n3A_1897 : vector<8x128xi1>, vector<8x128xf32>
      %max3A_2002 = arith.maximumf %select_n3A_1997, %max3A_1898 : vector<8x128xf32>
      %get3A_2003 = arith.constant 143 : index
      %get3A_2004 = arith.constant 0 : index
      %get3A_2005 = arith.constant 0 : index
      %get3A_2006 = vector.load %arg13[%get3A_2003, %get3A_2004, %get3A_2005] : memref<151x8x128xf32, #tpu.memory_space<vmem>>, vector<1x8x128xf32>
      %get3A_2007 = vector.shape_cast %get3A_2006 : vector<1x8x128xf32> to vector<8x128xf32>
      %jit3A_2008 = arith.constant -1.000000e+00 : f32
      %broadcast_in_dim3A_2009 = vector.broadcast %jit3A_2008 : f32 to vector<8x128xf32>
      %select_n3A_2010 = arith.select %gt3A_112, %broadcast_in_dim3A_2009, %get3A_2007 : vector<8x128xi1>, vector<8x128xf32>
      %gt3A_2011 = arith.cmpf ogt, %select_n3A_2010, %max3A_1911 : vector<8x128xf32>
      %jit3A_2012 = arith.constant 1.430000e+02 : f32
      %broadcast_in_dim3A_2013 = vector.broadcast %jit3A_2012 : f32 to vector<8x128xf32>
      %select_n3A_2014 = arith.select %gt3A_2011, %broadcast_in_dim3A_2013, %select_n3A_1910 : vector<8x128xi1>, vector<8x128xf32>
      %max3A_2015 = arith.maximumf %select_n3A_2010, %max3A_1911 : vector<8x128xf32>
      %get3A_2016 = arith.constant 144 : index
      %get3A_2017 = arith.constant 0 : index
      %get3A_2018 = arith.constant 0 : index
      %get3A_2019 = vector.load %arg13[%get3A_2016, %get3A_2017, %get3A_2018] : memref<151x8x128xf32, #tpu.memory_space<vmem>>, vector<1x8x128xf32>
      %get3A_2020 = vector.shape_cast %get3A_2019 : vector<1x8x128xf32> to vector<8x128xf32>
      %jit3A_2021 = arith.constant -1.000000e+00 : f32
      %broadcast_in_dim3A_2022 = vector.broadcast %jit3A_2021 : f32 to vector<8x128xf32>
      %select_n3A_2023 = arith.select %gt3A_112, %broadcast_in_dim3A_2022, %get3A_2020 : vector<8x128xi1>, vector<8x128xf32>
      %gt3A_2024 = arith.cmpf ogt, %select_n3A_2023, %max3A_1924 : vector<8x128xf32>
      %jit3A_2025 = arith.constant 1.440000e+02 : f32
      %broadcast_in_dim3A_2026 = vector.broadcast %jit3A_2025 : f32 to vector<8x128xf32>
      %select_n3A_2027 = arith.select %gt3A_2024, %broadcast_in_dim3A_2026, %select_n3A_1923 : vector<8x128xi1>, vector<8x128xf32>
      %max3A_2028 = arith.maximumf %select_n3A_2023, %max3A_1924 : vector<8x128xf32>
      %get3A_2029 = arith.constant 145 : index
      %get3A_2030 = arith.constant 0 : index
      %get3A_2031 = arith.constant 0 : index
      %get3A_2032 = vector.load %arg13[%get3A_2029, %get3A_2030, %get3A_2031] : memref<151x8x128xf32, #tpu.memory_space<vmem>>, vector<1x8x128xf32>
      %get3A_2033 = vector.shape_cast %get3A_2032 : vector<1x8x128xf32> to vector<8x128xf32>
      %jit3A_2034 = arith.constant -1.000000e+00 : f32
      %broadcast_in_dim3A_2035 = vector.broadcast %jit3A_2034 : f32 to vector<8x128xf32>
      %select_n3A_2036 = arith.select %gt3A_112, %broadcast_in_dim3A_2035, %get3A_2033 : vector<8x128xi1>, vector<8x128xf32>
      %gt3A_2037 = arith.cmpf ogt, %select_n3A_2036, %max3A_1937 : vector<8x128xf32>
      %jit3A_2038 = arith.constant 1.450000e+02 : f32
      %broadcast_in_dim3A_2039 = vector.broadcast %jit3A_2038 : f32 to vector<8x128xf32>
      %select_n3A_2040 = arith.select %gt3A_2037, %broadcast_in_dim3A_2039, %select_n3A_1936 : vector<8x128xi1>, vector<8x128xf32>
      %max3A_2041 = arith.maximumf %select_n3A_2036, %max3A_1937 : vector<8x128xf32>
      %get3A_2042 = arith.constant 146 : index
      %get3A_2043 = arith.constant 0 : index
      %get3A_2044 = arith.constant 0 : index
      %get3A_2045 = vector.load %arg13[%get3A_2042, %get3A_2043, %get3A_2044] : memref<151x8x128xf32, #tpu.memory_space<vmem>>, vector<1x8x128xf32>
      %get3A_2046 = vector.shape_cast %get3A_2045 : vector<1x8x128xf32> to vector<8x128xf32>
      %jit3A_2047 = arith.constant -1.000000e+00 : f32
      %broadcast_in_dim3A_2048 = vector.broadcast %jit3A_2047 : f32 to vector<8x128xf32>
      %select_n3A_2049 = arith.select %gt3A_112, %broadcast_in_dim3A_2048, %get3A_2046 : vector<8x128xi1>, vector<8x128xf32>
      %gt3A_2050 = arith.cmpf ogt, %select_n3A_2049, %max3A_1950 : vector<8x128xf32>
      %jit3A_2051 = arith.constant 1.460000e+02 : f32
      %broadcast_in_dim3A_2052 = vector.broadcast %jit3A_2051 : f32 to vector<8x128xf32>
      %select_n3A_2053 = arith.select %gt3A_2050, %broadcast_in_dim3A_2052, %select_n3A_1949 : vector<8x128xi1>, vector<8x128xf32>
      %max3A_2054 = arith.maximumf %select_n3A_2049, %max3A_1950 : vector<8x128xf32>
      %get3A_2055 = arith.constant 147 : index
      %get3A_2056 = arith.constant 0 : index
      %get3A_2057 = arith.constant 0 : index
      %get3A_2058 = vector.load %arg13[%get3A_2055, %get3A_2056, %get3A_2057] : memref<151x8x128xf32, #tpu.memory_space<vmem>>, vector<1x8x128xf32>
      %get3A_2059 = vector.shape_cast %get3A_2058 : vector<1x8x128xf32> to vector<8x128xf32>
      %jit3A_2060 = arith.constant -1.000000e+00 : f32
      %broadcast_in_dim3A_2061 = vector.broadcast %jit3A_2060 : f32 to vector<8x128xf32>
      %select_n3A_2062 = arith.select %gt3A_112, %broadcast_in_dim3A_2061, %get3A_2059 : vector<8x128xi1>, vector<8x128xf32>
      %gt3A_2063 = arith.cmpf ogt, %select_n3A_2062, %max3A_1963 : vector<8x128xf32>
      %jit3A_2064 = arith.constant 1.470000e+02 : f32
      %broadcast_in_dim3A_2065 = vector.broadcast %jit3A_2064 : f32 to vector<8x128xf32>
      %select_n3A_2066 = arith.select %gt3A_2063, %broadcast_in_dim3A_2065, %select_n3A_1962 : vector<8x128xi1>, vector<8x128xf32>
      %max3A_2067 = arith.maximumf %select_n3A_2062, %max3A_1963 : vector<8x128xf32>
      %get3A_2068 = arith.constant 148 : index
      %get3A_2069 = arith.constant 0 : index
      %get3A_2070 = arith.constant 0 : index
      %get3A_2071 = vector.load %arg13[%get3A_2068, %get3A_2069, %get3A_2070] : memref<151x8x128xf32, #tpu.memory_space<vmem>>, vector<1x8x128xf32>
      %get3A_2072 = vector.shape_cast %get3A_2071 : vector<1x8x128xf32> to vector<8x128xf32>
      %jit3A_2073 = arith.constant -1.000000e+00 : f32
      %broadcast_in_dim3A_2074 = vector.broadcast %jit3A_2073 : f32 to vector<8x128xf32>
      %select_n3A_2075 = arith.select %gt3A_112, %broadcast_in_dim3A_2074, %get3A_2072 : vector<8x128xi1>, vector<8x128xf32>
      %gt3A_2076 = arith.cmpf ogt, %select_n3A_2075, %max3A_1976 : vector<8x128xf32>
      %jit3A_2077 = arith.constant 1.480000e+02 : f32
      %broadcast_in_dim3A_2078 = vector.broadcast %jit3A_2077 : f32 to vector<8x128xf32>
      %select_n3A_2079 = arith.select %gt3A_2076, %broadcast_in_dim3A_2078, %select_n3A_1975 : vector<8x128xi1>, vector<8x128xf32>
      %max3A_2080 = arith.maximumf %select_n3A_2075, %max3A_1976 : vector<8x128xf32>
      %get3A_2081 = arith.constant 149 : index
      %get3A_2082 = arith.constant 0 : index
      %get3A_2083 = arith.constant 0 : index
      %get3A_2084 = vector.load %arg13[%get3A_2081, %get3A_2082, %get3A_2083] : memref<151x8x128xf32, #tpu.memory_space<vmem>>, vector<1x8x128xf32>
      %get3A_2085 = vector.shape_cast %get3A_2084 : vector<1x8x128xf32> to vector<8x128xf32>
      %jit3A_2086 = arith.constant -1.000000e+00 : f32
      %broadcast_in_dim3A_2087 = vector.broadcast %jit3A_2086 : f32 to vector<8x128xf32>
      %select_n3A_2088 = arith.select %gt3A_112, %broadcast_in_dim3A_2087, %get3A_2085 : vector<8x128xi1>, vector<8x128xf32>
      %gt3A_2089 = arith.cmpf ogt, %select_n3A_2088, %max3A_1989 : vector<8x128xf32>
      %jit3A_2090 = arith.constant 1.490000e+02 : f32
      %broadcast_in_dim3A_2091 = vector.broadcast %jit3A_2090 : f32 to vector<8x128xf32>
      %select_n3A_2092 = arith.select %gt3A_2089, %broadcast_in_dim3A_2091, %select_n3A_1988 : vector<8x128xi1>, vector<8x128xf32>
      %max3A_2093 = arith.maximumf %select_n3A_2088, %max3A_1989 : vector<8x128xf32>
      %get3A_2094 = arith.constant 150 : index
      %get3A_2095 = arith.constant 0 : index
      %get3A_2096 = arith.constant 0 : index
      %get3A_2097 = vector.load %arg13[%get3A_2094, %get3A_2095, %get3A_2096] : memref<151x8x128xf32, #tpu.memory_space<vmem>>, vector<1x8x128xf32>
      %get3A_2098 = vector.shape_cast %get3A_2097 : vector<1x8x128xf32> to vector<8x128xf32>
      %jit3A_2099 = arith.constant -1.000000e+00 : f32
      %broadcast_in_dim3A_2100 = vector.broadcast %jit3A_2099 : f32 to vector<8x128xf32>
      %select_n3A_2101 = arith.select %gt3A_112, %broadcast_in_dim3A_2100, %get3A_2098 : vector<8x128xi1>, vector<8x128xf32>
      %gt3A_2102 = arith.cmpf ogt, %select_n3A_2101, %max3A_2002 : vector<8x128xf32>
      %jit3A_2103 = arith.constant 1.500000e+02 : f32
      %broadcast_in_dim3A_2104 = vector.broadcast %jit3A_2103 : f32 to vector<8x128xf32>
      %select_n3A_2105 = arith.select %gt3A_2102, %broadcast_in_dim3A_2104, %select_n3A_2001 : vector<8x128xi1>, vector<8x128xf32>
      %max3A_2106 = arith.maximumf %select_n3A_2101, %max3A_2002 : vector<8x128xf32>
      %gt3A_2107 = arith.cmpf ogt, %max3A_2028, %max3A_2041 : vector<8x128xf32>
      %eq3A_2108 = arith.cmpf oeq, %max3A_2028, %max3A_2041 : vector<8x128xf32>
      %min3A = arith.minimumf %select_n3A_2027, %select_n3A_2040 : vector<8x128xf32>
      %select_n3A_2109 = arith.select %eq3A_2108, %min3A, %select_n3A_2040 : vector<8x128xi1>, vector<8x128xf32>
      %select_n3A_2110 = arith.select %gt3A_2107, %select_n3A_2027, %select_n3A_2109 : vector<8x128xi1>, vector<8x128xf32>
      %max3A_2111 = arith.maximumf %max3A_2028, %max3A_2041 : vector<8x128xf32>
      %gt3A_2112 = arith.cmpf ogt, %max3A_2054, %max3A_2067 : vector<8x128xf32>
      %eq3A_2113 = arith.cmpf oeq, %max3A_2054, %max3A_2067 : vector<8x128xf32>
      %min3A_2114 = arith.minimumf %select_n3A_2053, %select_n3A_2066 : vector<8x128xf32>
      %select_n3A_2115 = arith.select %eq3A_2113, %min3A_2114, %select_n3A_2066 : vector<8x128xi1>, vector<8x128xf32>
      %select_n3A_2116 = arith.select %gt3A_2112, %select_n3A_2053, %select_n3A_2115 : vector<8x128xi1>, vector<8x128xf32>
      %max3A_2117 = arith.maximumf %max3A_2054, %max3A_2067 : vector<8x128xf32>
      %gt3A_2118 = arith.cmpf ogt, %max3A_2080, %max3A_2093 : vector<8x128xf32>
      %eq3A_2119 = arith.cmpf oeq, %max3A_2080, %max3A_2093 : vector<8x128xf32>
      %min3A_2120 = arith.minimumf %select_n3A_2079, %select_n3A_2092 : vector<8x128xf32>
      %select_n3A_2121 = arith.select %eq3A_2119, %min3A_2120, %select_n3A_2092 : vector<8x128xi1>, vector<8x128xf32>
      %select_n3A_2122 = arith.select %gt3A_2118, %select_n3A_2079, %select_n3A_2121 : vector<8x128xi1>, vector<8x128xf32>
      %max3A_2123 = arith.maximumf %max3A_2080, %max3A_2093 : vector<8x128xf32>
      %gt3A_2124 = arith.cmpf ogt, %max3A_2106, %max3A_2015 : vector<8x128xf32>
      %eq3A_2125 = arith.cmpf oeq, %max3A_2106, %max3A_2015 : vector<8x128xf32>
      %min3A_2126 = arith.minimumf %select_n3A_2105, %select_n3A_2014 : vector<8x128xf32>
      %select_n3A_2127 = arith.select %eq3A_2125, %min3A_2126, %select_n3A_2014 : vector<8x128xi1>, vector<8x128xf32>
      %select_n3A_2128 = arith.select %gt3A_2124, %select_n3A_2105, %select_n3A_2127 : vector<8x128xi1>, vector<8x128xf32>
      %max3A_2129 = arith.maximumf %max3A_2106, %max3A_2015 : vector<8x128xf32>
      %gt3A_2130 = arith.cmpf ogt, %max3A_2111, %max3A_2117 : vector<8x128xf32>
      %eq3A_2131 = arith.cmpf oeq, %max3A_2111, %max3A_2117 : vector<8x128xf32>
      %min3A_2132 = arith.minimumf %select_n3A_2110, %select_n3A_2116 : vector<8x128xf32>
      %select_n3A_2133 = arith.select %eq3A_2131, %min3A_2132, %select_n3A_2116 : vector<8x128xi1>, vector<8x128xf32>
      %select_n3A_2134 = arith.select %gt3A_2130, %select_n3A_2110, %select_n3A_2133 : vector<8x128xi1>, vector<8x128xf32>
      %max3A_2135 = arith.maximumf %max3A_2111, %max3A_2117 : vector<8x128xf32>
      %gt3A_2136 = arith.cmpf ogt, %max3A_2123, %max3A_2129 : vector<8x128xf32>
      %eq3A_2137 = arith.cmpf oeq, %max3A_2123, %max3A_2129 : vector<8x128xf32>
      %min3A_2138 = arith.minimumf %select_n3A_2122, %select_n3A_2128 : vector<8x128xf32>
      %select_n3A_2139 = arith.select %eq3A_2137, %min3A_2138, %select_n3A_2128 : vector<8x128xi1>, vector<8x128xf32>
      %select_n3A_2140 = arith.select %gt3A_2136, %select_n3A_2122, %select_n3A_2139 : vector<8x128xi1>, vector<8x128xf32>
      %max3A_2141 = arith.maximumf %max3A_2123, %max3A_2129 : vector<8x128xf32>
      %gt3A_2142 = arith.cmpf ogt, %max3A_2135, %max3A_2141 : vector<8x128xf32>
      %eq3A_2143 = arith.cmpf oeq, %max3A_2135, %max3A_2141 : vector<8x128xf32>
      %min3A_2144 = arith.minimumf %select_n3A_2134, %select_n3A_2140 : vector<8x128xf32>
      %select_n3A_2145 = arith.select %eq3A_2143, %min3A_2144, %select_n3A_2140 : vector<8x128xi1>, vector<8x128xf32>
      %select_n3A_2146 = arith.select %gt3A_2142, %select_n3A_2134, %select_n3A_2145 : vector<8x128xi1>, vector<8x128xf32>
      %max3A_2147 = arith.maximumf %max3A_2135, %max3A_2141 : vector<8x128xf32>
      %mul3A_2148 = vector.broadcast %while3A : f32 to vector<8x128xf32>
      %mul3A_2149 = arith.mulf %convert_element_type3A, %mul3A_2148 : vector<8x128xf32>
      %add3A_2150 = arith.addf %mul3A_2149, %select_n3A_2146 : vector<8x128xf32>
      %reduce_max3A_2151 = vector.shape_cast %max3A_2147 : vector<8x128xf32> to vector<1x8x128xf32>
      %reduce_max3A_2152 = arith.constant dense<0xFF800000> : vector<1xf32>
      %reduce_max3A_2153 = vector.multi_reduction <maximumf>, %reduce_max3A_2151, %reduce_max3A_2152 [1, 2] : vector<1x8x128xf32> to vector<1xf32>
      %reduce_max3A_2154 = vector.shape_cast %reduce_max3A_2153 : vector<1xf32> to vector<1x1x1xf32>
      %reduce_max3A_2155 = vector.extract %reduce_max3A_2154[0, 0, 0] : f32 from vector<1x1x1xf32>
      %eq3A_2156 = vector.broadcast %reduce_max3A_2155 : f32 to vector<8x128xf32>
      %eq3A_2157 = arith.cmpf oeq, %max3A_2147, %eq3A_2156 : vector<8x128xf32>
      %broadcast_in_dim3A_2158 = vector.broadcast %while3A_97 : f32 to vector<8x128xf32>
      %select_n3A_2159 = arith.select %eq3A_2157, %add3A_2150, %broadcast_in_dim3A_2158 : vector<8x128xi1>, vector<8x128xf32>
      %reduce_min3A = vector.shape_cast %select_n3A_2159 : vector<8x128xf32> to vector<1x8x128xf32>
      %reduce_min3A_2160 = arith.constant dense<0x7F800000> : vector<1xf32>
      %reduce_min3A_2161 = vector.multi_reduction <minimumf>, %reduce_min3A, %reduce_min3A_2160 [1, 2] : vector<1x8x128xf32> to vector<1xf32>
      %reduce_min3A_2162 = vector.shape_cast %reduce_min3A_2161 : vector<1xf32> to vector<1x1x1xf32>
      %reduce_min3A_2163 = vector.extract %reduce_min3A_2162[0, 0, 0] : f32 from vector<1x1x1xf32>
      %convert_element_type3A_2164 = arith.fptosi %reduce_min3A_2163 : f32 to i32
      %jit3A_2165 = arith.constant 151 : i32
      %div3A_2166 = arith.divsi %convert_element_type3A_2164, %jit3A_2165 : i32
      %sign3A = arith.constant 0 : i32
      %sign3A_2167 = arith.cmpi sgt, %convert_element_type3A_2164, %sign3A : i32
      %sign3A_2168 = arith.extui %sign3A_2167 : i1 to i32
      %sign3A_2169 = arith.constant 0 : i32
      %sign3A_2170 = arith.cmpi slt, %convert_element_type3A_2164, %sign3A_2169 : i32
      %sign3A_2171 = arith.extui %sign3A_2170 : i1 to i32
      %sign3A_2172 = arith.subi %sign3A_2168, %sign3A_2171 : i32
      %sign3A_2173 = arith.constant 0 : i32
      %sign3A_2174 = arith.cmpi sgt, %jit3A_2165, %sign3A_2173 : i32
      %sign3A_2175 = arith.extui %sign3A_2174 : i1 to i32
      %sign3A_2176 = arith.constant 0 : i32
      %sign3A_2177 = arith.cmpi slt, %jit3A_2165, %sign3A_2176 : i32
      %sign3A_2178 = arith.extui %sign3A_2177 : i1 to i32
      %sign3A_2179 = arith.subi %sign3A_2175, %sign3A_2178 : i32
      %ne3A = arith.cmpi ne, %sign3A_2172, %sign3A_2179 : i32
      %rem3A = arith.remsi %convert_element_type3A_2164, %jit3A_2165 : i32
      %ne3A_2180 = arith.constant 0 : i32
      %ne3A_2181 = arith.cmpi ne, %rem3A, %ne3A_2180 : i32
      %and3A = arith.andi %ne3A, %ne3A_2181 : i1
      %sub3A_2182 = arith.constant 1 : i32
      %sub3A_2183 = arith.subi %div3A_2166, %sub3A_2182 : i32
      %select_n3A_2184 = arith.select %and3A, %sub3A_2183, %div3A_2166 : i32
      %mul3A_2185 = arith.constant 151 : i32
      %mul3A_2186 = arith.muli %select_n3A_2184, %mul3A_2185 : i32
      %sub3A_2187 = arith.subi %convert_element_type3A_2164, %mul3A_2186 : i32
      %eq3A_2188 = vector.broadcast %select_n3A_2184 : i32 to vector<8x128xi32>
      %eq3A_2189 = arith.cmpi eq, %add3A_81, %eq3A_2188 : vector<8x128xi32>
      %get3A_2190 = arith.constant 0 : index
      %get3A_2191 = arith.constant 0 : index
      %get3A_2192 = vector.load %arg15[%get3A_2190, %get3A_2191] : memref<8x128xf32, #tpu.memory_space<vmem>>, vector<8x128xf32>
      %and3A_2193 = arith.constant true
      %and3A_2194 = vector.broadcast %and3A_2193 : i1 to vector<8x128xi1>
      %and3A_2195 = arith.andi %and3A_2194, %eq3A_2189 : vector<8x128xi1>
      %eq3A_2196 = arith.constant 0.000000e+00 : f32
      %eq3A_2197 = vector.broadcast %eq3A_2196 : f32 to vector<8x128xf32>
      %eq3A_2198 = arith.cmpf oeq, %get3A_2192, %eq3A_2197 : vector<8x128xf32>
      %and3A_2199 = arith.andi %and3A_2195, %eq3A_2198 : vector<8x128xi1>
      %convert_element_type3A_2200 = arith.sitofp %sub3A_2187 : i32 to f32
      %broadcast_in_dim3A_2201 = vector.broadcast %convert_element_type3A_2200 : f32 to vector<8x128xf32>
      %select_n3A_2202 = arith.select %and3A_2199, %broadcast_in_dim3A_2201, %get3A_2192 : vector<8x128xi1>, vector<8x128xf32>
      %swap3A_2203 = arith.constant 0 : index
      %swap3A_2204 = arith.constant 0 : index
      %swap3A_2205 = vector.load %arg15[%swap3A_2203, %swap3A_2204] : memref<8x128xf32, #tpu.memory_space<vmem>>, vector<8x128xf32>
      tpu.vector_store %arg15[%swap3A_2203, %swap3A_2204], %select_n3A_2202 {strides = array<i32>} : memref<8x128xf32, #tpu.memory_space<vmem>>, vector<8x128xf32>,
      %and3A_2206 = arith.constant true
      %and3A_2207 = vector.broadcast %and3A_2206 : i1 to vector<8x128xi1>
      %and3A_2208 = arith.andi %and3A_2207, %eq3A_2189 : vector<8x128xi1>
      %get3A_2209 = arith.constant 0 : index
      %get3A_2210 = arith.constant 0 : index
      %get3A_2211 = vector.load %arg16[%get3A_2209, %get3A_2210] : memref<8x128xf32, #tpu.memory_space<vmem>>, vector<8x128xf32>
      %jit3A_2212 = arith.constant 1.000000e+00 : f32
      %broadcast_in_dim3A_2213 = vector.broadcast %jit3A_2212 : f32 to vector<8x128xf32>
      %select_n3A_2214 = arith.select %and3A_2208, %broadcast_in_dim3A_2213, %get3A_2211 : vector<8x128xi1>, vector<8x128xf32>
      %swap3A_2215 = arith.constant 0 : index
      %swap3A_2216 = arith.constant 0 : index
      %swap3A_2217 = vector.load %arg16[%swap3A_2215, %swap3A_2216] : memref<8x128xf32, #tpu.memory_space<vmem>>, vector<8x128xf32>
      tpu.vector_store %arg16[%swap3A_2215, %swap3A_2216], %select_n3A_2214 {strides = array<i32>} : memref<8x128xf32, #tpu.memory_space<vmem>>, vector<8x128xf32>,
      %get3A_2218 = arith.index_cast %sub3A_2187 : i32 to index
      %get3A_2219 = arith.constant 0 : index
      %get3A_2220 = arith.constant 0 : index
      %get3A_2221 = arith.constant 0 : index
      %get3A_2222 = vector.load %arg9[%get3A_2218, %get3A_2219, %get3A_2220, %get3A_2221] : memref<151x4x8x128xf32, #tpu.memory_space<vmem>>, vector<1x4x8x128xf32>
      %get3A_2223 = vector.shape_cast %get3A_2222 : vector<1x4x8x128xf32> to vector<4x8x128xf32>
      %get3A_2224 = arith.index_cast %sub3A_2187 : i32 to index
      %get3A_2225 = arith.constant 0 : index
      %get3A_2226 = arith.constant 0 : index
      %get3A_2227 = vector.load %arg14[%get3A_2224, %get3A_2225, %get3A_2226] : memref<151x8x128xf32, #tpu.memory_space<vmem>>, vector<1x8x128xf32>
      %get3A_2228 = vector.shape_cast %get3A_2227 : vector<1x8x128xf32> to vector<8x128xf32>
      %slice3A_2229 = vector.extract_strided_slice %get3A_2223 {offsets = [0, 0, 0], sizes = [1, 8, 128], strides = [1, 1, 1]} : vector<4x8x128xf32> to vector<1x8x128xf32>
      %squeeze3A_2230 = vector.shape_cast %slice3A_2229 : vector<1x8x128xf32> to vector<8x128xf32>
      %slice3A_2231 = vector.extract_strided_slice %get3A_2223 {offsets = [1, 0, 0], sizes = [1, 8, 128], strides = [1, 1, 1]} : vector<4x8x128xf32> to vector<1x8x128xf32>
      %squeeze3A_2232 = vector.shape_cast %slice3A_2231 : vector<1x8x128xf32> to vector<8x128xf32>
      %slice3A_2233 = vector.extract_strided_slice %get3A_2223 {offsets = [2, 0, 0], sizes = [1, 8, 128], strides = [1, 1, 1]} : vector<4x8x128xf32> to vector<1x8x128xf32>
      %squeeze3A_2234 = vector.shape_cast %slice3A_2233 : vector<1x8x128xf32> to vector<8x128xf32>
      %slice3A_2235 = vector.extract_strided_slice %get3A_2223 {offsets = [3, 0, 0], sizes = [1, 8, 128], strides = [1, 1, 1]} : vector<4x8x128xf32> to vector<1x8x128xf32>
      %squeeze3A_2236 = vector.shape_cast %slice3A_2235 : vector<1x8x128xf32> to vector<8x128xf32>
      %jit3A_2237 = arith.constant -1.000000e+30 : f32
      %broadcast_in_dim3A_2238 = vector.broadcast %jit3A_2237 : f32 to vector<8x128xf32>
      %select_n3A_2239 = arith.select %eq3A_2189, %squeeze3A_2230, %broadcast_in_dim3A_2238 : vector<8x128xi1>, vector<8x128xf32>
      %reduce_max3A_2240 = vector.shape_cast %select_n3A_2239 : vector<8x128xf32> to vector<1x8x128xf32>
      %reduce_max3A_2241 = arith.constant dense<0xFF800000> : vector<1xf32>
      %reduce_max3A_2242 = vector.multi_reduction <maximumf>, %reduce_max3A_2240, %reduce_max3A_2241 [1, 2] : vector<1x8x128xf32> to vector<1xf32>
      %reduce_max3A_2243 = vector.shape_cast %reduce_max3A_2242 : vector<1xf32> to vector<1x1x1xf32>
      %reduce_max3A_2244 = vector.extract %reduce_max3A_2243[0, 0, 0] : f32 from vector<1x1x1xf32>
      %jit3A_2245 = arith.constant -1.000000e+30 : f32
      %broadcast_in_dim3A_2246 = vector.broadcast %jit3A_2245 : f32 to vector<8x128xf32>
      %select_n3A_2247 = arith.select %eq3A_2189, %squeeze3A_2232, %broadcast_in_dim3A_2246 : vector<8x128xi1>, vector<8x128xf32>
      %reduce_max3A_2248 = vector.shape_cast %select_n3A_2247 : vector<8x128xf32> to vector<1x8x128xf32>
      %reduce_max3A_2249 = arith.constant dense<0xFF800000> : vector<1xf32>
      %reduce_max3A_2250 = vector.multi_reduction <maximumf>, %reduce_max3A_2248, %reduce_max3A_2249 [1, 2] : vector<1x8x128xf32> to vector<1xf32>
      %reduce_max3A_2251 = vector.shape_cast %reduce_max3A_2250 : vector<1xf32> to vector<1x1x1xf32>
      %reduce_max3A_2252 = vector.extract %reduce_max3A_2251[0, 0, 0] : f32 from vector<1x1x1xf32>
      %jit3A_2253 = arith.constant -1.000000e+30 : f32
      %broadcast_in_dim3A_2254 = vector.broadcast %jit3A_2253 : f32 to vector<8x128xf32>
      %select_n3A_2255 = arith.select %eq3A_2189, %squeeze3A_2234, %broadcast_in_dim3A_2254 : vector<8x128xi1>, vector<8x128xf32>
      %reduce_max3A_2256 = vector.shape_cast %select_n3A_2255 : vector<8x128xf32> to vector<1x8x128xf32>
      %reduce_max3A_2257 = arith.constant dense<0xFF800000> : vector<1xf32>
      %reduce_max3A_2258 = vector.multi_reduction <maximumf>, %reduce_max3A_2256, %reduce_max3A_2257 [1, 2] : vector<1x8x128xf32> to vector<1xf32>
      %reduce_max3A_2259 = vector.shape_cast %reduce_max3A_2258 : vector<1xf32> to vector<1x1x1xf32>
      %reduce_max3A_2260 = vector.extract %reduce_max3A_2259[0, 0, 0] : f32 from vector<1x1x1xf32>
      %jit3A_2261 = arith.constant -1.000000e+30 : f32
      %broadcast_in_dim3A_2262 = vector.broadcast %jit3A_2261 : f32 to vector<8x128xf32>
      %select_n3A_2263 = arith.select %eq3A_2189, %squeeze3A_2236, %broadcast_in_dim3A_2262 : vector<8x128xi1>, vector<8x128xf32>
      %reduce_max3A_2264 = vector.shape_cast %select_n3A_2263 : vector<8x128xf32> to vector<1x8x128xf32>
      %reduce_max3A_2265 = arith.constant dense<0xFF800000> : vector<1xf32>
      %reduce_max3A_2266 = vector.multi_reduction <maximumf>, %reduce_max3A_2264, %reduce_max3A_2265 [1, 2] : vector<1x8x128xf32> to vector<1xf32>
      %reduce_max3A_2267 = vector.shape_cast %reduce_max3A_2266 : vector<1xf32> to vector<1x1x1xf32>
      %reduce_max3A_2268 = vector.extract %reduce_max3A_2267[0, 0, 0] : f32 from vector<1x1x1xf32>
      %jit3A_2269 = arith.constant -1.000000e+30 : f32
      %broadcast_in_dim3A_2270 = vector.broadcast %jit3A_2269 : f32 to vector<8x128xf32>
      %select_n3A_2271 = arith.select %eq3A_2189, %get3A_2228, %broadcast_in_dim3A_2270 : vector<8x128xi1>, vector<8x128xf32>
      %reduce_max3A_2272 = vector.shape_cast %select_n3A_2271 : vector<8x128xf32> to vector<1x8x128xf32>
      %reduce_max3A_2273 = arith.constant dense<0xFF800000> : vector<1xf32>
      %reduce_max3A_2274 = vector.multi_reduction <maximumf>, %reduce_max3A_2272, %reduce_max3A_2273 [1, 2] : vector<1x8x128xf32> to vector<1xf32>
      %reduce_max3A_2275 = vector.shape_cast %reduce_max3A_2274 : vector<1xf32> to vector<1x1x1xf32>
      %reduce_max3A_2276 = vector.extract %reduce_max3A_2275[0, 0, 0] : f32 from vector<1x1x1xf32>
      %min3A_2277 = vector.broadcast %reduce_max3A_2260 : f32 to vector<8x128xf32>
      %min3A_2278 = arith.minimumf %squeeze3A_2234, %min3A_2277 : vector<8x128xf32>
      %max3A_2279 = vector.broadcast %reduce_max3A_2244 : f32 to vector<8x128xf32>
      %max3A_2280 = arith.maximumf %squeeze3A_2230, %max3A_2279 : vector<8x128xf32>
      %sub3A_2281 = arith.subf %min3A_2278, %max3A_2280 : vector<8x128xf32>
      %add3A_2282 = arith.constant 1.000000e+00 : f32
      %add3A_2283 = vector.broadcast %add3A_2282 : f32 to vector<8x128xf32>
      %add3A_2284 = arith.addf %sub3A_2281, %add3A_2283 : vector<8x128xf32>
      %max3A_2285 = arith.constant 0.000000e+00 : f32
      %max3A_2286 = vector.broadcast %max3A_2285 : f32 to vector<8x128xf32>
      %max3A_2287 = arith.maximumf %add3A_2284, %max3A_2286 : vector<8x128xf32>
      %min3A_2288 = vector.broadcast %reduce_max3A_2268 : f32 to vector<8x128xf32>
      %min3A_2289 = arith.minimumf %squeeze3A_2236, %min3A_2288 : vector<8x128xf32>
      %max3A_2290 = vector.broadcast %reduce_max3A_2252 : f32 to vector<8x128xf32>
      %max3A_2291 = arith.maximumf %squeeze3A_2232, %max3A_2290 : vector<8x128xf32>
      %sub3A_2292 = arith.subf %min3A_2289, %max3A_2291 : vector<8x128xf32>
      %add3A_2293 = arith.constant 1.000000e+00 : f32
      %add3A_2294 = vector.broadcast %add3A_2293 : f32 to vector<8x128xf32>
      %add3A_2295 = arith.addf %sub3A_2292, %add3A_2294 : vector<8x128xf32>
      %max3A_2296 = arith.constant 0.000000e+00 : f32
      %max3A_2297 = vector.broadcast %max3A_2296 : f32 to vector<8x128xf32>
      %max3A_2298 = arith.maximumf %add3A_2295, %max3A_2297 : vector<8x128xf32>
      %mul3A_2299 = arith.mulf %max3A_2287, %max3A_2298 : vector<8x128xf32>
      %add3A_2300 = vector.broadcast %reduce_max3A_2276 : f32 to vector<8x128xf32>
      %add3A_2301 = arith.addf %get3A_2228, %add3A_2300 : vector<8x128xf32>
      %sub3A_2302 = arith.subf %add3A_2301, %mul3A_2299 : vector<8x128xf32>
      %div3A_2303 = arith.divf %mul3A_2299, %sub3A_2302 : vector<8x128xf32>
      %ge3A_2304 = arith.constant 5.000000e-01 : f32
      %ge3A_2305 = vector.broadcast %ge3A_2304 : f32 to vector<8x128xf32>
      %ge3A_2306 = arith.cmpf oge, %div3A_2303, %ge3A_2305 : vector<8x128xf32>
      %and3A_2307 = arith.constant true
      %and3A_2308 = vector.broadcast %and3A_2307 : i1 to vector<8x128xi1>
      %and3A_2309 = arith.andi %and3A_2308, %ge3A_2306 : vector<8x128xi1>
      %get3A_2310 = arith.index_cast %sub3A_2187 : i32 to index
      %get3A_2311 = arith.constant 0 : index
      %get3A_2312 = arith.constant 0 : index
      %get3A_2313 = vector.load %arg13[%get3A_2310, %get3A_2311, %get3A_2312] : memref<151x8x128xf32, #tpu.memory_space<vmem>>, vector<1x8x128xf32>
      %get3A_2314 = vector.shape_cast %get3A_2313 : vector<1x8x128xf32> to vector<8x128xf32>
      %jit3A_2315 = arith.constant 0.000000e+00 : f32
      %broadcast_in_dim3A_2316 = vector.broadcast %jit3A_2315 : f32 to vector<8x128xf32>
      %select_n3A_2317 = arith.select %and3A_2309, %broadcast_in_dim3A_2316, %get3A_2314 : vector<8x128xi1>, vector<8x128xf32>
      %swap3A_2318 = arith.index_cast %sub3A_2187 : i32 to index
      %swap3A_2319 = arith.constant 0 : index
      %swap3A_2320 = arith.constant 0 : index
      %swap3A_2321 = vector.load %arg13[%swap3A_2318, %swap3A_2319, %swap3A_2320] : memref<151x8x128xf32, #tpu.memory_space<vmem>>, vector<1x8x128xf32>
      %swap3A_2322 = vector.shape_cast %swap3A_2321 : vector<1x8x128xf32> to vector<8x128xf32>
      %swap3A_2323 = vector.shape_cast %select_n3A_2317 : vector<8x128xf32> to vector<1x8x128xf32>
      tpu.vector_store %arg13[%swap3A_2318, %swap3A_2319, %swap3A_2320], %swap3A_2323 {strides = array<i32>} : memref<151x8x128xf32, #tpu.memory_space<vmem>>, vector<1x8x128xf32>,
      %jit3A_2324 = arith.constant -4.000000e+00 : f32
      %broadcast_in_dim3A_2325 = vector.broadcast %jit3A_2324 : f32 to vector<8x128xf32>
      %select_n3A_2326 = arith.select %eq3A_2189, %broadcast_in_dim3A_2325, %max3A_2147 : vector<8x128xi1>, vector<8x128xf32>
      %reduce_max3A_2327 = vector.shape_cast %select_n3A_2326 : vector<8x128xf32> to vector<1x8x128xf32>
      %reduce_max3A_2328 = arith.constant dense<0xFF800000> : vector<1xf32>
      %reduce_max3A_2329 = vector.multi_reduction <maximumf>, %reduce_max3A_2327, %reduce_max3A_2328 [1, 2] : vector<1x8x128xf32> to vector<1xf32>
      %reduce_max3A_2330 = vector.shape_cast %reduce_max3A_2329 : vector<1xf32> to vector<1x1x1xf32>
      %reduce_max3A_2331 = vector.extract %reduce_max3A_2330[0, 0, 0] : f32 from vector<1x1x1xf32>
      %eq3A_2332 = vector.broadcast %reduce_max3A_2331 : f32 to vector<8x128xf32>
      %eq3A_2333 = arith.cmpf oeq, %select_n3A_2326, %eq3A_2332 : vector<8x128xf32>
      %broadcast_in_dim3A_2334 = vector.broadcast %while3A_97 : f32 to vector<8x128xf32>
      %select_n3A_2335 = arith.select %eq3A_2333, %add3A_2150, %broadcast_in_dim3A_2334 : vector<8x128xi1>, vector<8x128xf32>
      %reduce_min3A_2336 = vector.shape_cast %select_n3A_2335 : vector<8x128xf32> to vector<1x8x128xf32>
      %reduce_min3A_2337 = arith.constant dense<0x7F800000> : vector<1xf32>
      %reduce_min3A_2338 = vector.multi_reduction <minimumf>, %reduce_min3A_2336, %reduce_min3A_2337 [1, 2] : vector<1x8x128xf32> to vector<1xf32>
      %reduce_min3A_2339 = vector.shape_cast %reduce_min3A_2338 : vector<1xf32> to vector<1x1x1xf32>
      %reduce_min3A_2340 = vector.extract %reduce_min3A_2339[0, 0, 0] : f32 from vector<1x1x1xf32>
      %convert_element_type3A_2341 = arith.fptosi %reduce_min3A_2340 : f32 to i32
      %jit3A_2342 = arith.constant 151 : i32
      %div3A_2343 = arith.divsi %convert_element_type3A_2341, %jit3A_2342 : i32
      %sign3A_2344 = arith.constant 0 : i32
      %sign3A_2345 = arith.cmpi sgt, %convert_element_type3A_2341, %sign3A_2344 : i32
      %sign3A_2346 = arith.extui %sign3A_2345 : i1 to i32
      %sign3A_2347 = arith.constant 0 : i32
      %sign3A_2348 = arith.cmpi slt, %convert_element_type3A_2341, %sign3A_2347 : i32
      %sign3A_2349 = arith.extui %sign3A_2348 : i1 to i32
      %sign3A_2350 = arith.subi %sign3A_2346, %sign3A_2349 : i32
      %sign3A_2351 = arith.constant 0 : i32
      %sign3A_2352 = arith.cmpi sgt, %jit3A_2342, %sign3A_2351 : i32
      %sign3A_2353 = arith.extui %sign3A_2352 : i1 to i32
      %sign3A_2354 = arith.constant 0 : i32
      %sign3A_2355 = arith.cmpi slt, %jit3A_2342, %sign3A_2354 : i32
      %sign3A_2356 = arith.extui %sign3A_2355 : i1 to i32
      %sign3A_2357 = arith.subi %sign3A_2353, %sign3A_2356 : i32
      %ne3A_2358 = arith.cmpi ne, %sign3A_2350, %sign3A_2357 : i32
      %rem3A_2359 = arith.remsi %convert_element_type3A_2341, %jit3A_2342 : i32
      %ne3A_2360 = arith.constant 0 : i32
      %ne3A_2361 = arith.cmpi ne, %rem3A_2359, %ne3A_2360 : i32
      %and3A_2362 = arith.andi %ne3A_2358, %ne3A_2361 : i1
      %sub3A_2363 = arith.constant 1 : i32
      %sub3A_2364 = arith.subi %div3A_2343, %sub3A_2363 : i32
      %select_n3A_2365 = arith.select %and3A_2362, %sub3A_2364, %div3A_2343 : i32
      %mul3A_2366 = arith.constant 151 : i32
      %mul3A_2367 = arith.muli %select_n3A_2365, %mul3A_2366 : i32
      %sub3A_2368 = arith.subi %convert_element_type3A_2341, %mul3A_2367 : i32
      %eq3A_2369 = vector.broadcast %select_n3A_2365 : i32 to vector<8x128xi32>
      %eq3A_2370 = arith.cmpi eq, %add3A_81, %eq3A_2369 : vector<8x128xi32>
      %jit3A_2371 = arith.constant 0.000000e+00 : f32
      %broadcast_in_dim3A_2372 = vector.broadcast %jit3A_2371 : f32 to vector<8x128xf32>
      %select_n3A_2373 = arith.select %eq3A_2370, %div3A_2303, %broadcast_in_dim3A_2372 : vector<8x128xi1>, vector<8x128xf32>
      %reduce_max3A_2374 = vector.shape_cast %select_n3A_2373 : vector<8x128xf32> to vector<1x8x128xf32>
      %reduce_max3A_2375 = arith.constant dense<0xFF800000> : vector<1xf32>
      %reduce_max3A_2376 = vector.multi_reduction <maximumf>, %reduce_max3A_2374, %reduce_max3A_2375 [1, 2] : vector<1x8x128xf32> to vector<1xf32>
      %reduce_max3A_2377 = vector.shape_cast %reduce_max3A_2376 : vector<1xf32> to vector<1x1x1xf32>
      %reduce_max3A_2378 = vector.extract %reduce_max3A_2377[0, 0, 0] : f32 from vector<1x1x1xf32>
      %ne3A_2379 = arith.cmpi ne, %sub3A_2368, %sub3A_2187 : i32
      %lt3A = arith.constant 5.000000e-01 : f32
      %lt3A_2380 = arith.cmpf olt, %reduce_max3A_2378, %lt3A : f32
      %or3A = arith.ori %ne3A_2379, %lt3A_2380 : i1
      %lt3A_2381 = arith.constant 998 : i32
      %lt3A_2382 = arith.cmpi slt, %while3A_107, %lt3A_2381 : i32
      %and3A_2383 = arith.andi %or3A, %lt3A_2382 : i1
      %get3A_2384 = arith.constant 0 : index
      %get3A_2385 = arith.constant 0 : index
      %get3A_2386 = vector.load %arg15[%get3A_2384, %get3A_2385] : memref<8x128xf32, #tpu.memory_space<vmem>>, vector<8x128xf32>
      %and3A_2387 = vector.broadcast %and3A_2383 : i1 to vector<8x128xi1>
      %and3A_2388 = arith.andi %and3A_2387, %eq3A_2370 : vector<8x128xi1>
      %eq3A_2389 = arith.constant 0.000000e+00 : f32
      %eq3A_2390 = vector.broadcast %eq3A_2389 : f32 to vector<8x128xf32>
      %eq3A_2391 = arith.cmpf oeq, %get3A_2386, %eq3A_2390 : vector<8x128xf32>
      %and3A_2392 = arith.andi %and3A_2388, %eq3A_2391 : vector<8x128xi1>
      %convert_element_type3A_2393 = arith.sitofp %sub3A_2368 : i32 to f32
      %broadcast_in_dim3A_2394 = vector.broadcast %convert_element_type3A_2393 : f32 to vector<8x128xf32>
      %select_n3A_2395 = arith.select %and3A_2392, %broadcast_in_dim3A_2394, %get3A_2386 : vector<8x128xi1>, vector<8x128xf32>
      %swap3A_2396 = arith.constant 0 : index
      %swap3A_2397 = arith.constant 0 : index
      %swap3A_2398 = vector.load %arg15[%swap3A_2396, %swap3A_2397] : memref<8x128xf32, #tpu.memory_space<vmem>>, vector<8x128xf32>
      tpu.vector_store %arg15[%swap3A_2396, %swap3A_2397], %select_n3A_2395 {strides = array<i32>} : memref<8x128xf32, #tpu.memory_space<vmem>>, vector<8x128xf32>,
      %and3A_2399 = vector.broadcast %and3A_2383 : i1 to vector<8x128xi1>
      %and3A_2400 = arith.andi %and3A_2399, %eq3A_2370 : vector<8x128xi1>
      %get3A_2401 = arith.constant 0 : index
      %get3A_2402 = arith.constant 0 : index
      %get3A_2403 = vector.load %arg16[%get3A_2401, %get3A_2402] : memref<8x128xf32, #tpu.memory_space<vmem>>, vector<8x128xf32>
      %jit3A_2404 = arith.constant 1.000000e+00 : f32
      %broadcast_in_dim3A_2405 = vector.broadcast %jit3A_2404 : f32 to vector<8x128xf32>
      %select_n3A_2406 = arith.select %and3A_2400, %broadcast_in_dim3A_2405, %get3A_2403 : vector<8x128xi1>, vector<8x128xf32>
      %swap3A_2407 = arith.constant 0 : index
      %swap3A_2408 = arith.constant 0 : index
      %swap3A_2409 = vector.load %arg16[%swap3A_2407, %swap3A_2408] : memref<8x128xf32, #tpu.memory_space<vmem>>, vector<8x128xf32>
      tpu.vector_store %arg16[%swap3A_2407, %swap3A_2408], %select_n3A_2406 {strides = array<i32>} : memref<8x128xf32, #tpu.memory_space<vmem>>, vector<8x128xf32>,
      %get3A_2410 = arith.index_cast %sub3A_2368 : i32 to index
      %get3A_2411 = arith.constant 0 : index
      %get3A_2412 = arith.constant 0 : index
      %get3A_2413 = arith.constant 0 : index
      %get3A_2414 = vector.load %arg9[%get3A_2410, %get3A_2411, %get3A_2412, %get3A_2413] : memref<151x4x8x128xf32, #tpu.memory_space<vmem>>, vector<1x4x8x128xf32>
      %get3A_2415 = vector.shape_cast %get3A_2414 : vector<1x4x8x128xf32> to vector<4x8x128xf32>
      %get3A_2416 = arith.index_cast %sub3A_2368 : i32 to index
      %get3A_2417 = arith.constant 0 : index
      %get3A_2418 = arith.constant 0 : index
      %get3A_2419 = vector.load %arg14[%get3A_2416, %get3A_2417, %get3A_2418] : memref<151x8x128xf32, #tpu.memory_space<vmem>>, vector<1x8x128xf32>
      %get3A_2420 = vector.shape_cast %get3A_2419 : vector<1x8x128xf32> to vector<8x128xf32>
      %slice3A_2421 = vector.extract_strided_slice %get3A_2415 {offsets = [0, 0, 0], sizes = [1, 8, 128], strides = [1, 1, 1]} : vector<4x8x128xf32> to vector<1x8x128xf32>
      %squeeze3A_2422 = vector.shape_cast %slice3A_2421 : vector<1x8x128xf32> to vector<8x128xf32>
      %slice3A_2423 = vector.extract_strided_slice %get3A_2415 {offsets = [1, 0, 0], sizes = [1, 8, 128], strides = [1, 1, 1]} : vector<4x8x128xf32> to vector<1x8x128xf32>
      %squeeze3A_2424 = vector.shape_cast %slice3A_2423 : vector<1x8x128xf32> to vector<8x128xf32>
      %slice3A_2425 = vector.extract_strided_slice %get3A_2415 {offsets = [2, 0, 0], sizes = [1, 8, 128], strides = [1, 1, 1]} : vector<4x8x128xf32> to vector<1x8x128xf32>
      %squeeze3A_2426 = vector.shape_cast %slice3A_2425 : vector<1x8x128xf32> to vector<8x128xf32>
      %slice3A_2427 = vector.extract_strided_slice %get3A_2415 {offsets = [3, 0, 0], sizes = [1, 8, 128], strides = [1, 1, 1]} : vector<4x8x128xf32> to vector<1x8x128xf32>
      %squeeze3A_2428 = vector.shape_cast %slice3A_2427 : vector<1x8x128xf32> to vector<8x128xf32>
      %jit3A_2429 = arith.constant -1.000000e+30 : f32
      %broadcast_in_dim3A_2430 = vector.broadcast %jit3A_2429 : f32 to vector<8x128xf32>
      %select_n3A_2431 = arith.select %eq3A_2370, %squeeze3A_2422, %broadcast_in_dim3A_2430 : vector<8x128xi1>, vector<8x128xf32>
      %reduce_max3A_2432 = vector.shape_cast %select_n3A_2431 : vector<8x128xf32> to vector<1x8x128xf32>
      %reduce_max3A_2433 = arith.constant dense<0xFF800000> : vector<1xf32>
      %reduce_max3A_2434 = vector.multi_reduction <maximumf>, %reduce_max3A_2432, %reduce_max3A_2433 [1, 2] : vector<1x8x128xf32> to vector<1xf32>
      %reduce_max3A_2435 = vector.shape_cast %reduce_max3A_2434 : vector<1xf32> to vector<1x1x1xf32>
      %reduce_max3A_2436 = vector.extract %reduce_max3A_2435[0, 0, 0] : f32 from vector<1x1x1xf32>
      %jit3A_2437 = arith.constant -1.000000e+30 : f32
      %broadcast_in_dim3A_2438 = vector.broadcast %jit3A_2437 : f32 to vector<8x128xf32>
      %select_n3A_2439 = arith.select %eq3A_2370, %squeeze3A_2424, %broadcast_in_dim3A_2438 : vector<8x128xi1>, vector<8x128xf32>
      %reduce_max3A_2440 = vector.shape_cast %select_n3A_2439 : vector<8x128xf32> to vector<1x8x128xf32>
      %reduce_max3A_2441 = arith.constant dense<0xFF800000> : vector<1xf32>
      %reduce_max3A_2442 = vector.multi_reduction <maximumf>, %reduce_max3A_2440, %reduce_max3A_2441 [1, 2] : vector<1x8x128xf32> to vector<1xf32>
      %reduce_max3A_2443 = vector.shape_cast %reduce_max3A_2442 : vector<1xf32> to vector<1x1x1xf32>
      %reduce_max3A_2444 = vector.extract %reduce_max3A_2443[0, 0, 0] : f32 from vector<1x1x1xf32>
      %jit3A_2445 = arith.constant -1.000000e+30 : f32
      %broadcast_in_dim3A_2446 = vector.broadcast %jit3A_2445 : f32 to vector<8x128xf32>
      %select_n3A_2447 = arith.select %eq3A_2370, %squeeze3A_2426, %broadcast_in_dim3A_2446 : vector<8x128xi1>, vector<8x128xf32>
      %reduce_max3A_2448 = vector.shape_cast %select_n3A_2447 : vector<8x128xf32> to vector<1x8x128xf32>
      %reduce_max3A_2449 = arith.constant dense<0xFF800000> : vector<1xf32>
      %reduce_max3A_2450 = vector.multi_reduction <maximumf>, %reduce_max3A_2448, %reduce_max3A_2449 [1, 2] : vector<1x8x128xf32> to vector<1xf32>
      %reduce_max3A_2451 = vector.shape_cast %reduce_max3A_2450 : vector<1xf32> to vector<1x1x1xf32>
      %reduce_max3A_2452 = vector.extract %reduce_max3A_2451[0, 0, 0] : f32 from vector<1x1x1xf32>
      %jit3A_2453 = arith.constant -1.000000e+30 : f32
      %broadcast_in_dim3A_2454 = vector.broadcast %jit3A_2453 : f32 to vector<8x128xf32>
      %select_n3A_2455 = arith.select %eq3A_2370, %squeeze3A_2428, %broadcast_in_dim3A_2454 : vector<8x128xi1>, vector<8x128xf32>
      %reduce_max3A_2456 = vector.shape_cast %select_n3A_2455 : vector<8x128xf32> to vector<1x8x128xf32>
      %reduce_max3A_2457 = arith.constant dense<0xFF800000> : vector<1xf32>
      %reduce_max3A_2458 = vector.multi_reduction <maximumf>, %reduce_max3A_2456, %reduce_max3A_2457 [1, 2] : vector<1x8x128xf32> to vector<1xf32>
      %reduce_max3A_2459 = vector.shape_cast %reduce_max3A_2458 : vector<1xf32> to vector<1x1x1xf32>
      %reduce_max3A_2460 = vector.extract %reduce_max3A_2459[0, 0, 0] : f32 from vector<1x1x1xf32>
      %jit3A_2461 = arith.constant -1.000000e+30 : f32
      %broadcast_in_dim3A_2462 = vector.broadcast %jit3A_2461 : f32 to vector<8x128xf32>
      %select_n3A_2463 = arith.select %eq3A_2370, %get3A_2420, %broadcast_in_dim3A_2462 : vector<8x128xi1>, vector<8x128xf32>
      %reduce_max3A_2464 = vector.shape_cast %select_n3A_2463 : vector<8x128xf32> to vector<1x8x128xf32>
      %reduce_max3A_2465 = arith.constant dense<0xFF800000> : vector<1xf32>
      %reduce_max3A_2466 = vector.multi_reduction <maximumf>, %reduce_max3A_2464, %reduce_max3A_2465 [1, 2] : vector<1x8x128xf32> to vector<1xf32>
      %reduce_max3A_2467 = vector.shape_cast %reduce_max3A_2466 : vector<1xf32> to vector<1x1x1xf32>
      %reduce_max3A_2468 = vector.extract %reduce_max3A_2467[0, 0, 0] : f32 from vector<1x1x1xf32>
      %min3A_2469 = vector.broadcast %reduce_max3A_2452 : f32 to vector<8x128xf32>
      %min3A_2470 = arith.minimumf %squeeze3A_2426, %min3A_2469 : vector<8x128xf32>
      %max3A_2471 = vector.broadcast %reduce_max3A_2436 : f32 to vector<8x128xf32>
      %max3A_2472 = arith.maximumf %squeeze3A_2422, %max3A_2471 : vector<8x128xf32>
      %sub3A_2473 = arith.subf %min3A_2470, %max3A_2472 : vector<8x128xf32>
      %add3A_2474 = arith.constant 1.000000e+00 : f32
      %add3A_2475 = vector.broadcast %add3A_2474 : f32 to vector<8x128xf32>
      %add3A_2476 = arith.addf %sub3A_2473, %add3A_2475 : vector<8x128xf32>
      %max3A_2477 = arith.constant 0.000000e+00 : f32
      %max3A_2478 = vector.broadcast %max3A_2477 : f32 to vector<8x128xf32>
      %max3A_2479 = arith.maximumf %add3A_2476, %max3A_2478 : vector<8x128xf32>
      %min3A_2480 = vector.broadcast %reduce_max3A_2460 : f32 to vector<8x128xf32>
      %min3A_2481 = arith.minimumf %squeeze3A_2428, %min3A_2480 : vector<8x128xf32>
      %max3A_2482 = vector.broadcast %reduce_max3A_2444 : f32 to vector<8x128xf32>
      %max3A_2483 = arith.maximumf %squeeze3A_2424, %max3A_2482 : vector<8x128xf32>
      %sub3A_2484 = arith.subf %min3A_2481, %max3A_2483 : vector<8x128xf32>
      %add3A_2485 = arith.constant 1.000000e+00 : f32
      %add3A_2486 = vector.broadcast %add3A_2485 : f32 to vector<8x128xf32>
      %add3A_2487 = arith.addf %sub3A_2484, %add3A_2486 : vector<8x128xf32>
      %max3A_2488 = arith.constant 0.000000e+00 : f32
      %max3A_2489 = vector.broadcast %max3A_2488 : f32 to vector<8x128xf32>
      %max3A_2490 = arith.maximumf %add3A_2487, %max3A_2489 : vector<8x128xf32>
      %mul3A_2491 = arith.mulf %max3A_2479, %max3A_2490 : vector<8x128xf32>
      %add3A_2492 = vector.broadcast %reduce_max3A_2468 : f32 to vector<8x128xf32>
      %add3A_2493 = arith.addf %get3A_2420, %add3A_2492 : vector<8x128xf32>
      %sub3A_2494 = arith.subf %add3A_2493, %mul3A_2491 : vector<8x128xf32>
      %div3A_2495 = arith.divf %mul3A_2491, %sub3A_2494 : vector<8x128xf32>
      %ge3A_2496 = arith.constant 5.000000e-01 : f32
      %ge3A_2497 = vector.broadcast %ge3A_2496 : f32 to vector<8x128xf32>
      %ge3A_2498 = arith.cmpf oge, %div3A_2495, %ge3A_2497 : vector<8x128xf32>
      %and3A_2499 = vector.broadcast %and3A_2383 : i1 to vector<8x128xi1>
      %and3A_2500 = arith.andi %and3A_2499, %ge3A_2498 : vector<8x128xi1>
      %get3A_2501 = arith.index_cast %sub3A_2368 : i32 to index
      %get3A_2502 = arith.constant 0 : index
      %get3A_2503 = arith.constant 0 : index
      %get3A_2504 = vector.load %arg13[%get3A_2501, %get3A_2502, %get3A_2503] : memref<151x8x128xf32, #tpu.memory_space<vmem>>, vector<1x8x128xf32>
      %get3A_2505 = vector.shape_cast %get3A_2504 : vector<1x8x128xf32> to vector<8x128xf32>
      %jit3A_2506 = arith.constant 0.000000e+00 : f32
      %broadcast_in_dim3A_2507 = vector.broadcast %jit3A_2506 : f32 to vector<8x128xf32>
      %select_n3A_2508 = arith.select %and3A_2500, %broadcast_in_dim3A_2507, %get3A_2505 : vector<8x128xi1>, vector<8x128xf32>
      %swap3A_2509 = arith.index_cast %sub3A_2368 : i32 to index
      %swap3A_2510 = arith.constant 0 : index
      %swap3A_2511 = arith.constant 0 : index
      %swap3A_2512 = vector.load %arg13[%swap3A_2509, %swap3A_2510, %swap3A_2511] : memref<151x8x128xf32, #tpu.memory_space<vmem>>, vector<1x8x128xf32>
      %swap3A_2513 = vector.shape_cast %swap3A_2512 : vector<1x8x128xf32> to vector<8x128xf32>
      %swap3A_2514 = vector.shape_cast %select_n3A_2508 : vector<8x128xf32> to vector<1x8x128xf32>
      tpu.vector_store %arg13[%swap3A_2509, %swap3A_2510, %swap3A_2511], %swap3A_2514 {strides = array<i32>} : memref<151x8x128xf32, #tpu.memory_space<vmem>>, vector<1x8x128xf32>,
      %add3A_2515 = arith.constant 1 : i32
      %add3A_2516 = arith.addi %while3A_107, %add3A_2515 : i32
      %convert_element_type3A_2517 = arith.extui %and3A_2383 : i1 to i32
      %add3A_2518 = arith.addi %add3A_2516, %convert_element_type3A_2517 : i32
      scf.yield %add3A_2518 : i32
    }
    %get3A_100 = arith.constant 0 : index
    %get3A_101 = arith.constant 0 : index
    %get3A_102 = vector.load %arg15[%get3A_100, %get3A_101] : memref<8x128xf32, #tpu.memory_space<vmem>>, vector<8x128xf32>
    %convert_element_type3A_103 = arith.fptosi %get3A_102 : vector<8x128xf32> to vector<8x128xi32>
    %swap3A_104 = arith.constant 0 : index
    %swap3A_105 = arith.constant 0 : index
    %swap3A_106 = vector.load %arg11[%swap3A_104, %swap3A_105] : memref<8x128xi32, #tpu.memory_space<vmem>>, vector<8x128xi32>
    tpu.vector_store %arg11[%swap3A_104, %swap3A_105], %convert_element_type3A_103 {strides = array<i32>} : memref<8x128xi32, #tpu.memory_space<vmem>>, vector<8x128xi32>,
    return
  }
}

</mosaic_0001>

<sc_bundles>
// kernel: kernel.4.cloned.1.call-start
scs
__scs_entry_jumppad:
0x0: {  	(pc) =	sbr.rel $0x88, $3  }
0x1: {  	(tag) =	ssettag $0x0;
	lr =	simm.s32 $0x1  }
0x2: {  	[smem:$0x3F97] =	sst lr;
	_ =	strace $0xD0000000  }
0x3: {  	_ = 	snop  }
0x4: {  	_ = 	snop  }
0x5: {  	_ = 	snop  }
0x6: {  	_ = 	snop  }
0x7: {  	_ = 	snop  }
__scs_overlays_trampoline_lowered:
0x8: {  	[smem:$0x3FA6] =	sst s0  }
0x9: {  	[smem:$0x3FA7] =	sst s1  }
0xa: {  	[smem:$0x3FA8] =	sst s2  }
0xb: {  	[smem:$0x3FA9] =	sst s3  }
0xc: {  	[smem:$0x3FAA] =	sst s4  }
0xd: {  	[smem:$0x3FAB] =	sst s5  }
0xe: {  	[smem:$0x3FAC] =	sst s6  }
0xf: {  	[smem:$0x3FAD] =	sst s7  }
0x10: {  	[smem:$0x3FAE] =	sst s8  }
0x11: {  	[smem:$0x3FAF] =	sst s9;
	s0 =	simm.s32 @!p0 $0x0  }
0x12: {  	s1 =	sld [smem:$0x3F95];
	s0 =	simm.s32 @p0 $0x1  }
0x13: {  	[smem:$0x3FB0] =	sst s0;
	s0 =	simm.s32 @!p1 $0x0  }
0x14: {  	s2 =	sld [smem:$0x3F94];
	s0 =	simm.s32 @p1 $0x1  }
0x15: {  	[smem:$0x3FB1] =	sst s0;
	s0 =	simm.s32 @!p2 $0x0  }
0x16: {  	s3 =	sld [smem:$0x3FDB];
	s0 =	simm.s32 @p2 $0x1  }
0x17: {  	s4 =	simm.s32 $0x1BF5;
	[smem:$0x3FB3] =	sst s0  }
0x18: {  	s0 =	sld [smem:$0x3F96];
	_ =	swait.ge [sflag:s4], $0x0  }
0x19: {  	s7 =	sld [smem:$0x3F97]  }
0x1a: {  	s8 =	sadd.s32 $0xFFFFE003, lr  }
0x1b: {  	s9 =	sadd.s32 $0xFFFFFEF7, lr;
	s5 =	simm.s32 $0xFFFFFFFF;
	p2 =	slt.u32 s8, $0xFFFFF086  }
0x1c: {  	p1 =	slt.u32 s9, $0xF7A;
	s5 =	simm.s32 @!p2 $0x0  }
0x1d: {  	s5 =	simm.s32 @p1 $0x1;
	p0 =	seq.s32 s7, s2  }
0x1e: {  	s7 =	smul.u32 @!p0 $0xF7A, s2;
	p2 =	seq.s32 @!p0 s5, $0x0  }
0x1f: {  	s9 =	smul.u32 $0xF7A, s1;
	s8 =	simm.s32 @!p0 $0x1BF5;
	p2 =	por !p2, p0  }
0x20: {  	[sflag:s8] =	ssyncset.s32 @!p0 $0xFFFFF086;
	s6 =	sadd.s32 @!p0 s3, s7;
	s7 =	simm.s32 @!p0 $0x108  }
0x21: {  	s3 =	sadd.s32 s3, s9;
	s6 =	sadd.s32 @!p0 $0x88, s6;
	s7 =	simm.s32 @p2 $0x1082  }
0x22: {  	[simem:s7], [sflag:s8] =	dma.local @!p0 [hbm:s6], $0xF7A  }
0x23: {  	s9 =	sor.u32 $0xD0000000, s2;
	s6 =	simm.s32 $0x108;
	_ =	swait.ge @!p0 [sflag:s8], $0x0  }
0x24: {  	s3 =	sadd.s32 $0x88, s3;
	s6 =	simm.s32 @!p1 $0x1082;
	[sflag:s4] =	ssyncset.s32 $0xFFFFF086  }
0x25: {  	[simem:s6], [sflag:s4] =	dma.local [hbm:s3], $0xF7A  }
0x26: {  	[smem:$0x3F97] =	sst s1;
	(tag) =	ssettag s2;
	_ =	strace s9  }
0x27: {  	s1 =	sld [smem:$0x3FA7]  }
0x28: {  	s2 =	sld [smem:$0x3FA8]  }
0x29: {  	s4 =	sld [smem:$0x3FAA]  }
0x2a: {  	p0 =	seq.s32 s5, $0x0;
	s5 =	sld [smem:$0x3FAB]  }
0x2b: {  	s6 =	sld [smem:$0x3FAC]  }
0x2c: {  	s7 =	sld [smem:$0x3FAD]  }
0x2d: {  	s3 =	simm.s32 $0x108;
	s8 =	sld [smem:$0x3FAE]  }
0x2e: {  	s3 =	simm.s32 @!p0 $0x1082;
	s9 =	sld [smem:$0x3FAF]  }
0x2f: {  	lr =	sadd.s32 s0, s3;
	s0 =	sld [smem:$0x3FA6]  }
0x30: {  	s3 =	sld [smem:$0x3FA9]  }
0x31: {  	[smem:$0x3FB2] =	sst s10  }
0x32: {  	s10 =	sld [smem:$0x3FB0];
	_ =	sdelay $0x3  }
0x33: {  	p0 =	seq.s32 s10, $0x1;
	s10 =	sld [smem:$0x3FB2];
	_ =	sdelay $0x3  }
0x34: {  	[smem:$0x3FB2] =	sst s10  }
0x35: {  	s10 =	sld [smem:$0x3FB1];
	_ =	sdelay $0x3  }
0x36: {  	p1 =	seq.s32 s10, $0x1;
	s10 =	sld [smem:$0x3FB2];
	_ =	sdelay $0x3  }
0x37: {  	[smem:$0x3FB2] =	sst s10  }
0x38: {  	s10 =	sld [smem:$0x3FB3]  }
0x39: {  	_ = 	snop;
	(pc) =	sbr.ind lr, $3  }
0x3a: {  	_ = 	snop  }
0x3b: {  	_ = 	snop  }
0x3c: {  	p2 =	seq.s32 s10, $0x1;
	s10 =	sld [smem:$0x3FB2]  }
0x3d: {  	_ =	shalt  }
0x3e: {  	_ =	shalt  }
0x3f: {  	_ =	shalt  }
0x40: {  	_ =	shalt  }
0x41: {  	_ =	shalt  }
0x42: {  	_ =	shalt  }
0x43: {  	_ =	shalt  }
0x44: {  	_ =	shalt  }
0x45: {  	_ =	shalt  }
0x46: {  	_ =	shalt  }
0x47: {  	_ =	shalt  }
0x48: {  	_ =	shalt  }
0x49: {  	_ =	shalt  }
0x4a: {  	_ =	shalt  }
0x4b: {  	_ =	shalt  }
0x4c: {  	_ =	shalt  }
0x4d: {  	_ =	shalt  }
0x4e: {  	_ =	shalt  }
0x4f: {  	_ =	shalt  }
0x50: {  	_ =	shalt  }
0x51: {  	_ =	shalt  }
0x52: {  	_ =	shalt  }
0x53: {  	_ =	shalt  }
0x54: {  	_ =	shalt  }
0x55: {  	_ =	shalt  }
0x56: {  	_ =	shalt  }
0x57: {  	_ =	shalt  }
0x58: {  	_ =	shalt  }
0x59: {  	_ =	shalt  }
0x5a: {  	_ =	shalt  }
0x5b: {  	_ =	shalt  }
0x5c: {  	_ =	shalt  }
0x5d: {  	_ =	shalt  }
0x5e: {  	_ =	shalt  }
0x5f: {  	_ =	shalt  }
0x60: {  	_ =	shalt  }
0x61: {  	_ =	shalt  }
0x62: {  	_ =	shalt  }
0x63: {  	_ =	shalt  }
0x64: {  	_ =	shalt  }
0x65: {  	_ =	shalt  }
0x66: {  	_ =	shalt  }
0x67: {  	_ =	shalt  }
0x68: {  	_ =	shalt  }
0x69: {  	_ =	shalt  }
0x6a: {  	_ =	shalt  }
0x6b: {  	_ =	shalt  }
0x6c: {  	_ =	shalt  }
0x6d: {  	_ =	shalt  }
0x6e: {  	_ =	shalt  }
0x6f: {  	_ =	shalt  }
0x70: {  	_ =	shalt  }
0x71: {  	_ =	shalt  }
0x72: {  	_ =	shalt  }
0x73: {  	_ =	shalt  }
0x74: {  	_ =	shalt  }
0x75: {  	_ =	shalt  }
0x76: {  	_ =	shalt  }
0x77: {  	_ =	shalt  }
0x78: {  	_ =	shalt  }
0x79: {  	_ =	shalt  }
0x7a: {  	_ =	shalt  }
0x7b: {  	_ =	shalt  }
0x7c: {  	_ =	shalt  }
0x7d: {  	_ =	shalt  }
0x7e: {  	_ =	shalt  }
0x7f: {  	_ =	shalt  }
0x80: {  	_ =	shalt  }
0x81: {  	_ =	shalt  }
0x82: {  	_ =	shalt  }
0x83: {  	_ =	shalt  }
0x84: {  	_ =	shalt  }
0x85: {  	_ =	shalt  }
0x86: {  	_ =	shalt  }
0x87: {  	_ =	shalt  }
.Lfunc_end0:
.L_simem_size_0:
called_computation_lowered:
.L_overlay_start_0:
0x88: {  	s2 =	sld [smem:$0x3FD9]  }
0x89: {  	s3 =	sld [smem:$0x3FFE];
	_ =	sdelay $0x1  }
0x8a: {  	s1 =	srdreg.scid  }
0x8b: {  	s0 =	sand.u32 $0x1, s1  }
0x8c: {  	s14 =	sshll.u32 s0, $0xA;
	s2 =	sadd.s32 s3, s2  }
0x8d: {  	s2 =	sadd.s32 s2, s14  }
0x8e: {  	[smem:$0x3FBE] =	sst s2  }
0x8f: {  	_ = 	snop  }
0x90: {  	s2 =	sld [smem:$0x3FD0];
	_ =	sdelay $0x2  }
0x91: {  	s15 =	simm.s32 $0xA;
	s4 =	simm.s32 $0x10  }
0x92: {  	[smem:s4], [sflag:s15] =	dma.local [hbm:s2], $0x1  }
0x93: {  	_ =	swait.eq [sflag:s15], $0x1  }
0x94: {  	[sflag:s15] =	ssyncset.done $0x0  }
0x95: {  	s16 =	sld [smem:$0x11];
	[sflag:s15] =	ssyncadd.s32 $0xFFFFFFFF  }
0x96: {  	s17 =	sld [smem:$0x12];
	(tm) =	ssettm $0x1  }
0x97: {  	s18 =	sld [smem:$0x3FFB];
	_ =	sdelay $0x3  }
0x98: {  	_ =	strace s18  }
0x99: {  	s4 =	sld [smem:$0x3FFC];
	_ =	sdelay $0x3  }
0x9a: {  	_ =	strace s4  }
0x9b: {  	s4 =	sld [smem:$0x3FFD];
	_ =	sdelay $0x3  }
0x9c: {  	_ =	strace s4  }
0x9d: {  	_ =	strace $0x8FFFFFFF  }
0x9e: {  	s19 =	sld [smem:$0x3FDB];
	_ =	sdelay $0x1  }
0x9f: {  	s5 =	simm.s32 $_scs_section_size  }
0xa0: {  	s6 =	simm.s32 $_size__tile_overlayer_lowered;
	s7 =	simm.s32 $_tile_overlayer_lowered  }
0xa1: {  	s22 =	simm.s32 $0x1BFF;
	s21 =	sshll.u32 s7, $0x1;
	s4 =	sadd.s32 s5, s19  }
0xa2: {  	s8 =	simm.s32 $0x0;
	s20 =	sshll.u32 s6, $0x1;
	s6 =	sadd.s32 s21, s4  }
0xa3: {  	[timem:s8], [sflag:s22] =	dma.local [hbm:s6], s20  }
0xa4: {  	_ =	swait.ge [sflag:s22], s20  }
0xa5: {  	s5 =	ssub.s32 $0x0, s20;
	[sflag:s22] =	ssyncset.done $0x0  }
0xa6: {  	[sflag:s22] =	ssyncadd.s32 s5;
	_ =	sdelay $0x1  }
0xa7: {  	s23 =	simm.s32 $0x1B8B  }
0xa8: {  	_ =	swait.ge [sflag:s23], $0x1  }
0xa9: {  	[sflag:s23] =	ssyncset.done $0x0  }
0xaa: {  	s25 =	simm.s32 $0x1B8E;
	s24 =	sld [smem:$0x3FFE];
	[sflag:s23] =	ssyncadd.s32 $0xFFFFFFFF  }
0xab: {  	s26 =	simm.s32 $execute0_lowered;
	[smem:$0x3FD2] =	sst s25  }
0xac: {  	s6 =	sshll.u32 s26, $0x1;
	_ =	strace $0x80000046;
	[dreg:$0x1] =	wrdreg $0xFFFFFFFF  }
0xad: {  	s28 =	simm.s32 $_size_execute0_lowered;
	s4 =	sadd.s32 s4, s6;
	[dreg:$0x0] =	wrdreg $0x0  }
0xae: {  	s6 =	sshll.u32 s28, $0x1;
	[dreg:$0x2] =	wrdreg s4  }
0xaf: {  	[dreg:$0x3] =	wrdreg s6  }
0xb0: {  	[dreg:$0x4] =	wrdreg $0xC0  }
0xb1: {  	_ =	task [dreg:s8], $0x5FFFF  }
0xb2: {  	[dreg:$0x1] =	wrdreg $0xFFFFFFFF  }
0xb3: {  	[dreg:$0x0] =	wrdreg $0x60  }
0xb4: {  	[dreg:$0x2] =	wrdreg s24  }
0xb5: {  	[dreg:$0x3] =	wrdreg s16  }
0xb6: {  	[dreg:$0x4] =	wrdreg s17  }
0xb7: {  	[dreg:$0x5] =	wrdreg $0x9  }
0xb8: {  	_ =	task.clear_ibuf [dreg:s8], $0x6FFFF;
	_ =	strace $0x90000046  }
0xb9: {  	s29 =	simm.s32 $0x9;
	_ =	strace $0x80000048  }
0xba: {  	_ =	swait.ge [sflag:s29], $0x1  }
0xbb: {  	[sflag:s29] =	ssyncadd.s32 $0xFFFFFFFF  }
0xbc: {  	_ =	strace $0x90000048  }
0xbd: {  	_ =	sfence  }
0xbe: {  	s30 =	sld [smem:$0x0];
	_ =	sdelay $0x2  }
0xbf: {  	s31 =	sshll.u32 s1, $0xD;
	s1 =	sshrl.u32 s1, $0x2  }
0xc0: {  	s3 =	sand.u32 $0x4000, s31;
	s1 =	sadd.s32 s1, s30  }
0xc1: {  	s0 =	sor.u32 s3, s0;
	s1 =	sshll.u32 s1, $0x11  }
0xc2: {  	s0 =	sor.u32 s1, s0  }
0xc3: {  	s0 =	sadd.s32 $0x8F2B, s0  }
0xc4: {  	[sflag:s0] =	ssyncadd.remote.s32 $0x1  }
0xc5: {  	_ =	sfence.sel $0xFFFF  }
0xc6: {  	[dreg:$0x0] =	wrdreg $0xFFFFFFFF;
	(pc) =	sbr.abs _section_cstart, $3  }
0xc7: {  	[dreg:$0x1] =	wrdreg $0xFFFFFFFF  }
0xc8: {  	_ =	task.clear_ibuf [dreg:s8], $0x2FFFF;
	_ =	strace $0x9FFFFFFF  }
0xc9: {  	(tm) =	ssettm $0x7FFFFFFF  }
tec
execute0_lowered:
.L_overlay_start_1:
0x0: {  	(tag) =	ssettag $0x1  }
0x1: {  	s6 =	rddreg [dreg:$0x0]  }
0x2: {  	s1 =	srdreg.scid;
	s7 =	rddreg [dreg:$0x1]  }
0x3: {  	s0 =	stileid.u32;
	s2 =	rddreg [dreg:$0x2];
	s3 =	simm.s32 $0x0  }
0x4: {  	s13 =	simm.s32 $0x100;
	s14 =	simm.s32 $0x8580;
	s15 =	simm.s32 $0x4580  }
0x5: {  	s16 =	simm.s32 $0x500;
	s17 =	simm.s32 $0x580;
	s18 =	simm.s32 $0x1  }
0x6: {  	s19 =	simm.s32 $0x0;
	s5 =	sand.u32 $0x1, s1;
	s1 =	rddreg [dreg:$0x3]  }
0x7: {  	s4 =	sshll.u32 s0, $0x8;
	[smem:$0x7FF] =	sst s3;
	s8 =	sshll.u32 s5, $0x7  }
0x8: {  	_ =	strace $0x80000047;
	s11 =	ssub.s32 $0x2, s5;
	s5 =	sadd.s32 $0x6BC00, s6  }
0x9: {  	s8 =	sor.u32 s8, s4;
	s4 =	sadd.s32 $0x2A00, s6;
	s31 =	sshrl.u32 s11, $0x1  }
0xa: {  	s9 =	sshrl.u32 s8, $0x3;
	s8 =	sshll.u32 s8, $0x4;
	s11 =	ssub.s32 s11, s31  }
0xb: {  	s10 =	sadd.s32 s9, s6;
	s12 =	sadd.s32 s8, s6;
	s7 =	sadd.s32 s7, s9  }
0xc: {  	s6 =	sadd.s32 $0x2800, s10;
	s8 =	sadd.s32 $0x5BC00, s12;
	s9 =	sadd.s32 $0x6BE00, s12  }
0xd: {  	s10 =	smax.u32 s11, $0x1;
	s11 =	simm.s32 $0x2;
	s12 =	simm.s32 $0x80  }
.LBB2_1:
0xe: {  	[tilespmem:s3], [sflag:$0x2] =	stream.linear.gather [hbm4b:s6+s3], $0x80, $0x38;
	[tilespmem:$0x8600] =	vst v63  }
0xf: {  	_ =	swait.ge [sflag:s11], $0x80  }
0x10: {  	[sflag:s11] =	ssyncset.done $0x0  }
0x11: {  	[sflag:s11] =	ssyncadd.s32 $0xFFFFFF80  }
0x12: {  	[tilespmem:s12], [sflag:$0x2] =	stream.linear.gather [hbm4b:s7+s3], $0x80, $0x38;
	[tilespmem:$0x8600] =	vst v63  }
0x13: {  	_ =	swait.ge [sflag:s11], $0x80  }
0x14: {  	[sflag:s11] =	ssyncset.done $0x0  }
0x15: {  	[sflag:s11] =	ssyncadd.s32 $0xFFFFFF80  }
0x16: {  	[tilespmem:s13], [sflag:$0x2] =	stream.linear.gather [hbm4b:s2+s3], $0x400, $0x38;
	[tilespmem:$0x8600] =	vst v63  }
0x17: {  	_ =	swait.ge [sflag:s11], $0x400  }
0x18: {  	[sflag:s11] =	ssyncset.done $0x0  }
0x19: {  	[sflag:s11] =	ssyncadd.s32 $0xFFFFFC00  }
0x1a: {  	[tilespmem:s14], [sflag:$0x2] =	stream.linear.gather [hbm4b:s5+s3], $0x80, $0x38;
	[tilespmem:$0x8600] =	vst v63  }
0x1b: {  	_ =	swait.ge [sflag:s11], $0x80  }
0x1c: {  	[sflag:s11] =	ssyncset.done $0x0  }
0x1d: {  	[sflag:s11] =	ssyncadd.s32 $0xFFFFFF80  }
0x1e: {  	[tilespmem:s15], [sflag:$0x2] =	stream.linear.gather [hbm4b:s8+s3], $0x4000, $0x38;
	[tilespmem:$0x8600] =	vst v63  }
0x1f: {  	_ =	swait.ge [sflag:s11], $0x4000  }
0x20: {  	[sflag:s11] =	ssyncset.done $0x0  }
0x21: {  	[sflag:s11] =	ssyncadd.s32 $0xFFFFC000  }
0x22: {  	v0 =	vld [tilespmem:$0x0];
	_ =	sdelay $0x1  }
0x23: {  	v1 =	vld [tilespmem:$0x80];
	_ =	sdelay $0x5  }
0x24: {  	v0 =	vld.idx.msk [tilespmem:v0+s13+$0x0], $0xffff  }
0x25: {  	v2 =	vld [tilespmem:$0x10]  }
0x26: {  	v1 =	vld.idx.msk [tilespmem:v1+s13+$0x0], $0xffff  }
0x27: {  	v3 =	vld [tilespmem:$0x90];
	_ =	sdelay $0x1  }
0x28: {  	v0 =	vmul.u32 $0x97, v0;
	_ =	sdelay $0x1  }
0x29: {  	v0 =	vadd.s32 v1, v0  }
0x2a: {  	[tilespmem:$0x500] =	vst v0  }
0x2b: {  	v0 =	vld.idx.msk [tilespmem:v2+s13+$0x0], $0xffff  }
0x2c: {  	v1 =	vld [tilespmem:$0x20]  }
0x2d: {  	v2 =	vld.idx.msk [tilespmem:v3+s13+$0x0], $0xffff  }
0x2e: {  	v3 =	vld [tilespmem:$0xA0];
	_ =	sdelay $0x1  }
0x2f: {  	v0 =	vmul.u32 $0x97, v0;
	_ =	sdelay $0x1  }
0x30: {  	v0 =	vadd.s32 v2, v0  }
0x31: {  	[tilespmem:$0x510] =	vst v0  }
0x32: {  	v0 =	vld.idx.msk [tilespmem:v1+s13+$0x0], $0xffff  }
0x33: {  	v1 =	vld [tilespmem:$0x30]  }
0x34: {  	v2 =	vld.idx.msk [tilespmem:v3+s13+$0x0], $0xffff  }
0x35: {  	v3 =	vld [tilespmem:$0xB0];
	_ =	sdelay $0x1  }
0x36: {  	v0 =	vmul.u32 $0x97, v0;
	_ =	sdelay $0x1  }
0x37: {  	v0 =	vadd.s32 v2, v0  }
0x38: {  	[tilespmem:$0x520] =	vst v0  }
0x39: {  	v0 =	vld.idx.msk [tilespmem:v1+s13+$0x0], $0xffff  }
0x3a: {  	v1 =	vld [tilespmem:$0x40]  }
0x3b: {  	v2 =	vld.idx.msk [tilespmem:v3+s13+$0x0], $0xffff  }
0x3c: {  	v3 =	vld [tilespmem:$0xC0];
	_ =	sdelay $0x1  }
0x3d: {  	v0 =	vmul.u32 $0x97, v0;
	_ =	sdelay $0x1  }
0x3e: {  	v0 =	vadd.s32 v2, v0  }
0x3f: {  	[tilespmem:$0x530] =	vst v0  }
0x40: {  	v0 =	vld.idx.msk [tilespmem:v1+s13+$0x0], $0xffff  }
0x41: {  	v1 =	vld [tilespmem:$0x50]  }
0x42: {  	v2 =	vld.idx.msk [tilespmem:v3+s13+$0x0], $0xffff  }
0x43: {  	v3 =	vld [tilespmem:$0xD0];
	_ =	sdelay $0x1  }
0x44: {  	v0 =	vmul.u32 $0x97, v0;
	_ =	sdelay $0x1  }
0x45: {  	v0 =	vadd.s32 v2, v0  }
0x46: {  	[tilespmem:$0x540] =	vst v0  }
0x47: {  	v0 =	vld.idx.msk [tilespmem:v1+s13+$0x0], $0xffff  }
0x48: {  	v1 =	vld [tilespmem:$0x60]  }
0x49: {  	v2 =	vld.idx.msk [tilespmem:v3+s13+$0x0], $0xffff  }
0x4a: {  	v3 =	vld [tilespmem:$0xE0];
	_ =	sdelay $0x1  }
0x4b: {  	v0 =	vmul.u32 $0x97, v0;
	_ =	sdelay $0x1  }
0x4c: {  	v0 =	vadd.s32 v2, v0  }
0x4d: {  	[tilespmem:$0x550] =	vst v0  }
0x4e: {  	v0 =	vld.idx.msk [tilespmem:v1+s13+$0x0], $0xffff  }
0x4f: {  	v1 =	vld [tilespmem:$0x70]  }
0x50: {  	v2 =	vld.idx.msk [tilespmem:v3+s13+$0x0], $0xffff  }
0x51: {  	v3 =	vld [tilespmem:$0xF0];
	_ =	sdelay $0x1  }
0x52: {  	v0 =	vmul.u32 $0x97, v0;
	_ =	sdelay $0x1  }
0x53: {  	v0 =	vadd.s32 v2, v0  }
0x54: {  	[tilespmem:$0x560] =	vst v0  }
0x55: {  	v0 =	vld.idx.msk [tilespmem:v1+s13+$0x0], $0xffff;
	_ =	sdelay $0x1  }
0x56: {  	v1 =	vld.idx.msk [tilespmem:v3+s13+$0x0], $0xffff;
	_ =	sdelay $0x2  }
0x57: {  	v0 =	vmul.u32 $0x97, v0;
	_ =	sdelay $0x1  }
0x58: {  	v0 =	vadd.s32 v1, v0  }
0x59: {  	[tilespmem:$0x570] =	vst v0  }
0x5a: {  	[tilespmem:s17], [sflag:$0x1] =	stream.indirect.gather [hbm4b:s4+s12], $0x80, s16, s12, $0xb8;
	[tilespmem:$0x8600] =	vst v63  }
0x5b: {  	_ =	swait.ge [sflag:s18], $0x4000  }
0x5c: {  	[sflag:s18] =	ssyncset.done $0x0  }
0x5d: {  	[sflag:s18] =	ssyncadd.s32 $0xFFFFC000  }
0x5e: {  	s20 =	simm.s32 $0x0;
	v0 =	vld [tilespmem:$0x8580]  }
0x5f: {  	v7 =	vld [tilespmem:s20+$0x580]  }
0x60: {  	v12 =	vld [tilespmem:s20+$0x590]  }
0x61: {  	v6 =	vld [tilespmem:s20+$0x5A0]  }
0x62: {  	v5 =	vld [tilespmem:s20+$0x5B0]  }
0x63: {  	v4 =	vld [tilespmem:s20+$0x5C0]  }
0x64: {  	v3 =	vld [tilespmem:s20+$0x5D0]  }
0x65: {  	v2 =	vld [tilespmem:s20+$0x5E0]  }
0x66: {  	v1 =	vld [tilespmem:s20+$0x5F0]  }
0x67: {  	v11 =	vld [tilespmem:s20+$0x4580]  }
0x68: {  	v10 =	vld [tilespmem:s20+$0x4590]  }
0x69: {  	v9 =	vld [tilespmem:s20+$0x45A0]  }
0x6a: {  	v8 =	vld [tilespmem:s20+$0x45B0];
	v13 =	vmul.f32 v7, v0  }
0x6b: {  	s21 =	simm.s32 $0x200;
	v12 =	vmul.f32 v12, v0;
	v7 =	vld [tilespmem:s20+$0x45C0]  }
.LBB2_2:
0x6c: {  	p0 =	sne.s32 s21, $0xFE00;
	v11 =	vadd.f32 v13, v11;
	v6 =	vmul.f32 v6, v0;
	v13 =	vld [tilespmem:s20+$0x45D0]  }
0x6d: {  	v5 =	vmul.f32 v5, v0;
	v10 =	vadd.f32 v12, v10;
	v12 =	vld [tilespmem:s20+$0x45E0]  }
0x6e: {  	s22 =	sshra.s32 s21, $0x2;
	v4 =	vmul.f32 v4, v0;
	[tilespmem:s20+$0x4580] =	vst v11;
	v6 =	vadd.f32 v6, v9;
	v9 =	vld [tilespmem:s20+$0x45F0]  }
0x6f: {  	v3 =	vmul.f32 v3, v0;
	v14 =	vld [tilespmem:s22+$0x580];
	[tilespmem:s20+$0x4590] =	vst v10;
	v5 =	vadd.f32 v5, v8  }
0x70: {  	v2 =	vmul.f32 v2, v0;
	v15 =	vld [tilespmem:s22+$0x590];
	[tilespmem:s20+$0x45A0] =	vst v6;
	v4 =	vadd.f32 v4, v7  }
0x71: {  	v1 =	vmul.f32 v1, v0;
	v6 =	vld [tilespmem:s22+$0x5A0];
	[tilespmem:s20+$0x45B0] =	vst v5;
	v3 =	vadd.f32 v3, v13  }
0x72: {  	v5 =	vld [tilespmem:s22+$0x5B0];
	[tilespmem:s20+$0x45C0] =	vst v4;
	v2 =	vadd.f32 v2, v12  }
0x73: {  	v4 =	vld [tilespmem:s22+$0x5C0];
	[tilespmem:s20+$0x45D0] =	vst v3;
	v1 =	vadd.f32 v1, v9  }
0x74: {  	v3 =	vld [tilespmem:s22+$0x5D0];
	[tilespmem:s20+$0x45E0] =	vst v2  }
0x75: {  	v2 =	vld [tilespmem:s22+$0x5E0];
	[tilespmem:s20+$0x45F0] =	vst v1;
	s20 =	smov.u32 s22  }
0x76: {  	v1 =	vld [tilespmem:s20+$0x5F0]  }
.Ltmp0:
0x77: {  	v11 =	vld [tilespmem:s20+$0x4580];
	(pc) =	sbr.rel @p0 .LBB2_2-.Ltmp0, $4  }
0x78: {  	v10 =	vld [tilespmem:s20+$0x4590]  }
0x79: {  	v9 =	vld [tilespmem:s20+$0x45A0]  }
0x7a: {  	v13 =	vmul.f32 v14, v0;
	v8 =	vld [tilespmem:s20+$0x45B0]  }
0x7b: {  	s21 =	sadd.s32 $0x200, s21;
	v12 =	vmul.f32 v15, v0;
	v7 =	vld [tilespmem:s20+$0x45C0]  }
0x7c: {  	v11 =	vadd.f32 v13, v11;
	v60 =	vld [tilespmem:s20+$0x45D0];
	v6 =	vmul.f32 v6, v0  }
0x7d: {  	v14 =	vld [tilespmem:s20+$0x45E0];
	v5 =	vmul.f32 v5, v0;
	v10 =	vadd.f32 v12, v10  }
0x7e: {  	v4 =	vmul.f32 v4, v0;
	v61 =	vld [tilespmem:s20+$0x45F0];
	[tilespmem:s20+$0x4580] =	vst v11;
	v6 =	vadd.f32 v6, v9  }
0x7f: {  	v3 =	vmul.f32 v3, v0;
	[tilespmem:s20+$0x4590] =	vst v10;
	v5 =	vadd.f32 v5, v8  }
0x80: {  	v2 =	vmul.f32 v2, v0;
	[tilespmem:s20+$0x45A0] =	vst v6;
	v4 =	vadd.f32 v4, v7  }
0x81: {  	v62 =	vmul.f32 v1, v0;
	[tilespmem:s20+$0x45B0] =	vst v5;
	v3 =	vadd.f32 v3, v60  }
0x82: {  	v63 =	vadd.f32 v2, v14;
	[tilespmem:s20+$0x45C0] =	vst v4  }
0x83: {  	s19 =	sadd.s32 $0x1, s19;
	v0 =	vadd.f32 v62, v61;
	[tilespmem:s20+$0x45D0] =	vst v3  }
0x84: {  	p0 =	sne.s32 s19, s10;
	[tilespmem:s20+$0x45E0] =	vst v63  }
.Ltmp1:
0x85: {  	[tilespmem:s20+$0x45F0] =	vst v0;
	(pc) =	sbr.rel @p0 .LBB2_1-.Ltmp1, $4  }
0x86: {  	[hbm4b:s9+s3] =	stream.linear.scatter [tilespmem:s15], [sflag:$0x2], $0x4000, $0x38;
	[tilespmem:$0x8600] =	vst v63  }
0x87: {  	_ =	swait.ge [sflag:s11], $0x4000  }
0x88: {  	[sflag:s11] =	ssyncset.done $0x0  }
0x89: {  	[sflag:s11] =	ssyncadd.s32 $0xFFFFC000  }
0x8a: {  	_ =	sfence.sel $0x180000  }
0x8b: {  	[bflag:$0x0] =	sbarrier.arrive $0xFFFF  }
0x8c: {  	p0 =	sne.s32 s0, $0x0;
	_ =	strace $0x90000047  }
0x8d: {  	s0 =	sadd.s32 @!p0 $0x100000, s1;
	[bflag:$0x2] =	sbarrier.arrive $0xFFFF  }
0x8e: {  	[sflag:s0] =	ssyncadd.tile.s32 @!p0 $0x1;
	_ =	shalt  }
.Lfunc_end2:
_tile_overlayer_lowered:
.L_overlay_start_2:
0x8f: {  	(tag) =	ssettag $0x2  }
0x90: {  	s0 =	rddreg [dreg:$0x0];
	s2 =	stileid.u32  }
0x91: {  	s1 =	rddreg [dreg:$0x1];
	p0 =	sne.s32 s2, $0x0  }
0x92: {  	s3 =	rddreg [dreg:$0x2];
	[bflag:$0x3] =	sbarrier.arrive $0xFFFF;
	s2 =	simm.s32 @!p0 $0x1C02  }
0x93: {  	[timem:s3], [sflag:s2] =	dma.local @!p0 [hbm:s0], s1  }
0x94: {  	s0 =	simm.s32 @!p0 $0x2  }
0x95: {  	_ =	swait.ge @!p0 [sflag:s0], s1  }
0x96: {  	s1 =	ssub.s32 @!p0 $0x0, s1;
	[sflag:s0] =	ssyncset.done @!p0 $0x0  }
0x97: {  	[sflag:s0] =	ssyncadd.s32 @!p0 s1  }
0x98: {  	[bflag:$0x3] =	sbarrier.arrive $0xFFFF  }
0x99: {  	_ =	shalt  }

</sc_bundles>
